<compile_context>
chip_gen: v7x
topology: tpu7x:2x2x1
jax: 0.10.2.dev20260603
libtpu: 0.0.44.dev20260713+nightly
codegen_flags: <defaults>
</compile_context>

<pallas_src>
import functools

import jax
import jax.numpy as jnp
from jax import lax
from jax.experimental import pallas as pl
from jax.experimental.pallas import tpu as pltpu
from jax.experimental.pallas import tpu_sc as plsc

_SHAPE = (4096, 11008)
_NUMEL = _SHAPE[0] * _SHAPE[1]
_K = 1000000

_NC = 2
_NS = 16
_NW = _NC * _NS
_CH = 32768
_NCHUNK = _NUMEL // _CH
_CPW = _NCHUNK // _NW
_NBUF = 3
_NIT = (_CPW - 1) // _NBUF
_LB = 1024
_KSEG = _K // _LB
_KREM = _K - _KSEG * _LB
_NBLK = _K // 8

_mesh = plsc.VectorSubcoreMesh(core_axis_name="c", subcore_axis_name="s")


@functools.partial(
    pl.kernel,
    out_type=jax.ShapeDtypeStruct((_NUMEL,), jnp.float32),
    mesh=_mesh,
    compiler_params=pltpu.CompilerParams(needs_layout_passes=False),
    scratch_types=(
        [pltpu.VMEM((_CH,), jnp.float32) for _ in range(_NBUF)]
        + [pltpu.VMEM((2 * _LB,), jnp.int32),
           pltpu.VMEM((2 * _LB,), jnp.float32),
           pltpu.VMEM((16,), jnp.int32)]
        + [pltpu.SemaphoreType.DMA for _ in range(2 * _NBUF + 2)]
    ),
)
def _scatter_merge(tensor_hbm, idx_hbm, val_hbm, out_hbm, *refs):
    bufs = refs[0:_NBUF]
    ib = refs[_NBUF]
    vb = refs[_NBUF + 1]
    tmp = refs[_NBUF + 2]
    lsem = refs[_NBUF + 3:2 * _NBUF + 3]
    ssem = refs[2 * _NBUF + 3:3 * _NBUF + 3]
    gsem = refs[3 * _NBUF + 3:3 * _NBUF + 5]

    wid = lax.axis_index("s") * _NC + lax.axis_index("c")

    def dense_load_desc(c, slot):
        base = (wid * _CPW + c) * _CH
        return pltpu.make_async_copy(
            tensor_hbm.at[pl.ds(base, _CH)], bufs[slot], lsem[slot])

    def dense_store_desc(c, slot):
        base = (wid * _CPW + c) * _CH
        return pltpu.make_async_copy(
            bufs[slot], out_hbm.at[pl.ds(base, _CH)], ssem[slot])

    def seg_descs(k, par):
        return (
            pltpu.make_async_copy(
                idx_hbm.at[pl.ds(k * _LB, _LB)],
                ib.at[pl.ds(par * _LB, _LB)], gsem[par]),
            pltpu.make_async_copy(
                val_hbm.at[pl.ds(k * _LB, _LB)],
                vb.at[pl.ds(par * _LB, _LB)], gsem[par]),
        )

    _kpar = _KSEG % 2

    def seg_descs_last():
        return (
            pltpu.make_async_copy(
                idx_hbm.at[pl.ds(_KSEG * _LB, _KREM)],
                ib.at[pl.ds(_kpar * _LB, _KREM)], gsem[_kpar]),
            pltpu.make_async_copy(
                val_hbm.at[pl.ds(_KSEG * _LB, _KREM)],
                vb.at[pl.ds(_kpar * _LB, _KREM)], gsem[_kpar]),
        )

    def issue_seg(k):
        for par in range(2):
            @pl.when(jnp.logical_and(k % 2 == par, k < _KSEG))
            def _():
                for d in seg_descs(k, par):
                    d.start()

        @pl.when(k == _KSEG)
        def _():
            for d in seg_descs_last():
                d.start()

    def wait_seg(k):
        for par in range(2):
            @pl.when(jnp.logical_and(k % 2 == par, k < _KSEG))
            def _():
                for d in seg_descs(k, par):
                    d.wait()

        @pl.when(k == _KSEG)
        def _():
            for d in seg_descs_last():
                d.wait()

    tbase = wid * (_CPW * _CH)

    def bisect_body(_, st):
        lo, hi = st
        mid = (lo + hi) // 2
        pltpu.sync_copy(idx_hbm.at[pl.ds(mid * 8, 16)], tmp)
        v0 = tmp[pl.ds(0, 16)][0]
        ge = v0 >= tbase
        return jnp.where(ge, lo, mid), jnp.where(ge, mid, hi)

    _, blk = lax.fori_loop(0, 17, bisect_body,
                           (jnp.int32(0), jnp.int32(_NBLK - 1)))
    wstart = jnp.maximum(blk - 1, 0) * 8
    pltpu.sync_copy(idx_hbm.at[pl.ds(wstart, 16)], tmp)
    win = tmp[pl.ds(0, 16)]
    p0 = wstart + plsc.all_reduce_population_count(win < tbase)[0]
    k0 = p0 // _LB

    issue_seg(k0)
    issue_seg(k0 + 1)
    wait_seg(k0)

    def walk(c, slot, p, k):
        base = (wid * _CPW + c) * _CH
        chunk_end = base + _CH
        dbuf = bufs[slot]

        def cond(st):
            return jnp.logical_not(st[2])

        def body(st):
            p, k, _ = st
            kp = p // _LB

            @pl.when(kp > k)
            def _():
                wait_seg(kp)
                issue_seg(kp + 1)

            k = jnp.maximum(k, kp)
            ab = (p // 16) * 16
            go = ab % (2 * _LB)
            iv = ib[pl.ds(go, 16)]
            vv = vb[pl.ds(go, 16)]
            lane = lax.iota(jnp.int32, 16)
            pos = ab + lane
            m = (pos >= p) & (pos < _K) & (iv < chunk_end)
            liv = jnp.where(m, iv - base, 0)
            plsc.addupdate_scatter(dbuf, [liv], vv, mask=m)
            nc = plsc.all_reduce_population_count(m)[0]
            done = nc < 16 - (p - ab)
            return p + nc, k, done

        p, k, _ = lax.while_loop(cond, body, (p, k, jnp.bool_(False)))
        return p, k

    dense_load_desc(0, 0).start()

    def ring_iter(it, st):
        p, k = st
        for b in range(_NBUF):
            c = it * _NBUF + b

            @pl.when(c >= 2)
            def _():
                dense_store_desc(c - 2, (b - 2) % _NBUF).wait()

            dense_load_desc(c + 1, (b + 1) % _NBUF).start()
            dense_load_desc(c, b).wait()
            p, k = walk(c, b, p, k)
            dense_store_desc(c, b).start()
        return p, k

    p, k = lax.fori_loop(0, _NIT, ring_iter, (p0, k0))

    cl = _CPW - 1
    dense_load_desc(cl, 0).wait()
    p, k = walk(cl, 0, p, k)
    dense_store_desc(cl, 0).start()
    wait_seg(k + 1)
    dense_store_desc(cl - 2, 1).wait()
    dense_store_desc(cl - 1, 2).wait()
    dense_store_desc(cl, 0).wait()


def kernel(tensor, values, indices):
    flat = tensor.reshape(-1)
    values = values.astype(jnp.float32)
    out = _scatter_merge(flat, indices, values)
    return out.reshape(_SHAPE)

# --- scband reference (transcript-rebuilt; emitter-appended) ---
"""Pipeline reference for scband-sparse-delta-30743375904778 (READ-ONLY COPY).

The authoritative reference and input builder live on the scoring server;
editing this copy changes nothing except your own understanding.
"""

import jax, jax.numpy as jnp
import numpy as np

K = 1000000
SHAPE = (4096, 11008)
NUMEL = SHAPE[0] * SHAPE[1]  # 45,088,768 < 2**31 -> int32 indices, matching original


def setup_inputs(seed: int = 0) -> dict:
    key = jax.random.key(seed)
    k1, k2, k3 = jax.random.split(key, 3)
    # dense target tensor the sparse delta is merged into (e.g. a 7B-class FFN weight)
    tensor = jax.random.normal(k1, SHAPE, dtype=jnp.float32)
    # learned sparse delta values (nn.Parameter; init'd zeros in the module, randomized here
    # so the scatter is non-trivial)
    values = jax.random.normal(k2, (K,), dtype=jnp.float32) * 0.02
    # sorted flat indices into tensor.view(-1); original uses a random subset via topk of
    # random scores, then sorts. sorted randint is the faithful access pattern for the
    # scatter (duplicates reduce via 'sum', same semantics as scatter_reduce_('sum')).
    indices = jnp.sort(jax.random.randint(k3, (K,), 0, NUMEL, dtype=jnp.int32))
    return {"tensor": tensor, "values": values, "indices": indices}


def reference(tensor, values, indices):
    # SparseDelta.merge: target.view(-1).scatter_reduce_(0, indices, values, 'sum', include_self=True)
    if tensor.shape != SHAPE:
        raise ValueError(f"SparseDelta has shape {SHAPE}, but is being applied to tensor of shape {tensor.shape}.")
    values = values.astype(tensor.dtype)
    flat = tensor.reshape(-1)
    flat = flat.at[indices].add(values)
    return flat.reshape(SHAPE)

if __name__ == "__main__":
    import jax
    _d = setup_inputs()
    print(jax.jit(kernel)(*tuple(_d.values())))

</pallas_src>

<mosaic_0001>
#map = affine_map<(d0, d1) -> (0)>
module attributes {stable_mosaic.version = 14 : i64} {
  func.func @_scatter_merge(%arg0: i32, %arg1: i32, %arg2: memref<45088768xf32, #tpu.memory_space<hbm>>, %arg3: memref<1000000xi32, #tpu.memory_space<hbm>>, %arg4: memref<1000000xf32, #tpu.memory_space<hbm>>, %arg5: memref<45088768xf32, #tpu.memory_space<hbm>>, %arg6: memref<32768xf32, #tpu.memory_space<vmem>>, %arg7: memref<32768xf32, #tpu.memory_space<vmem>>, %arg8: memref<32768xf32, #tpu.memory_space<vmem>>, %arg9: memref<2048xi32, #tpu.memory_space<vmem>>, %arg10: memref<2048xf32, #tpu.memory_space<vmem>>, %arg11: memref<16xi32, #tpu.memory_space<vmem>>, %arg12: memref<!tpu.dma_semaphore, #tpu.memory_space<semaphore_mem>>, %arg13: memref<!tpu.dma_semaphore, #tpu.memory_space<semaphore_mem>>, %arg14: memref<!tpu.dma_semaphore, #tpu.memory_space<semaphore_mem>>, %arg15: memref<!tpu.dma_semaphore, #tpu.memory_space<semaphore_mem>>, %arg16: memref<!tpu.dma_semaphore, #tpu.memory_space<semaphore_mem>>, %arg17: memref<!tpu.dma_semaphore, #tpu.memory_space<semaphore_mem>>, %arg18: memref<!tpu.dma_semaphore, #tpu.memory_space<semaphore_mem>>, %arg19: memref<!tpu.dma_semaphore, #tpu.memory_space<semaphore_mem>>) attributes {dimension_semantics = [#tpu.dimension_semantics<core_parallel>, #tpu.dimension_semantics<subcore_parallel>], iteration_bounds = array<i64: 2, 16>, scalar_prefetch = 0 : i64, scratch_operands = 14 : i64, tpu.core_type = #tpu.core_type<sc_vector_subcore>, window_params = [{transform_indices = #map}, {transform_indices = #map}, {transform_indices = #map}, {transform_indices = #map}]} {
    %mul3A = arith.constant 2 : i32
    %mul3A_0 = arith.muli %arg1, %mul3A : i32
    %add3A = arith.addi %mul3A_0, %arg0 : i32
    %mul3A_1 = arith.constant 1409024 : i32
    %mul3A_2 = arith.muli %add3A, %mul3A_1 : i32
    %scan3A = arith.constant 0 : i32
    %scan3A_3 = arith.constant 124999 : i32
    %scan3A_4 = arith.constant 0 : i32
    %scan3A_5 = arith.constant 17 : i32
    %scan3A_6 = arith.addi %scan3A_4, %scan3A_5 : i32
    %scan3A_7 = arith.constant 1 : i32
    %scan3A_8:2 = scf.for %scan3A_308 = %scan3A_4 to %scan3A_6 step %scan3A_7 iter_args(%scan3A_309 = %scan3A, %scan3A_310 = %scan3A_3) -> (i32, i32)  : i32 {
      %add3A_311 = arith.addi %scan3A_309, %scan3A_310 : i32
      %jit3A_312 = arith.constant 2 : i32
      %div3A_313 = arith.divsi %add3A_311, %jit3A_312 : i32
      %sign3A_314 = arith.constant 0 : i32
      %sign3A_315 = arith.cmpi sgt, %add3A_311, %sign3A_314 : i32
      %sign3A_316 = arith.extui %sign3A_315 : i1 to i32
      %sign3A_317 = arith.constant 0 : i32
      %sign3A_318 = arith.cmpi slt, %add3A_311, %sign3A_317 : i32
      %sign3A_319 = arith.extui %sign3A_318 : i1 to i32
      %sign3A_320 = arith.subi %sign3A_316, %sign3A_319 : i32
      %sign3A_321 = arith.constant 0 : i32
      %sign3A_322 = arith.cmpi sgt, %jit3A_312, %sign3A_321 : i32
      %sign3A_323 = arith.extui %sign3A_322 : i1 to i32
      %sign3A_324 = arith.constant 0 : i32
      %sign3A_325 = arith.cmpi slt, %jit3A_312, %sign3A_324 : i32
      %sign3A_326 = arith.extui %sign3A_325 : i1 to i32
      %sign3A_327 = arith.subi %sign3A_323, %sign3A_326 : i32
      %ne3A_328 = arith.cmpi ne, %sign3A_320, %sign3A_327 : i32
      %rem3A_329 = arith.remsi %add3A_311, %jit3A_312 : i32
      %ne3A_330 = arith.constant 0 : i32
      %ne3A_331 = arith.cmpi ne, %rem3A_329, %ne3A_330 : i32
      %and3A_332 = arith.andi %ne3A_328, %ne3A_331 : i1
      %sub3A_333 = arith.constant 1 : i32
      %sub3A_334 = arith.subi %div3A_313, %sub3A_333 : i32
      %select_n3A_335 = arith.select %and3A_332, %sub3A_334, %div3A_313 : i32
      %mul3A_336 = arith.constant 8 : i32
      %mul3A_337 = arith.muli %select_n3A_335, %mul3A_336 : i32
      "tpu.region"() ({
        %run_scoped3A = tpu.sem_alloc : memref<!tpu.dma_semaphore, #tpu.memory_space<semaphore_mem>>
        %dma_start3A_344 = tpu.memref_slice %arg3[%mul3A_337] : memref<1000000xi32, #tpu.memory_space<hbm>> -> memref<16xi32, #tpu.memory_space<hbm>>
        %dma_start3A_345 = tpu.memref_slice %arg3[%mul3A_337] : memref<1000000xi32, #tpu.memory_space<hbm>> -> memref<16xi32, #tpu.memory_space<hbm>>
        tpu.enqueue_dma source(%dma_start3A_345 : memref<16xi32, #tpu.memory_space<hbm>>) target(%arg11 : memref<16xi32, #tpu.memory_space<vmem>>) target_semaphore(%run_scoped3A : memref<!tpu.dma_semaphore, #tpu.memory_space<semaphore_mem>>)
        %dma_wait3A_346 = tpu.memref_slice %arg3[%mul3A_337] : memref<1000000xi32, #tpu.memory_space<hbm>> -> memref<16xi32, #tpu.memory_space<hbm>>
        %dma_wait3A_347 = tpu.memref_slice %arg3[%mul3A_337] : memref<1000000xi32, #tpu.memory_space<hbm>> -> memref<16xi32, #tpu.memory_space<hbm>>
        tpu.wait_dma2 semaphore(%run_scoped3A : memref<!tpu.dma_semaphore, #tpu.memory_space<semaphore_mem>>) src(%dma_wait3A_347 : memref<16xi32, #tpu.memory_space<hbm>>) dst(%arg11 : memref<16xi32, #tpu.memory_space<vmem>>)
        tpu.yield
      }) : () -> ()
      %get3A_338 = arith.constant 0 : index
      %get3A_339 = tpu.vector_load %arg11[%get3A_338] {strides = array<i32>} : memref<16xi32, #tpu.memory_space<vmem>>, vector<16xi32>,
      %slice3A_340 = vector.extract_strided_slice %get3A_339 {offsets = [0], sizes = [1], strides = [1]} : vector<16xi32> to vector<1xi32>
      %squeeze3A_341 = vector.extract %slice3A_340[0] : i32 from vector<1xi32>
      %ge3A = arith.cmpi sge, %squeeze3A_341, %mul3A_2 : i32
      %select_n3A_342 = arith.select %ge3A, %scan3A_309, %select_n3A_335 : i32
      %select_n3A_343 = arith.select %ge3A, %select_n3A_335, %scan3A_310 : i32
      scf.yield %select_n3A_342, %select_n3A_343 : i32, i32
    }
    %scan3A_9 = arith.constant 17 : i32
    %sub3A = arith.constant 1 : i32
    %sub3A_10 = arith.subi %scan3A_8#1, %sub3A : i32
    %max3A = arith.constant 0 : i32
    %max3A_11 = arith.maxsi %sub3A_10, %max3A : i32
    %mul3A_12 = arith.constant 8 : i32
    %mul3A_13 = arith.muli %max3A_11, %mul3A_12 : i32
    "tpu.region"() ({
      %run_scoped3A = tpu.sem_alloc : memref<!tpu.dma_semaphore, #tpu.memory_space<semaphore_mem>>
      %dma_start3A_308 = tpu.memref_slice %arg3[%mul3A_13] : memref<1000000xi32, #tpu.memory_space<hbm>> -> memref<16xi32, #tpu.memory_space<hbm>>
      %dma_start3A_309 = tpu.memref_slice %arg3[%mul3A_13] : memref<1000000xi32, #tpu.memory_space<hbm>> -> memref<16xi32, #tpu.memory_space<hbm>>
      tpu.enqueue_dma source(%dma_start3A_309 : memref<16xi32, #tpu.memory_space<hbm>>) target(%arg11 : memref<16xi32, #tpu.memory_space<vmem>>) target_semaphore(%run_scoped3A : memref<!tpu.dma_semaphore, #tpu.memory_space<semaphore_mem>>)
      %dma_wait3A_310 = tpu.memref_slice %arg3[%mul3A_13] : memref<1000000xi32, #tpu.memory_space<hbm>> -> memref<16xi32, #tpu.memory_space<hbm>>
      %dma_wait3A_311 = tpu.memref_slice %arg3[%mul3A_13] : memref<1000000xi32, #tpu.memory_space<hbm>> -> memref<16xi32, #tpu.memory_space<hbm>>
      tpu.wait_dma2 semaphore(%run_scoped3A : memref<!tpu.dma_semaphore, #tpu.memory_space<semaphore_mem>>) src(%dma_wait3A_311 : memref<16xi32, #tpu.memory_space<hbm>>) dst(%arg11 : memref<16xi32, #tpu.memory_space<vmem>>)
      tpu.yield
    }) : () -> ()
    %get3A = arith.constant 0 : index
    %get3A_14 = tpu.vector_load %arg11[%get3A] {strides = array<i32>} : memref<16xi32, #tpu.memory_space<vmem>>, vector<16xi32>,
    %lt3A = vector.broadcast %mul3A_2 : i32 to vector<16xi32>
    %lt3A_15 = arith.cmpi slt, %get3A_14, %lt3A : vector<16xi32>
    %all_reduce_population_count3A = tpu.all_reduce %lt3A_15 {dim = 0 : i64, kind = #tpu.reduction_kind<sum>} : vector<16xi1> -> vector<16xi32>
    %slice3A = vector.extract_strided_slice %all_reduce_population_count3A {offsets = [0], sizes = [1], strides = [1]} : vector<16xi32> to vector<1xi32>
    %squeeze3A = vector.extract %slice3A[0] : i32 from vector<1xi32>
    %add3A_16 = arith.addi %mul3A_13, %squeeze3A : i32
    %jit3A = arith.constant 1024 : i32
    %div3A = arith.divsi %add3A_16, %jit3A : i32
    %sign3A = arith.constant 0 : i32
    %sign3A_17 = arith.cmpi sgt, %add3A_16, %sign3A : i32
    %sign3A_18 = arith.extui %sign3A_17 : i1 to i32
    %sign3A_19 = arith.constant 0 : i32
    %sign3A_20 = arith.cmpi slt, %add3A_16, %sign3A_19 : i32
    %sign3A_21 = arith.extui %sign3A_20 : i1 to i32
    %sign3A_22 = arith.subi %sign3A_18, %sign3A_21 : i32
    %sign3A_23 = arith.constant 0 : i32
    %sign3A_24 = arith.cmpi sgt, %jit3A, %sign3A_23 : i32
    %sign3A_25 = arith.extui %sign3A_24 : i1 to i32
    %sign3A_26 = arith.constant 0 : i32
    %sign3A_27 = arith.cmpi slt, %jit3A, %sign3A_26 : i32
    %sign3A_28 = arith.extui %sign3A_27 : i1 to i32
    %sign3A_29 = arith.subi %sign3A_25, %sign3A_28 : i32
    %ne3A = arith.cmpi ne, %sign3A_22, %sign3A_29 : i32
    %rem3A = arith.remsi %add3A_16, %jit3A : i32
    %ne3A_30 = arith.constant 0 : i32
    %ne3A_31 = arith.cmpi ne, %rem3A, %ne3A_30 : i32
    %and3A = arith.andi %ne3A, %ne3A_31 : i1
    %sub3A_32 = arith.constant 1 : i32
    %sub3A_33 = arith.subi %div3A, %sub3A_32 : i32
    %select_n3A = arith.select %and3A, %sub3A_33, %div3A : i32
    %jit3A_34 = arith.constant 2 : i32
    %eq3A = arith.constant 0 : i32
    %eq3A_35 = arith.cmpi eq, %jit3A_34, %eq3A : i32
    %jit3A_36 = arith.constant 1 : i32
    %select_n3A_37 = arith.select %eq3A_35, %jit3A_36, %jit3A_34 : i32
    %rem3A_38 = arith.remsi %select_n3A, %select_n3A_37 : i32
    %ne3A_39 = arith.constant 0 : i32
    %ne3A_40 = arith.cmpi ne, %rem3A_38, %ne3A_39 : i32
    %lt3A_41 = arith.constant 0 : i32
    %lt3A_42 = arith.cmpi slt, %rem3A_38, %lt3A_41 : i32
    %lt3A_43 = arith.constant 0 : i32
    %lt3A_44 = arith.cmpi slt, %select_n3A_37, %lt3A_43 : i32
    %ne3A_45 = arith.xori %lt3A_42, %lt3A_44 : i1
    %and3A_46 = arith.andi %ne3A_45, %ne3A_40 : i1
    %add3A_47 = arith.addi %rem3A_38, %select_n3A_37 : i32
    %select_n3A_48 = arith.select %and3A_46, %add3A_47, %rem3A_38 : i32
    %eq3A_49 = arith.constant 0 : i32
    %eq3A_50 = arith.cmpi eq, %select_n3A_48, %eq3A_49 : i32
    %lt3A_51 = arith.constant 976 : i32
    %lt3A_52 = arith.cmpi slt, %select_n3A, %lt3A_51 : i32
    %and3A_53 = arith.andi %eq3A_50, %lt3A_52 : i1
    %convert_element_type3A = arith.extui %and3A_53 : i1 to i32
    %cond3A = arith.constant 0 : i32
    %cond3A_54 = arith.cmpi ne, %convert_element_type3A, %cond3A : i32
    scf.if %cond3A_54 {
      %mul3A_308 = arith.constant 1024 : i32
      %mul3A_309 = arith.muli %select_n3A, %mul3A_308 : i32
      %mul3A_310 = arith.constant 1024 : i32
      %mul3A_311 = arith.muli %select_n3A, %mul3A_310 : i32
      %dma_start3A_312 = arith.constant 0 : i32
      %dma_start3A_313 = tpu.memref_slice %arg9[%dma_start3A_312] : memref<2048xi32, #tpu.memory_space<vmem>> -> memref<1024xi32, #tpu.memory_space<vmem>>
      %dma_start3A_314 = tpu.memref_slice %arg3[%mul3A_309] : memref<1000000xi32, #tpu.memory_space<hbm>> -> memref<1024xi32, #tpu.memory_space<hbm>>
      %dma_start3A_315 = arith.constant 0 : i32
      %dma_start3A_316 = tpu.memref_slice %arg9[%dma_start3A_315] : memref<2048xi32, #tpu.memory_space<vmem>> -> memref<1024xi32, #tpu.memory_space<vmem>>
      %dma_start3A_317 = tpu.memref_slice %arg3[%mul3A_309] : memref<1000000xi32, #tpu.memory_space<hbm>> -> memref<1024xi32, #tpu.memory_space<hbm>>
      tpu.enqueue_dma source(%dma_start3A_317 : memref<1024xi32, #tpu.memory_space<hbm>>) target(%dma_start3A_316 : memref<1024xi32, #tpu.memory_space<vmem>>) target_semaphore(%arg18 : memref<!tpu.dma_semaphore, #tpu.memory_space<semaphore_mem>>)
      %dma_start3A_318 = arith.constant 0 : i32
      %dma_start3A_319 = tpu.memref_slice %arg10[%dma_start3A_318] : memref<2048xf32, #tpu.memory_space<vmem>> -> memref<1024xf32, #tpu.memory_space<vmem>>
      %dma_start3A_320 = tpu.memref_slice %arg4[%mul3A_311] : memref<1000000xf32, #tpu.memory_space<hbm>> -> memref<1024xf32, #tpu.memory_space<hbm>>
      %dma_start3A_321 = arith.constant 0 : i32
      %dma_start3A_322 = tpu.memref_slice %arg10[%dma_start3A_321] : memref<2048xf32, #tpu.memory_space<vmem>> -> memref<1024xf32, #tpu.memory_space<vmem>>
      %dma_start3A_323 = tpu.memref_slice %arg4[%mul3A_311] : memref<1000000xf32, #tpu.memory_space<hbm>> -> memref<1024xf32, #tpu.memory_space<hbm>>
      tpu.enqueue_dma source(%dma_start3A_323 : memref<1024xf32, #tpu.memory_space<hbm>>) target(%dma_start3A_322 : memref<1024xf32, #tpu.memory_space<vmem>>) target_semaphore(%arg18 : memref<!tpu.dma_semaphore, #tpu.memory_space<semaphore_mem>>)
    } else {
    }
    %jit3A_55 = arith.constant 2 : i32
    %eq3A_56 = arith.constant 0 : i32
    %eq3A_57 = arith.cmpi eq, %jit3A_55, %eq3A_56 : i32
    %jit3A_58 = arith.constant 1 : i32
    %select_n3A_59 = arith.select %eq3A_57, %jit3A_58, %jit3A_55 : i32
    %rem3A_60 = arith.remsi %select_n3A, %select_n3A_59 : i32
    %ne3A_61 = arith.constant 0 : i32
    %ne3A_62 = arith.cmpi ne, %rem3A_60, %ne3A_61 : i32
    %lt3A_63 = arith.constant 0 : i32
    %lt3A_64 = arith.cmpi slt, %rem3A_60, %lt3A_63 : i32
    %lt3A_65 = arith.constant 0 : i32
    %lt3A_66 = arith.cmpi slt, %select_n3A_59, %lt3A_65 : i32
    %ne3A_67 = arith.xori %lt3A_64, %lt3A_66 : i1
    %and3A_68 = arith.andi %ne3A_67, %ne3A_62 : i1
    %add3A_69 = arith.addi %rem3A_60, %select_n3A_59 : i32
    %select_n3A_70 = arith.select %and3A_68, %add3A_69, %rem3A_60 : i32
    %eq3A_71 = arith.constant 1 : i32
    %eq3A_72 = arith.cmpi eq, %select_n3A_70, %eq3A_71 : i32
    %lt3A_73 = arith.constant 976 : i32
    %lt3A_74 = arith.cmpi slt, %select_n3A, %lt3A_73 : i32
    %and3A_75 = arith.andi %eq3A_72, %lt3A_74 : i1
    %convert_element_type3A_76 = arith.extui %and3A_75 : i1 to i32
    %cond3A_77 = arith.constant 0 : i32
    %cond3A_78 = arith.cmpi ne, %convert_element_type3A_76, %cond3A_77 : i32
    scf.if %cond3A_78 {
      %mul3A_308 = arith.constant 1024 : i32
      %mul3A_309 = arith.muli %select_n3A, %mul3A_308 : i32
      %mul3A_310 = arith.constant 1024 : i32
      %mul3A_311 = arith.muli %select_n3A, %mul3A_310 : i32
      %dma_start3A_312 = arith.constant 1024 : i32
      %dma_start3A_313 = tpu.memref_slice %arg9[%dma_start3A_312] : memref<2048xi32, #tpu.memory_space<vmem>> -> memref<1024xi32, #tpu.memory_space<vmem>>
      %dma_start3A_314 = tpu.memref_slice %arg3[%mul3A_309] : memref<1000000xi32, #tpu.memory_space<hbm>> -> memref<1024xi32, #tpu.memory_space<hbm>>
      %dma_start3A_315 = arith.constant 1024 : i32
      %dma_start3A_316 = tpu.memref_slice %arg9[%dma_start3A_315] : memref<2048xi32, #tpu.memory_space<vmem>> -> memref<1024xi32, #tpu.memory_space<vmem>>
      %dma_start3A_317 = tpu.memref_slice %arg3[%mul3A_309] : memref<1000000xi32, #tpu.memory_space<hbm>> -> memref<1024xi32, #tpu.memory_space<hbm>>
      tpu.enqueue_dma source(%dma_start3A_317 : memref<1024xi32, #tpu.memory_space<hbm>>) target(%dma_start3A_316 : memref<1024xi32, #tpu.memory_space<vmem>>) target_semaphore(%arg19 : memref<!tpu.dma_semaphore, #tpu.memory_space<semaphore_mem>>)
      %dma_start3A_318 = arith.constant 1024 : i32
      %dma_start3A_319 = tpu.memref_slice %arg10[%dma_start3A_318] : memref<2048xf32, #tpu.memory_space<vmem>> -> memref<1024xf32, #tpu.memory_space<vmem>>
      %dma_start3A_320 = tpu.memref_slice %arg4[%mul3A_311] : memref<1000000xf32, #tpu.memory_space<hbm>> -> memref<1024xf32, #tpu.memory_space<hbm>>
      %dma_start3A_321 = arith.constant 1024 : i32
      %dma_start3A_322 = tpu.memref_slice %arg10[%dma_start3A_321] : memref<2048xf32, #tpu.memory_space<vmem>> -> memref<1024xf32, #tpu.memory_space<vmem>>
      %dma_start3A_323 = tpu.memref_slice %arg4[%mul3A_311] : memref<1000000xf32, #tpu.memory_space<hbm>> -> memref<1024xf32, #tpu.memory_space<hbm>>
      tpu.enqueue_dma source(%dma_start3A_323 : memref<1024xf32, #tpu.memory_space<hbm>>) target(%dma_start3A_322 : memref<1024xf32, #tpu.memory_space<vmem>>) target_semaphore(%arg19 : memref<!tpu.dma_semaphore, #tpu.memory_space<semaphore_mem>>)
    } else {
    }
    %eq3A_79 = arith.constant 976 : i32
    %eq3A_80 = arith.cmpi eq, %select_n3A, %eq3A_79 : i32
    %convert_element_type3A_81 = arith.extui %eq3A_80 : i1 to i32
    %cond3A_82 = arith.constant 0 : i32
    %cond3A_83 = arith.cmpi ne, %convert_element_type3A_81, %cond3A_82 : i32
    scf.if %cond3A_83 {
      %dma_start3A_308 = arith.constant 0 : i32
      %dma_start3A_309 = tpu.memref_slice %arg9[%dma_start3A_308] : memref<2048xi32, #tpu.memory_space<vmem>> -> memref<576xi32, #tpu.memory_space<vmem>>
      %dma_start3A_310 = arith.constant 999424 : i32
      %dma_start3A_311 = tpu.memref_slice %arg3[%dma_start3A_310] : memref<1000000xi32, #tpu.memory_space<hbm>> -> memref<576xi32, #tpu.memory_space<hbm>>
      %dma_start3A_312 = arith.constant 0 : i32
      %dma_start3A_313 = tpu.memref_slice %arg9[%dma_start3A_312] : memref<2048xi32, #tpu.memory_space<vmem>> -> memref<576xi32, #tpu.memory_space<vmem>>
      %dma_start3A_314 = arith.constant 999424 : i32
      %dma_start3A_315 = tpu.memref_slice %arg3[%dma_start3A_314] : memref<1000000xi32, #tpu.memory_space<hbm>> -> memref<576xi32, #tpu.memory_space<hbm>>
      tpu.enqueue_dma source(%dma_start3A_315 : memref<576xi32, #tpu.memory_space<hbm>>) target(%dma_start3A_313 : memref<576xi32, #tpu.memory_space<vmem>>) target_semaphore(%arg18 : memref<!tpu.dma_semaphore, #tpu.memory_space<semaphore_mem>>)
      %dma_start3A_316 = arith.constant 0 : i32
      %dma_start3A_317 = tpu.memref_slice %arg10[%dma_start3A_316] : memref<2048xf32, #tpu.memory_space<vmem>> -> memref<576xf32, #tpu.memory_space<vmem>>
      %dma_start3A_318 = arith.constant 999424 : i32
      %dma_start3A_319 = tpu.memref_slice %arg4[%dma_start3A_318] : memref<1000000xf32, #tpu.memory_space<hbm>> -> memref<576xf32, #tpu.memory_space<hbm>>
      %dma_start3A_320 = arith.constant 0 : i32
      %dma_start3A_321 = tpu.memref_slice %arg10[%dma_start3A_320] : memref<2048xf32, #tpu.memory_space<vmem>> -> memref<576xf32, #tpu.memory_space<vmem>>
      %dma_start3A_322 = arith.constant 999424 : i32
      %dma_start3A_323 = tpu.memref_slice %arg4[%dma_start3A_322] : memref<1000000xf32, #tpu.memory_space<hbm>> -> memref<576xf32, #tpu.memory_space<hbm>>
      tpu.enqueue_dma source(%dma_start3A_323 : memref<576xf32, #tpu.memory_space<hbm>>) target(%dma_start3A_321 : memref<576xf32, #tpu.memory_space<vmem>>) target_semaphore(%arg18 : memref<!tpu.dma_semaphore, #tpu.memory_space<semaphore_mem>>)
    } else {
    }
    %add3A_84 = arith.constant 1 : i32
    %add3A_85 = arith.addi %select_n3A, %add3A_84 : i32
    %jit3A_86 = arith.constant 2 : i32
    %eq3A_87 = arith.constant 0 : i32
    %eq3A_88 = arith.cmpi eq, %jit3A_86, %eq3A_87 : i32
    %jit3A_89 = arith.constant 1 : i32
    %select_n3A_90 = arith.select %eq3A_88, %jit3A_89, %jit3A_86 : i32
    %rem3A_91 = arith.remsi %add3A_85, %select_n3A_90 : i32
    %ne3A_92 = arith.constant 0 : i32
    %ne3A_93 = arith.cmpi ne, %rem3A_91, %ne3A_92 : i32
    %lt3A_94 = arith.constant 0 : i32
    %lt3A_95 = arith.cmpi slt, %rem3A_91, %lt3A_94 : i32
    %lt3A_96 = arith.constant 0 : i32
    %lt3A_97 = arith.cmpi slt, %select_n3A_90, %lt3A_96 : i32
    %ne3A_98 = arith.xori %lt3A_95, %lt3A_97 : i1
    %and3A_99 = arith.andi %ne3A_98, %ne3A_93 : i1
    %add3A_100 = arith.addi %rem3A_91, %select_n3A_90 : i32
    %select_n3A_101 = arith.select %and3A_99, %add3A_100, %rem3A_91 : i32
    %eq3A_102 = arith.constant 0 : i32
    %eq3A_103 = arith.cmpi eq, %select_n3A_101, %eq3A_102 : i32
    %lt3A_104 = arith.constant 976 : i32
    %lt3A_105 = arith.cmpi slt, %add3A_85, %lt3A_104 : i32
    %and3A_106 = arith.andi %eq3A_103, %lt3A_105 : i1
    %convert_element_type3A_107 = arith.extui %and3A_106 : i1 to i32
    %cond3A_108 = arith.constant 0 : i32
    %cond3A_109 = arith.cmpi ne, %convert_element_type3A_107, %cond3A_108 : i32
    scf.if %cond3A_109 {
      %mul3A_308 = arith.constant 1024 : i32
      %mul3A_309 = arith.muli %add3A_85, %mul3A_308 : i32
      %mul3A_310 = arith.constant 1024 : i32
      %mul3A_311 = arith.muli %add3A_85, %mul3A_310 : i32
      %dma_start3A_312 = arith.constant 0 : i32
      %dma_start3A_313 = tpu.memref_slice %arg9[%dma_start3A_312] : memref<2048xi32, #tpu.memory_space<vmem>> -> memref<1024xi32, #tpu.memory_space<vmem>>
      %dma_start3A_314 = tpu.memref_slice %arg3[%mul3A_309] : memref<1000000xi32, #tpu.memory_space<hbm>> -> memref<1024xi32, #tpu.memory_space<hbm>>
      %dma_start3A_315 = arith.constant 0 : i32
      %dma_start3A_316 = tpu.memref_slice %arg9[%dma_start3A_315] : memref<2048xi32, #tpu.memory_space<vmem>> -> memref<1024xi32, #tpu.memory_space<vmem>>
      %dma_start3A_317 = tpu.memref_slice %arg3[%mul3A_309] : memref<1000000xi32, #tpu.memory_space<hbm>> -> memref<1024xi32, #tpu.memory_space<hbm>>
      tpu.enqueue_dma source(%dma_start3A_317 : memref<1024xi32, #tpu.memory_space<hbm>>) target(%dma_start3A_316 : memref<1024xi32, #tpu.memory_space<vmem>>) target_semaphore(%arg18 : memref<!tpu.dma_semaphore, #tpu.memory_space<semaphore_mem>>)
      %dma_start3A_318 = arith.constant 0 : i32
      %dma_start3A_319 = tpu.memref_slice %arg10[%dma_start3A_318] : memref<2048xf32, #tpu.memory_space<vmem>> -> memref<1024xf32, #tpu.memory_space<vmem>>
      %dma_start3A_320 = tpu.memref_slice %arg4[%mul3A_311] : memref<1000000xf32, #tpu.memory_space<hbm>> -> memref<1024xf32, #tpu.memory_space<hbm>>
      %dma_start3A_321 = arith.constant 0 : i32
      %dma_start3A_322 = tpu.memref_slice %arg10[%dma_start3A_321] : memref<2048xf32, #tpu.memory_space<vmem>> -> memref<1024xf32, #tpu.memory_space<vmem>>
      %dma_start3A_323 = tpu.memref_slice %arg4[%mul3A_311] : memref<1000000xf32, #tpu.memory_space<hbm>> -> memref<1024xf32, #tpu.memory_space<hbm>>
      tpu.enqueue_dma source(%dma_start3A_323 : memref<1024xf32, #tpu.memory_space<hbm>>) target(%dma_start3A_322 : memref<1024xf32, #tpu.memory_space<vmem>>) target_semaphore(%arg18 : memref<!tpu.dma_semaphore, #tpu.memory_space<semaphore_mem>>)
    } else {
    }
    %jit3A_110 = arith.constant 2 : i32
    %eq3A_111 = arith.constant 0 : i32
    %eq3A_112 = arith.cmpi eq, %jit3A_110, %eq3A_111 : i32
    %jit3A_113 = arith.constant 1 : i32
    %select_n3A_114 = arith.select %eq3A_112, %jit3A_113, %jit3A_110 : i32
    %rem3A_115 = arith.remsi %add3A_85, %select_n3A_114 : i32
    %ne3A_116 = arith.constant 0 : i32
    %ne3A_117 = arith.cmpi ne, %rem3A_115, %ne3A_116 : i32
    %lt3A_118 = arith.constant 0 : i32
    %lt3A_119 = arith.cmpi slt, %rem3A_115, %lt3A_118 : i32
    %lt3A_120 = arith.constant 0 : i32
    %lt3A_121 = arith.cmpi slt, %select_n3A_114, %lt3A_120 : i32
    %ne3A_122 = arith.xori %lt3A_119, %lt3A_121 : i1
    %and3A_123 = arith.andi %ne3A_122, %ne3A_117 : i1
    %add3A_124 = arith.addi %rem3A_115, %select_n3A_114 : i32
    %select_n3A_125 = arith.select %and3A_123, %add3A_124, %rem3A_115 : i32
    %eq3A_126 = arith.constant 1 : i32
    %eq3A_127 = arith.cmpi eq, %select_n3A_125, %eq3A_126 : i32
    %lt3A_128 = arith.constant 976 : i32
    %lt3A_129 = arith.cmpi slt, %add3A_85, %lt3A_128 : i32
    %and3A_130 = arith.andi %eq3A_127, %lt3A_129 : i1
    %convert_element_type3A_131 = arith.extui %and3A_130 : i1 to i32
    %cond3A_132 = arith.constant 0 : i32
    %cond3A_133 = arith.cmpi ne, %convert_element_type3A_131, %cond3A_132 : i32
    scf.if %cond3A_133 {
      %mul3A_308 = arith.constant 1024 : i32
      %mul3A_309 = arith.muli %add3A_85, %mul3A_308 : i32
      %mul3A_310 = arith.constant 1024 : i32
      %mul3A_311 = arith.muli %add3A_85, %mul3A_310 : i32
      %dma_start3A_312 = arith.constant 1024 : i32
      %dma_start3A_313 = tpu.memref_slice %arg9[%dma_start3A_312] : memref<2048xi32, #tpu.memory_space<vmem>> -> memref<1024xi32, #tpu.memory_space<vmem>>
      %dma_start3A_314 = tpu.memref_slice %arg3[%mul3A_309] : memref<1000000xi32, #tpu.memory_space<hbm>> -> memref<1024xi32, #tpu.memory_space<hbm>>
      %dma_start3A_315 = arith.constant 1024 : i32
      %dma_start3A_316 = tpu.memref_slice %arg9[%dma_start3A_315] : memref<2048xi32, #tpu.memory_space<vmem>> -> memref<1024xi32, #tpu.memory_space<vmem>>
      %dma_start3A_317 = tpu.memref_slice %arg3[%mul3A_309] : memref<1000000xi32, #tpu.memory_space<hbm>> -> memref<1024xi32, #tpu.memory_space<hbm>>
      tpu.enqueue_dma source(%dma_start3A_317 : memref<1024xi32, #tpu.memory_space<hbm>>) target(%dma_start3A_316 : memref<1024xi32, #tpu.memory_space<vmem>>) target_semaphore(%arg19 : memref<!tpu.dma_semaphore, #tpu.memory_space<semaphore_mem>>)
      %dma_start3A_318 = arith.constant 1024 : i32
      %dma_start3A_319 = tpu.memref_slice %arg10[%dma_start3A_318] : memref<2048xf32, #tpu.memory_space<vmem>> -> memref<1024xf32, #tpu.memory_space<vmem>>
      %dma_start3A_320 = tpu.memref_slice %arg4[%mul3A_311] : memref<1000000xf32, #tpu.memory_space<hbm>> -> memref<1024xf32, #tpu.memory_space<hbm>>
      %dma_start3A_321 = arith.constant 1024 : i32
      %dma_start3A_322 = tpu.memref_slice %arg10[%dma_start3A_321] : memref<2048xf32, #tpu.memory_space<vmem>> -> memref<1024xf32, #tpu.memory_space<vmem>>
      %dma_start3A_323 = tpu.memref_slice %arg4[%mul3A_311] : memref<1000000xf32, #tpu.memory_space<hbm>> -> memref<1024xf32, #tpu.memory_space<hbm>>
      tpu.enqueue_dma source(%dma_start3A_323 : memref<1024xf32, #tpu.memory_space<hbm>>) target(%dma_start3A_322 : memref<1024xf32, #tpu.memory_space<vmem>>) target_semaphore(%arg19 : memref<!tpu.dma_semaphore, #tpu.memory_space<semaphore_mem>>)
    } else {
    }
    %eq3A_134 = arith.constant 976 : i32
    %eq3A_135 = arith.cmpi eq, %add3A_85, %eq3A_134 : i32
    %convert_element_type3A_136 = arith.extui %eq3A_135 : i1 to i32
    %cond3A_137 = arith.constant 0 : i32
    %cond3A_138 = arith.cmpi ne, %convert_element_type3A_136, %cond3A_137 : i32
    scf.if %cond3A_138 {
      %dma_start3A_308 = arith.constant 0 : i32
      %dma_start3A_309 = tpu.memref_slice %arg9[%dma_start3A_308] : memref<2048xi32, #tpu.memory_space<vmem>> -> memref<576xi32, #tpu.memory_space<vmem>>
      %dma_start3A_310 = arith.constant 999424 : i32
      %dma_start3A_311 = tpu.memref_slice %arg3[%dma_start3A_310] : memref<1000000xi32, #tpu.memory_space<hbm>> -> memref<576xi32, #tpu.memory_space<hbm>>
      %dma_start3A_312 = arith.constant 0 : i32
      %dma_start3A_313 = tpu.memref_slice %arg9[%dma_start3A_312] : memref<2048xi32, #tpu.memory_space<vmem>> -> memref<576xi32, #tpu.memory_space<vmem>>
      %dma_start3A_314 = arith.constant 999424 : i32
      %dma_start3A_315 = tpu.memref_slice %arg3[%dma_start3A_314] : memref<1000000xi32, #tpu.memory_space<hbm>> -> memref<576xi32, #tpu.memory_space<hbm>>
      tpu.enqueue_dma source(%dma_start3A_315 : memref<576xi32, #tpu.memory_space<hbm>>) target(%dma_start3A_313 : memref<576xi32, #tpu.memory_space<vmem>>) target_semaphore(%arg18 : memref<!tpu.dma_semaphore, #tpu.memory_space<semaphore_mem>>)
      %dma_start3A_316 = arith.constant 0 : i32
      %dma_start3A_317 = tpu.memref_slice %arg10[%dma_start3A_316] : memref<2048xf32, #tpu.memory_space<vmem>> -> memref<576xf32, #tpu.memory_space<vmem>>
      %dma_start3A_318 = arith.constant 999424 : i32
      %dma_start3A_319 = tpu.memref_slice %arg4[%dma_start3A_318] : memref<1000000xf32, #tpu.memory_space<hbm>> -> memref<576xf32, #tpu.memory_space<hbm>>
      %dma_start3A_320 = arith.constant 0 : i32
      %dma_start3A_321 = tpu.memref_slice %arg10[%dma_start3A_320] : memref<2048xf32, #tpu.memory_space<vmem>> -> memref<576xf32, #tpu.memory_space<vmem>>
      %dma_start3A_322 = arith.constant 999424 : i32
      %dma_start3A_323 = tpu.memref_slice %arg4[%dma_start3A_322] : memref<1000000xf32, #tpu.memory_space<hbm>> -> memref<576xf32, #tpu.memory_space<hbm>>
      tpu.enqueue_dma source(%dma_start3A_323 : memref<576xf32, #tpu.memory_space<hbm>>) target(%dma_start3A_321 : memref<576xf32, #tpu.memory_space<vmem>>) target_semaphore(%arg18 : memref<!tpu.dma_semaphore, #tpu.memory_space<semaphore_mem>>)
    } else {
    }
    %jit3A_139 = arith.constant 2 : i32
    %eq3A_140 = arith.constant 0 : i32
    %eq3A_141 = arith.cmpi eq, %jit3A_139, %eq3A_140 : i32
    %jit3A_142 = arith.constant 1 : i32
    %select_n3A_143 = arith.select %eq3A_141, %jit3A_142, %jit3A_139 : i32
    %rem3A_144 = arith.remsi %select_n3A, %select_n3A_143 : i32
    %ne3A_145 = arith.constant 0 : i32
    %ne3A_146 = arith.cmpi ne, %rem3A_144, %ne3A_145 : i32
    %lt3A_147 = arith.constant 0 : i32
    %lt3A_148 = arith.cmpi slt, %rem3A_144, %lt3A_147 : i32
    %lt3A_149 = arith.constant 0 : i32
    %lt3A_150 = arith.cmpi slt, %select_n3A_143, %lt3A_149 : i32
    %ne3A_151 = arith.xori %lt3A_148, %lt3A_150 : i1
    %and3A_152 = arith.andi %ne3A_151, %ne3A_146 : i1
    %add3A_153 = arith.addi %rem3A_144, %select_n3A_143 : i32
    %select_n3A_154 = arith.select %and3A_152, %add3A_153, %rem3A_144 : i32
    %eq3A_155 = arith.constant 0 : i32
    %eq3A_156 = arith.cmpi eq, %select_n3A_154, %eq3A_155 : i32
    %lt3A_157 = arith.constant 976 : i32
    %lt3A_158 = arith.cmpi slt, %select_n3A, %lt3A_157 : i32
    %and3A_159 = arith.andi %eq3A_156, %lt3A_158 : i1
    %convert_element_type3A_160 = arith.extui %and3A_159 : i1 to i32
    %cond3A_161 = arith.constant 0 : i32
    %cond3A_162 = arith.cmpi ne, %convert_element_type3A_160, %cond3A_161 : i32
    scf.if %cond3A_162 {
      %mul3A_308 = arith.constant 1024 : i32
      %mul3A_309 = arith.muli %select_n3A, %mul3A_308 : i32
      %mul3A_310 = arith.constant 1024 : i32
      %mul3A_311 = arith.muli %select_n3A, %mul3A_310 : i32
      %dma_wait3A_312 = arith.constant 0 : i32
      %dma_wait3A_313 = tpu.memref_slice %arg9[%dma_wait3A_312] : memref<2048xi32, #tpu.memory_space<vmem>> -> memref<1024xi32, #tpu.memory_space<vmem>>
      %dma_wait3A_314 = tpu.memref_slice %arg3[%mul3A_309] : memref<1000000xi32, #tpu.memory_space<hbm>> -> memref<1024xi32, #tpu.memory_space<hbm>>
      %dma_wait3A_315 = arith.constant 0 : i32
      %dma_wait3A_316 = tpu.memref_slice %arg9[%dma_wait3A_315] : memref<2048xi32, #tpu.memory_space<vmem>> -> memref<1024xi32, #tpu.memory_space<vmem>>
      %dma_wait3A_317 = tpu.memref_slice %arg3[%mul3A_309] : memref<1000000xi32, #tpu.memory_space<hbm>> -> memref<1024xi32, #tpu.memory_space<hbm>>
      tpu.wait_dma2 semaphore(%arg18 : memref<!tpu.dma_semaphore, #tpu.memory_space<semaphore_mem>>) src(%dma_wait3A_317 : memref<1024xi32, #tpu.memory_space<hbm>>) dst(%dma_wait3A_316 : memref<1024xi32, #tpu.memory_space<vmem>>)
      %dma_wait3A_318 = arith.constant 0 : i32
      %dma_wait3A_319 = tpu.memref_slice %arg10[%dma_wait3A_318] : memref<2048xf32, #tpu.memory_space<vmem>> -> memref<1024xf32, #tpu.memory_space<vmem>>
      %dma_wait3A_320 = tpu.memref_slice %arg4[%mul3A_311] : memref<1000000xf32, #tpu.memory_space<hbm>> -> memref<1024xf32, #tpu.memory_space<hbm>>
      %dma_wait3A_321 = arith.constant 0 : i32
      %dma_wait3A_322 = tpu.memref_slice %arg10[%dma_wait3A_321] : memref<2048xf32, #tpu.memory_space<vmem>> -> memref<1024xf32, #tpu.memory_space<vmem>>
      %dma_wait3A_323 = tpu.memref_slice %arg4[%mul3A_311] : memref<1000000xf32, #tpu.memory_space<hbm>> -> memref<1024xf32, #tpu.memory_space<hbm>>
      tpu.wait_dma2 semaphore(%arg18 : memref<!tpu.dma_semaphore, #tpu.memory_space<semaphore_mem>>) src(%dma_wait3A_323 : memref<1024xf32, #tpu.memory_space<hbm>>) dst(%dma_wait3A_322 : memref<1024xf32, #tpu.memory_space<vmem>>)
    } else {
    }
    %jit3A_163 = arith.constant 2 : i32
    %eq3A_164 = arith.constant 0 : i32
    %eq3A_165 = arith.cmpi eq, %jit3A_163, %eq3A_164 : i32
    %jit3A_166 = arith.constant 1 : i32
    %select_n3A_167 = arith.select %eq3A_165, %jit3A_166, %jit3A_163 : i32
    %rem3A_168 = arith.remsi %select_n3A, %select_n3A_167 : i32
    %ne3A_169 = arith.constant 0 : i32
    %ne3A_170 = arith.cmpi ne, %rem3A_168, %ne3A_169 : i32
    %lt3A_171 = arith.constant 0 : i32
    %lt3A_172 = arith.cmpi slt, %rem3A_168, %lt3A_171 : i32
    %lt3A_173 = arith.constant 0 : i32
    %lt3A_174 = arith.cmpi slt, %select_n3A_167, %lt3A_173 : i32
    %ne3A_175 = arith.xori %lt3A_172, %lt3A_174 : i1
    %and3A_176 = arith.andi %ne3A_175, %ne3A_170 : i1
    %add3A_177 = arith.addi %rem3A_168, %select_n3A_167 : i32
    %select_n3A_178 = arith.select %and3A_176, %add3A_177, %rem3A_168 : i32
    %eq3A_179 = arith.constant 1 : i32
    %eq3A_180 = arith.cmpi eq, %select_n3A_178, %eq3A_179 : i32
    %lt3A_181 = arith.constant 976 : i32
    %lt3A_182 = arith.cmpi slt, %select_n3A, %lt3A_181 : i32
    %and3A_183 = arith.andi %eq3A_180, %lt3A_182 : i1
    %convert_element_type3A_184 = arith.extui %and3A_183 : i1 to i32
    %cond3A_185 = arith.constant 0 : i32
    %cond3A_186 = arith.cmpi ne, %convert_element_type3A_184, %cond3A_185 : i32
    scf.if %cond3A_186 {
      %mul3A_308 = arith.constant 1024 : i32
      %mul3A_309 = arith.muli %select_n3A, %mul3A_308 : i32
      %mul3A_310 = arith.constant 1024 : i32
      %mul3A_311 = arith.muli %select_n3A, %mul3A_310 : i32
      %dma_wait3A_312 = arith.constant 1024 : i32
      %dma_wait3A_313 = tpu.memref_slice %arg9[%dma_wait3A_312] : memref<2048xi32, #tpu.memory_space<vmem>> -> memref<1024xi32, #tpu.memory_space<vmem>>
      %dma_wait3A_314 = tpu.memref_slice %arg3[%mul3A_309] : memref<1000000xi32, #tpu.memory_space<hbm>> -> memref<1024xi32, #tpu.memory_space<hbm>>
      %dma_wait3A_315 = arith.constant 1024 : i32
      %dma_wait3A_316 = tpu.memref_slice %arg9[%dma_wait3A_315] : memref<2048xi32, #tpu.memory_space<vmem>> -> memref<1024xi32, #tpu.memory_space<vmem>>
      %dma_wait3A_317 = tpu.memref_slice %arg3[%mul3A_309] : memref<1000000xi32, #tpu.memory_space<hbm>> -> memref<1024xi32, #tpu.memory_space<hbm>>
      tpu.wait_dma2 semaphore(%arg19 : memref<!tpu.dma_semaphore, #tpu.memory_space<semaphore_mem>>) src(%dma_wait3A_317 : memref<1024xi32, #tpu.memory_space<hbm>>) dst(%dma_wait3A_316 : memref<1024xi32, #tpu.memory_space<vmem>>)
      %dma_wait3A_318 = arith.constant 1024 : i32
      %dma_wait3A_319 = tpu.memref_slice %arg10[%dma_wait3A_318] : memref<2048xf32, #tpu.memory_space<vmem>> -> memref<1024xf32, #tpu.memory_space<vmem>>
      %dma_wait3A_320 = tpu.memref_slice %arg4[%mul3A_311] : memref<1000000xf32, #tpu.memory_space<hbm>> -> memref<1024xf32, #tpu.memory_space<hbm>>
      %dma_wait3A_321 = arith.constant 1024 : i32
      %dma_wait3A_322 = tpu.memref_slice %arg10[%dma_wait3A_321] : memref<2048xf32, #tpu.memory_space<vmem>> -> memref<1024xf32, #tpu.memory_space<vmem>>
      %dma_wait3A_323 = tpu.memref_slice %arg4[%mul3A_311] : memref<1000000xf32, #tpu.memory_space<hbm>> -> memref<1024xf32, #tpu.memory_space<hbm>>
      tpu.wait_dma2 semaphore(%arg19 : memref<!tpu.dma_semaphore, #tpu.memory_space<semaphore_mem>>) src(%dma_wait3A_323 : memref<1024xf32, #tpu.memory_space<hbm>>) dst(%dma_wait3A_322 : memref<1024xf32, #tpu.memory_space<vmem>>)
    } else {
    }
    %eq3A_187 = arith.constant 976 : i32
    %eq3A_188 = arith.cmpi eq, %select_n3A, %eq3A_187 : i32
    %convert_element_type3A_189 = arith.extui %eq3A_188 : i1 to i32
    %cond3A_190 = arith.constant 0 : i32
    %cond3A_191 = arith.cmpi ne, %convert_element_type3A_189, %cond3A_190 : i32
    scf.if %cond3A_191 {
      %dma_wait3A_308 = arith.constant 0 : i32
      %dma_wait3A_309 = tpu.memref_slice %arg9[%dma_wait3A_308] : memref<2048xi32, #tpu.memory_space<vmem>> -> memref<576xi32, #tpu.memory_space<vmem>>
      %dma_wait3A_310 = arith.constant 999424 : i32
      %dma_wait3A_311 = tpu.memref_slice %arg3[%dma_wait3A_310] : memref<1000000xi32, #tpu.memory_space<hbm>> -> memref<576xi32, #tpu.memory_space<hbm>>
      %dma_wait3A_312 = arith.constant 0 : i32
      %dma_wait3A_313 = tpu.memref_slice %arg9[%dma_wait3A_312] : memref<2048xi32, #tpu.memory_space<vmem>> -> memref<576xi32, #tpu.memory_space<vmem>>
      %dma_wait3A_314 = arith.constant 999424 : i32
      %dma_wait3A_315 = tpu.memref_slice %arg3[%dma_wait3A_314] : memref<1000000xi32, #tpu.memory_space<hbm>> -> memref<576xi32, #tpu.memory_space<hbm>>
      tpu.wait_dma2 semaphore(%arg18 : memref<!tpu.dma_semaphore, #tpu.memory_space<semaphore_mem>>) src(%dma_wait3A_315 : memref<576xi32, #tpu.memory_space<hbm>>) dst(%dma_wait3A_313 : memref<576xi32, #tpu.memory_space<vmem>>)
      %dma_wait3A_316 = arith.constant 0 : i32
      %dma_wait3A_317 = tpu.memref_slice %arg10[%dma_wait3A_316] : memref<2048xf32, #tpu.memory_space<vmem>> -> memref<576xf32, #tpu.memory_space<vmem>>
      %dma_wait3A_318 = arith.constant 999424 : i32
      %dma_wait3A_319 = tpu.memref_slice %arg4[%dma_wait3A_318] : memref<1000000xf32, #tpu.memory_space<hbm>> -> memref<576xf32, #tpu.memory_space<hbm>>
      %dma_wait3A_320 = arith.constant 0 : i32
      %dma_wait3A_321 = tpu.memref_slice %arg10[%dma_wait3A_320] : memref<2048xf32, #tpu.memory_space<vmem>> -> memref<576xf32, #tpu.memory_space<vmem>>
      %dma_wait3A_322 = arith.constant 999424 : i32
      %dma_wait3A_323 = tpu.memref_slice %arg4[%dma_wait3A_322] : memref<1000000xf32, #tpu.memory_space<hbm>> -> memref<576xf32, #tpu.memory_space<hbm>>
      tpu.wait_dma2 semaphore(%arg18 : memref<!tpu.dma_semaphore, #tpu.memory_space<semaphore_mem>>) src(%dma_wait3A_323 : memref<576xf32, #tpu.memory_space<hbm>>) dst(%dma_wait3A_321 : memref<576xf32, #tpu.memory_space<vmem>>)
    } else {
    }
    %mul3A_192 = arith.constant 43 : i32
    %mul3A_193 = arith.muli %add3A, %mul3A_192 : i32
    %add3A_194 = arith.constant 0 : i32
    %add3A_195 = arith.addi %mul3A_193, %add3A_194 : i32
    %mul3A_196 = arith.constant 32768 : i32
    %mul3A_197 = arith.muli %add3A_195, %mul3A_196 : i32
    %dma_start3A = tpu.memref_slice %arg2[%mul3A_197] : memref<45088768xf32, #tpu.memory_space<hbm>> -> memref<32768xf32, #tpu.memory_space<hbm>>
    %dma_start3A_198 = tpu.memref_slice %arg2[%mul3A_197] : memref<45088768xf32, #tpu.memory_space<hbm>> -> memref<32768xf32, #tpu.memory_space<hbm>>
    tpu.enqueue_dma source(%dma_start3A_198 : memref<32768xf32, #tpu.memory_space<hbm>>) target(%arg6 : memref<32768xf32, #tpu.memory_space<vmem>>) target_semaphore(%arg12 : memref<!tpu.dma_semaphore, #tpu.memory_space<semaphore_mem>>)
    %scan3A_199 = arith.constant 0 : i32
    %scan3A_200 = arith.constant 14 : i32
    %scan3A_201 = arith.addi %scan3A_199, %scan3A_200 : i32
    %scan3A_202 = arith.constant 1 : i32
    %scan3A_203:2 = scf.for %scan3A_308 = %scan3A_199 to %scan3A_201 step %scan3A_202 iter_args(%scan3A_309 = %add3A_16, %scan3A_310 = %select_n3A) -> (i32, i32)  : i32 {
      %mul3A_311 = arith.constant 3 : i32
      %mul3A_312 = arith.muli %scan3A_308, %mul3A_311 : i32
      %add3A_313 = arith.constant 0 : i32
      %add3A_314 = arith.addi %mul3A_312, %add3A_313 : i32
      %ge3A = arith.constant 2 : i32
      %ge3A_315 = arith.cmpi sge, %add3A_314, %ge3A : i32
      %convert_element_type3A_316 = arith.extui %ge3A_315 : i1 to i32
      %cond3A_317 = arith.constant 0 : i32
      %cond3A_318 = arith.cmpi ne, %convert_element_type3A_316, %cond3A_317 : i32
      scf.if %cond3A_318 {
        %sub3A_433 = arith.constant 2 : i32
        %sub3A_434 = arith.subi %add3A_314, %sub3A_433 : i32
        %mul3A_435 = arith.constant 43 : i32
        %mul3A_436 = arith.muli %add3A, %mul3A_435 : i32
        %add3A_437 = arith.addi %mul3A_436, %sub3A_434 : i32
        %mul3A_438 = arith.constant 32768 : i32
        %mul3A_439 = arith.muli %add3A_437, %mul3A_438 : i32
        %dma_wait3A_440 = tpu.memref_slice %arg5[%mul3A_439] : memref<45088768xf32, #tpu.memory_space<hbm>> -> memref<32768xf32, #tpu.memory_space<hbm>>
        %dma_wait3A_441 = tpu.memref_slice %arg5[%mul3A_439] : memref<45088768xf32, #tpu.memory_space<hbm>> -> memref<32768xf32, #tpu.memory_space<hbm>>
        tpu.wait_dma2 semaphore(%arg16 : memref<!tpu.dma_semaphore, #tpu.memory_space<semaphore_mem>>) src(%arg7 : memref<32768xf32, #tpu.memory_space<vmem>>) dst(%dma_wait3A_441 : memref<32768xf32, #tpu.memory_space<hbm>>)
      } else {
      }
      %add3A_319 = arith.constant 1 : i32
      %add3A_320 = arith.addi %add3A_314, %add3A_319 : i32
      %mul3A_321 = arith.constant 43 : i32
      %mul3A_322 = arith.muli %add3A, %mul3A_321 : i32
      %add3A_323 = arith.addi %mul3A_322, %add3A_320 : i32
      %mul3A_324 = arith.constant 32768 : i32
      %mul3A_325 = arith.muli %add3A_323, %mul3A_324 : i32
      %dma_start3A_326 = tpu.memref_slice %arg2[%mul3A_325] : memref<45088768xf32, #tpu.memory_space<hbm>> -> memref<32768xf32, #tpu.memory_space<hbm>>
      %dma_start3A_327 = tpu.memref_slice %arg2[%mul3A_325] : memref<45088768xf32, #tpu.memory_space<hbm>> -> memref<32768xf32, #tpu.memory_space<hbm>>
      tpu.enqueue_dma source(%dma_start3A_327 : memref<32768xf32, #tpu.memory_space<hbm>>) target(%arg7 : memref<32768xf32, #tpu.memory_space<vmem>>) target_semaphore(%arg13 : memref<!tpu.dma_semaphore, #tpu.memory_space<semaphore_mem>>)
      %mul3A_328 = arith.constant 43 : i32
      %mul3A_329 = arith.muli %add3A, %mul3A_328 : i32
      %add3A_330 = arith.addi %mul3A_329, %add3A_314 : i32
      %mul3A_331 = arith.constant 32768 : i32
      %mul3A_332 = arith.muli %add3A_330, %mul3A_331 : i32
      %dma_wait3A_333 = tpu.memref_slice %arg2[%mul3A_332] : memref<45088768xf32, #tpu.memory_space<hbm>> -> memref<32768xf32, #tpu.memory_space<hbm>>
      %dma_wait3A_334 = tpu.memref_slice %arg2[%mul3A_332] : memref<45088768xf32, #tpu.memory_space<hbm>> -> memref<32768xf32, #tpu.memory_space<hbm>>
      tpu.wait_dma2 semaphore(%arg12 : memref<!tpu.dma_semaphore, #tpu.memory_space<semaphore_mem>>) src(%dma_wait3A_334 : memref<32768xf32, #tpu.memory_space<hbm>>) dst(%arg6 : memref<32768xf32, #tpu.memory_space<vmem>>)
      %mul3A_335 = arith.constant 43 : i32
      %mul3A_336 = arith.muli %add3A, %mul3A_335 : i32
      %add3A_337 = arith.addi %mul3A_336, %add3A_314 : i32
      %mul3A_338 = arith.constant 32768 : i32
      %mul3A_339 = arith.muli %add3A_337, %mul3A_338 : i32
      %add3A_340 = arith.constant 32768 : i32
      %add3A_341 = arith.addi %mul3A_339, %add3A_340 : i32
      %while3A_342 = arith.constant false
      %while3A_343:3 = scf.while (%while3A_433 = %scan3A_309, %while3A_434 = %scan3A_310, %while3A_435 = %while3A_342) : (i32, i32, i1) -> (i32, i32, i1) {
        %not3A = arith.constant true
        %not3A_436 = arith.xori %while3A_435, %not3A : i1
        scf.condition(%not3A_436) %while3A_433, %while3A_434, %while3A_435 : i32, i32, i1
      } do {
      ^bb0(%while3A_433: i32, %while3A_434: i32, %while3A_435: i1):
        %jit3A_436 = arith.constant 1024 : i32
        %div3A_437 = arith.divsi %while3A_433, %jit3A_436 : i32
        %sign3A_438 = arith.constant 0 : i32
        %sign3A_439 = arith.cmpi sgt, %while3A_433, %sign3A_438 : i32
        %sign3A_440 = arith.extui %sign3A_439 : i1 to i32
        %sign3A_441 = arith.constant 0 : i32
        %sign3A_442 = arith.cmpi slt, %while3A_433, %sign3A_441 : i32
        %sign3A_443 = arith.extui %sign3A_442 : i1 to i32
        %sign3A_444 = arith.subi %sign3A_440, %sign3A_443 : i32
        %sign3A_445 = arith.constant 0 : i32
        %sign3A_446 = arith.cmpi sgt, %jit3A_436, %sign3A_445 : i32
        %sign3A_447 = arith.extui %sign3A_446 : i1 to i32
        %sign3A_448 = arith.constant 0 : i32
        %sign3A_449 = arith.cmpi slt, %jit3A_436, %sign3A_448 : i32
        %sign3A_450 = arith.extui %sign3A_449 : i1 to i32
        %sign3A_451 = arith.subi %sign3A_447, %sign3A_450 : i32
        %ne3A_452 = arith.cmpi ne, %sign3A_444, %sign3A_451 : i32
        %rem3A_453 = arith.remsi %while3A_433, %jit3A_436 : i32
        %ne3A_454 = arith.constant 0 : i32
        %ne3A_455 = arith.cmpi ne, %rem3A_453, %ne3A_454 : i32
        %and3A_456 = arith.andi %ne3A_452, %ne3A_455 : i1
        %sub3A_457 = arith.constant 1 : i32
        %sub3A_458 = arith.subi %div3A_437, %sub3A_457 : i32
        %select_n3A_459 = arith.select %and3A_456, %sub3A_458, %div3A_437 : i32
        %gt3A = arith.cmpi sgt, %select_n3A_459, %while3A_434 : i32
        %convert_element_type3A_460 = arith.extui %gt3A : i1 to i32
        %cond3A_461 = arith.constant 0 : i32
        %cond3A_462 = arith.cmpi ne, %convert_element_type3A_460, %cond3A_461 : i32
        scf.if %cond3A_462 {
          %jit3A_533 = arith.constant 2 : i32
          %eq3A_534 = arith.constant 0 : i32
          %eq3A_535 = arith.cmpi eq, %jit3A_533, %eq3A_534 : i32
          %jit3A_536 = arith.constant 1 : i32
          %select_n3A_537 = arith.select %eq3A_535, %jit3A_536, %jit3A_533 : i32
          %rem3A_538 = arith.remsi %select_n3A_459, %select_n3A_537 : i32
          %ne3A_539 = arith.constant 0 : i32
          %ne3A_540 = arith.cmpi ne, %rem3A_538, %ne3A_539 : i32
          %lt3A_541 = arith.constant 0 : i32
          %lt3A_542 = arith.cmpi slt, %rem3A_538, %lt3A_541 : i32
          %lt3A_543 = arith.constant 0 : i32
          %lt3A_544 = arith.cmpi slt, %select_n3A_537, %lt3A_543 : i32
          %ne3A_545 = arith.xori %lt3A_542, %lt3A_544 : i1
          %and3A_546 = arith.andi %ne3A_545, %ne3A_540 : i1
          %add3A_547 = arith.addi %rem3A_538, %select_n3A_537 : i32
          %select_n3A_548 = arith.select %and3A_546, %add3A_547, %rem3A_538 : i32
          %eq3A_549 = arith.constant 0 : i32
          %eq3A_550 = arith.cmpi eq, %select_n3A_548, %eq3A_549 : i32
          %lt3A_551 = arith.constant 976 : i32
          %lt3A_552 = arith.cmpi slt, %select_n3A_459, %lt3A_551 : i32
          %and3A_553 = arith.andi %eq3A_550, %lt3A_552 : i1
          %convert_element_type3A_554 = arith.extui %and3A_553 : i1 to i32
          %cond3A_555 = arith.constant 0 : i32
          %cond3A_556 = arith.cmpi ne, %convert_element_type3A_554, %cond3A_555 : i32
          scf.if %cond3A_556 {
            %mul3A_641 = arith.constant 1024 : i32
            %mul3A_642 = arith.muli %select_n3A_459, %mul3A_641 : i32
            %mul3A_643 = arith.constant 1024 : i32
            %mul3A_644 = arith.muli %select_n3A_459, %mul3A_643 : i32
            %dma_wait3A_645 = arith.constant 0 : i32
            %dma_wait3A_646 = tpu.memref_slice %arg9[%dma_wait3A_645] : memref<2048xi32, #tpu.memory_space<vmem>> -> memref<1024xi32, #tpu.memory_space<vmem>>
            %dma_wait3A_647 = tpu.memref_slice %arg3[%mul3A_642] : memref<1000000xi32, #tpu.memory_space<hbm>> -> memref<1024xi32, #tpu.memory_space<hbm>>
            %dma_wait3A_648 = arith.constant 0 : i32
            %dma_wait3A_649 = tpu.memref_slice %arg9[%dma_wait3A_648] : memref<2048xi32, #tpu.memory_space<vmem>> -> memref<1024xi32, #tpu.memory_space<vmem>>
            %dma_wait3A_650 = tpu.memref_slice %arg3[%mul3A_642] : memref<1000000xi32, #tpu.memory_space<hbm>> -> memref<1024xi32, #tpu.memory_space<hbm>>
            tpu.wait_dma2 semaphore(%arg18 : memref<!tpu.dma_semaphore, #tpu.memory_space<semaphore_mem>>) src(%dma_wait3A_650 : memref<1024xi32, #tpu.memory_space<hbm>>) dst(%dma_wait3A_649 : memref<1024xi32, #tpu.memory_space<vmem>>)
            %dma_wait3A_651 = arith.constant 0 : i32
            %dma_wait3A_652 = tpu.memref_slice %arg10[%dma_wait3A_651] : memref<2048xf32, #tpu.memory_space<vmem>> -> memref<1024xf32, #tpu.memory_space<vmem>>
            %dma_wait3A_653 = tpu.memref_slice %arg4[%mul3A_644] : memref<1000000xf32, #tpu.memory_space<hbm>> -> memref<1024xf32, #tpu.memory_space<hbm>>
            %dma_wait3A_654 = arith.constant 0 : i32
            %dma_wait3A_655 = tpu.memref_slice %arg10[%dma_wait3A_654] : memref<2048xf32, #tpu.memory_space<vmem>> -> memref<1024xf32, #tpu.memory_space<vmem>>
            %dma_wait3A_656 = tpu.memref_slice %arg4[%mul3A_644] : memref<1000000xf32, #tpu.memory_space<hbm>> -> memref<1024xf32, #tpu.memory_space<hbm>>
            tpu.wait_dma2 semaphore(%arg18 : memref<!tpu.dma_semaphore, #tpu.memory_space<semaphore_mem>>) src(%dma_wait3A_656 : memref<1024xf32, #tpu.memory_space<hbm>>) dst(%dma_wait3A_655 : memref<1024xf32, #tpu.memory_space<vmem>>)
          } else {
          }
          %jit3A_557 = arith.constant 2 : i32
          %eq3A_558 = arith.constant 0 : i32
          %eq3A_559 = arith.cmpi eq, %jit3A_557, %eq3A_558 : i32
          %jit3A_560 = arith.constant 1 : i32
          %select_n3A_561 = arith.select %eq3A_559, %jit3A_560, %jit3A_557 : i32
          %rem3A_562 = arith.remsi %select_n3A_459, %select_n3A_561 : i32
          %ne3A_563 = arith.constant 0 : i32
          %ne3A_564 = arith.cmpi ne, %rem3A_562, %ne3A_563 : i32
          %lt3A_565 = arith.constant 0 : i32
          %lt3A_566 = arith.cmpi slt, %rem3A_562, %lt3A_565 : i32
          %lt3A_567 = arith.constant 0 : i32
          %lt3A_568 = arith.cmpi slt, %select_n3A_561, %lt3A_567 : i32
          %ne3A_569 = arith.xori %lt3A_566, %lt3A_568 : i1
          %and3A_570 = arith.andi %ne3A_569, %ne3A_564 : i1
          %add3A_571 = arith.addi %rem3A_562, %select_n3A_561 : i32
          %select_n3A_572 = arith.select %and3A_570, %add3A_571, %rem3A_562 : i32
          %eq3A_573 = arith.constant 1 : i32
          %eq3A_574 = arith.cmpi eq, %select_n3A_572, %eq3A_573 : i32
          %lt3A_575 = arith.constant 976 : i32
          %lt3A_576 = arith.cmpi slt, %select_n3A_459, %lt3A_575 : i32
          %and3A_577 = arith.andi %eq3A_574, %lt3A_576 : i1
          %convert_element_type3A_578 = arith.extui %and3A_577 : i1 to i32
          %cond3A_579 = arith.constant 0 : i32
          %cond3A_580 = arith.cmpi ne, %convert_element_type3A_578, %cond3A_579 : i32
          scf.if %cond3A_580 {
            %mul3A_641 = arith.constant 1024 : i32
            %mul3A_642 = arith.muli %select_n3A_459, %mul3A_641 : i32
            %mul3A_643 = arith.constant 1024 : i32
            %mul3A_644 = arith.muli %select_n3A_459, %mul3A_643 : i32
            %dma_wait3A_645 = arith.constant 1024 : i32
            %dma_wait3A_646 = tpu.memref_slice %arg9[%dma_wait3A_645] : memref<2048xi32, #tpu.memory_space<vmem>> -> memref<1024xi32, #tpu.memory_space<vmem>>
            %dma_wait3A_647 = tpu.memref_slice %arg3[%mul3A_642] : memref<1000000xi32, #tpu.memory_space<hbm>> -> memref<1024xi32, #tpu.memory_space<hbm>>
            %dma_wait3A_648 = arith.constant 1024 : i32
            %dma_wait3A_649 = tpu.memref_slice %arg9[%dma_wait3A_648] : memref<2048xi32, #tpu.memory_space<vmem>> -> memref<1024xi32, #tpu.memory_space<vmem>>
            %dma_wait3A_650 = tpu.memref_slice %arg3[%mul3A_642] : memref<1000000xi32, #tpu.memory_space<hbm>> -> memref<1024xi32, #tpu.memory_space<hbm>>
            tpu.wait_dma2 semaphore(%arg19 : memref<!tpu.dma_semaphore, #tpu.memory_space<semaphore_mem>>) src(%dma_wait3A_650 : memref<1024xi32, #tpu.memory_space<hbm>>) dst(%dma_wait3A_649 : memref<1024xi32, #tpu.memory_space<vmem>>)
            %dma_wait3A_651 = arith.constant 1024 : i32
            %dma_wait3A_652 = tpu.memref_slice %arg10[%dma_wait3A_651] : memref<2048xf32, #tpu.memory_space<vmem>> -> memref<1024xf32, #tpu.memory_space<vmem>>
            %dma_wait3A_653 = tpu.memref_slice %arg4[%mul3A_644] : memref<1000000xf32, #tpu.memory_space<hbm>> -> memref<1024xf32, #tpu.memory_space<hbm>>
            %dma_wait3A_654 = arith.constant 1024 : i32
            %dma_wait3A_655 = tpu.memref_slice %arg10[%dma_wait3A_654] : memref<2048xf32, #tpu.memory_space<vmem>> -> memref<1024xf32, #tpu.memory_space<vmem>>
            %dma_wait3A_656 = tpu.memref_slice %arg4[%mul3A_644] : memref<1000000xf32, #tpu.memory_space<hbm>> -> memref<1024xf32, #tpu.memory_space<hbm>>
            tpu.wait_dma2 semaphore(%arg19 : memref<!tpu.dma_semaphore, #tpu.memory_space<semaphore_mem>>) src(%dma_wait3A_656 : memref<1024xf32, #tpu.memory_space<hbm>>) dst(%dma_wait3A_655 : memref<1024xf32, #tpu.memory_space<vmem>>)
          } else {
          }
          %eq3A_581 = arith.constant 976 : i32
          %eq3A_582 = arith.cmpi eq, %select_n3A_459, %eq3A_581 : i32
          %convert_element_type3A_583 = arith.extui %eq3A_582 : i1 to i32
          %cond3A_584 = arith.constant 0 : i32
          %cond3A_585 = arith.cmpi ne, %convert_element_type3A_583, %cond3A_584 : i32
          scf.if %cond3A_585 {
            %dma_wait3A_641 = arith.constant 0 : i32
            %dma_wait3A_642 = tpu.memref_slice %arg9[%dma_wait3A_641] : memref<2048xi32, #tpu.memory_space<vmem>> -> memref<576xi32, #tpu.memory_space<vmem>>
            %dma_wait3A_643 = arith.constant 999424 : i32
            %dma_wait3A_644 = tpu.memref_slice %arg3[%dma_wait3A_643] : memref<1000000xi32, #tpu.memory_space<hbm>> -> memref<576xi32, #tpu.memory_space<hbm>>
            %dma_wait3A_645 = arith.constant 0 : i32
            %dma_wait3A_646 = tpu.memref_slice %arg9[%dma_wait3A_645] : memref<2048xi32, #tpu.memory_space<vmem>> -> memref<576xi32, #tpu.memory_space<vmem>>
            %dma_wait3A_647 = arith.constant 999424 : i32
            %dma_wait3A_648 = tpu.memref_slice %arg3[%dma_wait3A_647] : memref<1000000xi32, #tpu.memory_space<hbm>> -> memref<576xi32, #tpu.memory_space<hbm>>
            tpu.wait_dma2 semaphore(%arg18 : memref<!tpu.dma_semaphore, #tpu.memory_space<semaphore_mem>>) src(%dma_wait3A_648 : memref<576xi32, #tpu.memory_space<hbm>>) dst(%dma_wait3A_646 : memref<576xi32, #tpu.memory_space<vmem>>)
            %dma_wait3A_649 = arith.constant 0 : i32
            %dma_wait3A_650 = tpu.memref_slice %arg10[%dma_wait3A_649] : memref<2048xf32, #tpu.memory_space<vmem>> -> memref<576xf32, #tpu.memory_space<vmem>>
            %dma_wait3A_651 = arith.constant 999424 : i32
            %dma_wait3A_652 = tpu.memref_slice %arg4[%dma_wait3A_651] : memref<1000000xf32, #tpu.memory_space<hbm>> -> memref<576xf32, #tpu.memory_space<hbm>>
            %dma_wait3A_653 = arith.constant 0 : i32
            %dma_wait3A_654 = tpu.memref_slice %arg10[%dma_wait3A_653] : memref<2048xf32, #tpu.memory_space<vmem>> -> memref<576xf32, #tpu.memory_space<vmem>>
            %dma_wait3A_655 = arith.constant 999424 : i32
            %dma_wait3A_656 = tpu.memref_slice %arg4[%dma_wait3A_655] : memref<1000000xf32, #tpu.memory_space<hbm>> -> memref<576xf32, #tpu.memory_space<hbm>>
            tpu.wait_dma2 semaphore(%arg18 : memref<!tpu.dma_semaphore, #tpu.memory_space<semaphore_mem>>) src(%dma_wait3A_656 : memref<576xf32, #tpu.memory_space<hbm>>) dst(%dma_wait3A_654 : memref<576xf32, #tpu.memory_space<vmem>>)
          } else {
          }
          %add3A_586 = arith.constant 1 : i32
          %add3A_587 = arith.addi %select_n3A_459, %add3A_586 : i32
          %jit3A_588 = arith.constant 2 : i32
          %eq3A_589 = arith.constant 0 : i32
          %eq3A_590 = arith.cmpi eq, %jit3A_588, %eq3A_589 : i32
          %jit3A_591 = arith.constant 1 : i32
          %select_n3A_592 = arith.select %eq3A_590, %jit3A_591, %jit3A_588 : i32
          %rem3A_593 = arith.remsi %add3A_587, %select_n3A_592 : i32
          %ne3A_594 = arith.constant 0 : i32
          %ne3A_595 = arith.cmpi ne, %rem3A_593, %ne3A_594 : i32
          %lt3A_596 = arith.constant 0 : i32
          %lt3A_597 = arith.cmpi slt, %rem3A_593, %lt3A_596 : i32
          %lt3A_598 = arith.constant 0 : i32
          %lt3A_599 = arith.cmpi slt, %select_n3A_592, %lt3A_598 : i32
          %ne3A_600 = arith.xori %lt3A_597, %lt3A_599 : i1
          %and3A_601 = arith.andi %ne3A_600, %ne3A_595 : i1
          %add3A_602 = arith.addi %rem3A_593, %select_n3A_592 : i32
          %select_n3A_603 = arith.select %and3A_601, %add3A_602, %rem3A_593 : i32
          %eq3A_604 = arith.constant 0 : i32
          %eq3A_605 = arith.cmpi eq, %select_n3A_603, %eq3A_604 : i32
          %lt3A_606 = arith.constant 976 : i32
          %lt3A_607 = arith.cmpi slt, %add3A_587, %lt3A_606 : i32
          %and3A_608 = arith.andi %eq3A_605, %lt3A_607 : i1
          %convert_element_type3A_609 = arith.extui %and3A_608 : i1 to i32
          %cond3A_610 = arith.constant 0 : i32
          %cond3A_611 = arith.cmpi ne, %convert_element_type3A_609, %cond3A_610 : i32
          scf.if %cond3A_611 {
            %mul3A_641 = arith.constant 1024 : i32
            %mul3A_642 = arith.muli %add3A_587, %mul3A_641 : i32
            %mul3A_643 = arith.constant 1024 : i32
            %mul3A_644 = arith.muli %add3A_587, %mul3A_643 : i32
            %dma_start3A_645 = arith.constant 0 : i32
            %dma_start3A_646 = tpu.memref_slice %arg9[%dma_start3A_645] : memref<2048xi32, #tpu.memory_space<vmem>> -> memref<1024xi32, #tpu.memory_space<vmem>>
            %dma_start3A_647 = tpu.memref_slice %arg3[%mul3A_642] : memref<1000000xi32, #tpu.memory_space<hbm>> -> memref<1024xi32, #tpu.memory_space<hbm>>
            %dma_start3A_648 = arith.constant 0 : i32
            %dma_start3A_649 = tpu.memref_slice %arg9[%dma_start3A_648] : memref<2048xi32, #tpu.memory_space<vmem>> -> memref<1024xi32, #tpu.memory_space<vmem>>
            %dma_start3A_650 = tpu.memref_slice %arg3[%mul3A_642] : memref<1000000xi32, #tpu.memory_space<hbm>> -> memref<1024xi32, #tpu.memory_space<hbm>>
            tpu.enqueue_dma source(%dma_start3A_650 : memref<1024xi32, #tpu.memory_space<hbm>>) target(%dma_start3A_649 : memref<1024xi32, #tpu.memory_space<vmem>>) target_semaphore(%arg18 : memref<!tpu.dma_semaphore, #tpu.memory_space<semaphore_mem>>)
            %dma_start3A_651 = arith.constant 0 : i32
            %dma_start3A_652 = tpu.memref_slice %arg10[%dma_start3A_651] : memref<2048xf32, #tpu.memory_space<vmem>> -> memref<1024xf32, #tpu.memory_space<vmem>>
            %dma_start3A_653 = tpu.memref_slice %arg4[%mul3A_644] : memref<1000000xf32, #tpu.memory_space<hbm>> -> memref<1024xf32, #tpu.memory_space<hbm>>
            %dma_start3A_654 = arith.constant 0 : i32
            %dma_start3A_655 = tpu.memref_slice %arg10[%dma_start3A_654] : memref<2048xf32, #tpu.memory_space<vmem>> -> memref<1024xf32, #tpu.memory_space<vmem>>
            %dma_start3A_656 = tpu.memref_slice %arg4[%mul3A_644] : memref<1000000xf32, #tpu.memory_space<hbm>> -> memref<1024xf32, #tpu.memory_space<hbm>>
            tpu.enqueue_dma source(%dma_start3A_656 : memref<1024xf32, #tpu.memory_space<hbm>>) target(%dma_start3A_655 : memref<1024xf32, #tpu.memory_space<vmem>>) target_semaphore(%arg18 : memref<!tpu.dma_semaphore, #tpu.memory_space<semaphore_mem>>)
          } else {
          }
          %jit3A_612 = arith.constant 2 : i32
          %eq3A_613 = arith.constant 0 : i32
          %eq3A_614 = arith.cmpi eq, %jit3A_612, %eq3A_613 : i32
          %jit3A_615 = arith.constant 1 : i32
          %select_n3A_616 = arith.select %eq3A_614, %jit3A_615, %jit3A_612 : i32
          %rem3A_617 = arith.remsi %add3A_587, %select_n3A_616 : i32
          %ne3A_618 = arith.constant 0 : i32
          %ne3A_619 = arith.cmpi ne, %rem3A_617, %ne3A_618 : i32
          %lt3A_620 = arith.constant 0 : i32
          %lt3A_621 = arith.cmpi slt, %rem3A_617, %lt3A_620 : i32
          %lt3A_622 = arith.constant 0 : i32
          %lt3A_623 = arith.cmpi slt, %select_n3A_616, %lt3A_622 : i32
          %ne3A_624 = arith.xori %lt3A_621, %lt3A_623 : i1
          %and3A_625 = arith.andi %ne3A_624, %ne3A_619 : i1
          %add3A_626 = arith.addi %rem3A_617, %select_n3A_616 : i32
          %select_n3A_627 = arith.select %and3A_625, %add3A_626, %rem3A_617 : i32
          %eq3A_628 = arith.constant 1 : i32
          %eq3A_629 = arith.cmpi eq, %select_n3A_627, %eq3A_628 : i32
          %lt3A_630 = arith.constant 976 : i32
          %lt3A_631 = arith.cmpi slt, %add3A_587, %lt3A_630 : i32
          %and3A_632 = arith.andi %eq3A_629, %lt3A_631 : i1
          %convert_element_type3A_633 = arith.extui %and3A_632 : i1 to i32
          %cond3A_634 = arith.constant 0 : i32
          %cond3A_635 = arith.cmpi ne, %convert_element_type3A_633, %cond3A_634 : i32
          scf.if %cond3A_635 {
            %mul3A_641 = arith.constant 1024 : i32
            %mul3A_642 = arith.muli %add3A_587, %mul3A_641 : i32
            %mul3A_643 = arith.constant 1024 : i32
            %mul3A_644 = arith.muli %add3A_587, %mul3A_643 : i32
            %dma_start3A_645 = arith.constant 1024 : i32
            %dma_start3A_646 = tpu.memref_slice %arg9[%dma_start3A_645] : memref<2048xi32, #tpu.memory_space<vmem>> -> memref<1024xi32, #tpu.memory_space<vmem>>
            %dma_start3A_647 = tpu.memref_slice %arg3[%mul3A_642] : memref<1000000xi32, #tpu.memory_space<hbm>> -> memref<1024xi32, #tpu.memory_space<hbm>>
            %dma_start3A_648 = arith.constant 1024 : i32
            %dma_start3A_649 = tpu.memref_slice %arg9[%dma_start3A_648] : memref<2048xi32, #tpu.memory_space<vmem>> -> memref<1024xi32, #tpu.memory_space<vmem>>
            %dma_start3A_650 = tpu.memref_slice %arg3[%mul3A_642] : memref<1000000xi32, #tpu.memory_space<hbm>> -> memref<1024xi32, #tpu.memory_space<hbm>>
            tpu.enqueue_dma source(%dma_start3A_650 : memref<1024xi32, #tpu.memory_space<hbm>>) target(%dma_start3A_649 : memref<1024xi32, #tpu.memory_space<vmem>>) target_semaphore(%arg19 : memref<!tpu.dma_semaphore, #tpu.memory_space<semaphore_mem>>)
            %dma_start3A_651 = arith.constant 1024 : i32
            %dma_start3A_652 = tpu.memref_slice %arg10[%dma_start3A_651] : memref<2048xf32, #tpu.memory_space<vmem>> -> memref<1024xf32, #tpu.memory_space<vmem>>
            %dma_start3A_653 = tpu.memref_slice %arg4[%mul3A_644] : memref<1000000xf32, #tpu.memory_space<hbm>> -> memref<1024xf32, #tpu.memory_space<hbm>>
            %dma_start3A_654 = arith.constant 1024 : i32
            %dma_start3A_655 = tpu.memref_slice %arg10[%dma_start3A_654] : memref<2048xf32, #tpu.memory_space<vmem>> -> memref<1024xf32, #tpu.memory_space<vmem>>
            %dma_start3A_656 = tpu.memref_slice %arg4[%mul3A_644] : memref<1000000xf32, #tpu.memory_space<hbm>> -> memref<1024xf32, #tpu.memory_space<hbm>>
            tpu.enqueue_dma source(%dma_start3A_656 : memref<1024xf32, #tpu.memory_space<hbm>>) target(%dma_start3A_655 : memref<1024xf32, #tpu.memory_space<vmem>>) target_semaphore(%arg19 : memref<!tpu.dma_semaphore, #tpu.memory_space<semaphore_mem>>)
          } else {
          }
          %eq3A_636 = arith.constant 976 : i32
          %eq3A_637 = arith.cmpi eq, %add3A_587, %eq3A_636 : i32
          %convert_element_type3A_638 = arith.extui %eq3A_637 : i1 to i32
          %cond3A_639 = arith.constant 0 : i32
          %cond3A_640 = arith.cmpi ne, %convert_element_type3A_638, %cond3A_639 : i32
          scf.if %cond3A_640 {
            %dma_start3A_641 = arith.constant 0 : i32
            %dma_start3A_642 = tpu.memref_slice %arg9[%dma_start3A_641] : memref<2048xi32, #tpu.memory_space<vmem>> -> memref<576xi32, #tpu.memory_space<vmem>>
            %dma_start3A_643 = arith.constant 999424 : i32
            %dma_start3A_644 = tpu.memref_slice %arg3[%dma_start3A_643] : memref<1000000xi32, #tpu.memory_space<hbm>> -> memref<576xi32, #tpu.memory_space<hbm>>
            %dma_start3A_645 = arith.constant 0 : i32
            %dma_start3A_646 = tpu.memref_slice %arg9[%dma_start3A_645] : memref<2048xi32, #tpu.memory_space<vmem>> -> memref<576xi32, #tpu.memory_space<vmem>>
            %dma_start3A_647 = arith.constant 999424 : i32
            %dma_start3A_648 = tpu.memref_slice %arg3[%dma_start3A_647] : memref<1000000xi32, #tpu.memory_space<hbm>> -> memref<576xi32, #tpu.memory_space<hbm>>
            tpu.enqueue_dma source(%dma_start3A_648 : memref<576xi32, #tpu.memory_space<hbm>>) target(%dma_start3A_646 : memref<576xi32, #tpu.memory_space<vmem>>) target_semaphore(%arg18 : memref<!tpu.dma_semaphore, #tpu.memory_space<semaphore_mem>>)
            %dma_start3A_649 = arith.constant 0 : i32
            %dma_start3A_650 = tpu.memref_slice %arg10[%dma_start3A_649] : memref<2048xf32, #tpu.memory_space<vmem>> -> memref<576xf32, #tpu.memory_space<vmem>>
            %dma_start3A_651 = arith.constant 999424 : i32
            %dma_start3A_652 = tpu.memref_slice %arg4[%dma_start3A_651] : memref<1000000xf32, #tpu.memory_space<hbm>> -> memref<576xf32, #tpu.memory_space<hbm>>
            %dma_start3A_653 = arith.constant 0 : i32
            %dma_start3A_654 = tpu.memref_slice %arg10[%dma_start3A_653] : memref<2048xf32, #tpu.memory_space<vmem>> -> memref<576xf32, #tpu.memory_space<vmem>>
            %dma_start3A_655 = arith.constant 999424 : i32
            %dma_start3A_656 = tpu.memref_slice %arg4[%dma_start3A_655] : memref<1000000xf32, #tpu.memory_space<hbm>> -> memref<576xf32, #tpu.memory_space<hbm>>
            tpu.enqueue_dma source(%dma_start3A_656 : memref<576xf32, #tpu.memory_space<hbm>>) target(%dma_start3A_654 : memref<576xf32, #tpu.memory_space<vmem>>) target_semaphore(%arg18 : memref<!tpu.dma_semaphore, #tpu.memory_space<semaphore_mem>>)
          } else {
          }
        } else {
        }
        %max3A_463 = arith.maxsi %while3A_434, %select_n3A_459 : i32
        %jit3A_464 = arith.constant 16 : i32
        %div3A_465 = arith.divsi %while3A_433, %jit3A_464 : i32
        %sign3A_466 = arith.constant 0 : i32
        %sign3A_467 = arith.cmpi sgt, %while3A_433, %sign3A_466 : i32
        %sign3A_468 = arith.extui %sign3A_467 : i1 to i32
        %sign3A_469 = arith.constant 0 : i32
        %sign3A_470 = arith.cmpi slt, %while3A_433, %sign3A_469 : i32
        %sign3A_471 = arith.extui %sign3A_470 : i1 to i32
        %sign3A_472 = arith.subi %sign3A_468, %sign3A_471 : i32
        %sign3A_473 = arith.constant 0 : i32
        %sign3A_474 = arith.cmpi sgt, %jit3A_464, %sign3A_473 : i32
        %sign3A_475 = arith.extui %sign3A_474 : i1 to i32
        %sign3A_476 = arith.constant 0 : i32
        %sign3A_477 = arith.cmpi slt, %jit3A_464, %sign3A_476 : i32
        %sign3A_478 = arith.extui %sign3A_477 : i1 to i32
        %sign3A_479 = arith.subi %sign3A_475, %sign3A_478 : i32
        %ne3A_480 = arith.cmpi ne, %sign3A_472, %sign3A_479 : i32
        %rem3A_481 = arith.remsi %while3A_433, %jit3A_464 : i32
        %ne3A_482 = arith.constant 0 : i32
        %ne3A_483 = arith.cmpi ne, %rem3A_481, %ne3A_482 : i32
        %and3A_484 = arith.andi %ne3A_480, %ne3A_483 : i1
        %sub3A_485 = arith.constant 1 : i32
        %sub3A_486 = arith.subi %div3A_465, %sub3A_485 : i32
        %select_n3A_487 = arith.select %and3A_484, %sub3A_486, %div3A_465 : i32
        %mul3A_488 = arith.constant 16 : i32
        %mul3A_489 = arith.muli %select_n3A_487, %mul3A_488 : i32
        %jit3A_490 = arith.constant 2048 : i32
        %eq3A_491 = arith.constant 0 : i32
        %eq3A_492 = arith.cmpi eq, %jit3A_490, %eq3A_491 : i32
        %jit3A_493 = arith.constant 1 : i32
        %select_n3A_494 = arith.select %eq3A_492, %jit3A_493, %jit3A_490 : i32
        %rem3A_495 = arith.remsi %mul3A_489, %select_n3A_494 : i32
        %ne3A_496 = arith.constant 0 : i32
        %ne3A_497 = arith.cmpi ne, %rem3A_495, %ne3A_496 : i32
        %lt3A_498 = arith.constant 0 : i32
        %lt3A_499 = arith.cmpi slt, %rem3A_495, %lt3A_498 : i32
        %lt3A_500 = arith.constant 0 : i32
        %lt3A_501 = arith.cmpi slt, %select_n3A_494, %lt3A_500 : i32
        %ne3A_502 = arith.xori %lt3A_499, %lt3A_501 : i1
        %and3A_503 = arith.andi %ne3A_502, %ne3A_497 : i1
        %add3A_504 = arith.addi %rem3A_495, %select_n3A_494 : i32
        %select_n3A_505 = arith.select %and3A_503, %add3A_504, %rem3A_495 : i32
        %get3A_506 = arith.index_cast %select_n3A_505 : i32 to index
        %get3A_507 = tpu.vector_load %arg9[%get3A_506] {strides = array<i32>} : memref<2048xi32, #tpu.memory_space<vmem>>, vector<16xi32>,
        %get3A_508 = arith.index_cast %select_n3A_505 : i32 to index
        %get3A_509 = tpu.vector_load %arg10[%get3A_508] {strides = array<i32>} : memref<2048xf32, #tpu.memory_space<vmem>>, vector<16xf32>,
        %iota3A = tpu.iota {dimensions = array<i32: 0>} : vector<16xi32>
        %add3A_510 = vector.broadcast %mul3A_489 : i32 to vector<16xi32>
        %add3A_511 = arith.addi %add3A_510, %iota3A : vector<16xi32>
        %ge3A_512 = vector.broadcast %while3A_433 : i32 to vector<16xi32>
        %ge3A_513 = arith.cmpi sge, %add3A_511, %ge3A_512 : vector<16xi32>
        %lt3A_514 = arith.constant 1000000 : i32
        %lt3A_515 = vector.broadcast %lt3A_514 : i32 to vector<16xi32>
        %lt3A_516 = arith.cmpi slt, %add3A_511, %lt3A_515 : vector<16xi32>
        %and3A_517 = arith.andi %ge3A_513, %lt3A_516 : vector<16xi1>
        %lt3A_518 = vector.broadcast %add3A_341 : i32 to vector<16xi32>
        %lt3A_519 = arith.cmpi slt, %get3A_507, %lt3A_518 : vector<16xi32>
        %and3A_520 = arith.andi %and3A_517, %lt3A_519 : vector<16xi1>
        %sub3A_521 = vector.broadcast %mul3A_339 : i32 to vector<16xi32>
        %sub3A_522 = arith.subi %get3A_507, %sub3A_521 : vector<16xi32>
        %jit3A_523 = arith.constant 0 : i32
        %broadcast_in_dim3A = vector.broadcast %jit3A_523 : i32 to vector<16xi32>
        %select_n3A_524 = arith.select %and3A_520, %sub3A_522, %broadcast_in_dim3A : vector<16xi1>, vector<16xi32>
        tpu.vector_store_idx %arg6[%select_n3A_524], %get3A_509 masked %and3A_520 {add = true} : memref<32768xf32, #tpu.memory_space<vmem>>[vector<16xi32>], vector<16xf32>, vector<16xi1>
        %all_reduce_population_count3A_525 = tpu.all_reduce %and3A_520 {dim = 0 : i64, kind = #tpu.reduction_kind<sum>} : vector<16xi1> -> vector<16xi32>
        %slice3A_526 = vector.extract_strided_slice %all_reduce_population_count3A_525 {offsets = [0], sizes = [1], strides = [1]} : vector<16xi32> to vector<1xi32>
        %squeeze3A_527 = vector.extract %slice3A_526[0] : i32 from vector<1xi32>
        %sub3A_528 = arith.subi %while3A_433, %mul3A_489 : i32
        %sub3A_529 = arith.constant 16 : i32
        %sub3A_530 = arith.subi %sub3A_529, %sub3A_528 : i32
        %lt3A_531 = arith.cmpi slt, %squeeze3A_527, %sub3A_530 : i32
        %add3A_532 = arith.addi %while3A_433, %squeeze3A_527 : i32
        scf.yield %add3A_532, %max3A_463, %lt3A_531 : i32, i32, i1
      }
      %mul3A_344 = arith.constant 43 : i32
      %mul3A_345 = arith.muli %add3A, %mul3A_344 : i32
      %add3A_346 = arith.addi %mul3A_345, %add3A_314 : i32
      %mul3A_347 = arith.constant 32768 : i32
      %mul3A_348 = arith.muli %add3A_346, %mul3A_347 : i32
      %dma_start3A_349 = tpu.memref_slice %arg5[%mul3A_348] : memref<45088768xf32, #tpu.memory_space<hbm>> -> memref<32768xf32, #tpu.memory_space<hbm>>
      %dma_start3A_350 = tpu.memref_slice %arg5[%mul3A_348] : memref<45088768xf32, #tpu.memory_space<hbm>> -> memref<32768xf32, #tpu.memory_space<hbm>>
      tpu.enqueue_dma source(%arg6 : memref<32768xf32, #tpu.memory_space<vmem>>) target(%dma_start3A_350 : memref<32768xf32, #tpu.memory_space<hbm>>) target_semaphore(%arg15 : memref<!tpu.dma_semaphore, #tpu.memory_space<semaphore_mem>>)
      %mul3A_351 = arith.constant 3 : i32
      %mul3A_352 = arith.muli %scan3A_308, %mul3A_351 : i32
      %add3A_353 = arith.constant 1 : i32
      %add3A_354 = arith.addi %mul3A_352, %add3A_353 : i32
      %ge3A_355 = arith.constant 2 : i32
      %ge3A_356 = arith.cmpi sge, %add3A_354, %ge3A_355 : i32
      %convert_element_type3A_357 = arith.extui %ge3A_356 : i1 to i32
      %cond3A_358 = arith.constant 0 : i32
      %cond3A_359 = arith.cmpi ne, %convert_element_type3A_357, %cond3A_358 : i32
      scf.if %cond3A_359 {
        %sub3A_433 = arith.constant 2 : i32
        %sub3A_434 = arith.subi %add3A_354, %sub3A_433 : i32
        %mul3A_435 = arith.constant 43 : i32
        %mul3A_436 = arith.muli %add3A, %mul3A_435 : i32
        %add3A_437 = arith.addi %mul3A_436, %sub3A_434 : i32
        %mul3A_438 = arith.constant 32768 : i32
        %mul3A_439 = arith.muli %add3A_437, %mul3A_438 : i32
        %dma_wait3A_440 = tpu.memref_slice %arg5[%mul3A_439] : memref<45088768xf32, #tpu.memory_space<hbm>> -> memref<32768xf32, #tpu.memory_space<hbm>>
        %dma_wait3A_441 = tpu.memref_slice %arg5[%mul3A_439] : memref<45088768xf32, #tpu.memory_space<hbm>> -> memref<32768xf32, #tpu.memory_space<hbm>>
        tpu.wait_dma2 semaphore(%arg17 : memref<!tpu.dma_semaphore, #tpu.memory_space<semaphore_mem>>) src(%arg8 : memref<32768xf32, #tpu.memory_space<vmem>>) dst(%dma_wait3A_441 : memref<32768xf32, #tpu.memory_space<hbm>>)
      } else {
      }
      %add3A_360 = arith.constant 1 : i32
      %add3A_361 = arith.addi %add3A_354, %add3A_360 : i32
      %mul3A_362 = arith.constant 43 : i32
      %mul3A_363 = arith.muli %add3A, %mul3A_362 : i32
      %add3A_364 = arith.addi %mul3A_363, %add3A_361 : i32
      %mul3A_365 = arith.constant 32768 : i32
      %mul3A_366 = arith.muli %add3A_364, %mul3A_365 : i32
      %dma_start3A_367 = tpu.memref_slice %arg2[%mul3A_366] : memref<45088768xf32, #tpu.memory_space<hbm>> -> memref<32768xf32, #tpu.memory_space<hbm>>
      %dma_start3A_368 = tpu.memref_slice %arg2[%mul3A_366] : memref<45088768xf32, #tpu.memory_space<hbm>> -> memref<32768xf32, #tpu.memory_space<hbm>>
      tpu.enqueue_dma source(%dma_start3A_368 : memref<32768xf32, #tpu.memory_space<hbm>>) target(%arg8 : memref<32768xf32, #tpu.memory_space<vmem>>) target_semaphore(%arg14 : memref<!tpu.dma_semaphore, #tpu.memory_space<semaphore_mem>>)
      %mul3A_369 = arith.constant 43 : i32
      %mul3A_370 = arith.muli %add3A, %mul3A_369 : i32
      %add3A_371 = arith.addi %mul3A_370, %add3A_354 : i32
      %mul3A_372 = arith.constant 32768 : i32
      %mul3A_373 = arith.muli %add3A_371, %mul3A_372 : i32
      %dma_wait3A_374 = tpu.memref_slice %arg2[%mul3A_373] : memref<45088768xf32, #tpu.memory_space<hbm>> -> memref<32768xf32, #tpu.memory_space<hbm>>
      %dma_wait3A_375 = tpu.memref_slice %arg2[%mul3A_373] : memref<45088768xf32, #tpu.memory_space<hbm>> -> memref<32768xf32, #tpu.memory_space<hbm>>
      tpu.wait_dma2 semaphore(%arg13 : memref<!tpu.dma_semaphore, #tpu.memory_space<semaphore_mem>>) src(%dma_wait3A_375 : memref<32768xf32, #tpu.memory_space<hbm>>) dst(%arg7 : memref<32768xf32, #tpu.memory_space<vmem>>)
      %mul3A_376 = arith.constant 43 : i32
      %mul3A_377 = arith.muli %add3A, %mul3A_376 : i32
      %add3A_378 = arith.addi %mul3A_377, %add3A_354 : i32
      %mul3A_379 = arith.constant 32768 : i32
      %mul3A_380 = arith.muli %add3A_378, %mul3A_379 : i32
      %add3A_381 = arith.constant 32768 : i32
      %add3A_382 = arith.addi %mul3A_380, %add3A_381 : i32
      %while3A_383 = arith.constant false
      %while3A_384:3 = scf.while (%while3A_433 = %while3A_343#0, %while3A_434 = %while3A_343#1, %while3A_435 = %while3A_383) : (i32, i32, i1) -> (i32, i32, i1) {
        %not3A = arith.constant true
        %not3A_436 = arith.xori %while3A_435, %not3A : i1
        scf.condition(%not3A_436) %while3A_433, %while3A_434, %while3A_435 : i32, i32, i1
      } do {
      ^bb0(%while3A_433: i32, %while3A_434: i32, %while3A_435: i1):
        %jit3A_436 = arith.constant 1024 : i32
        %div3A_437 = arith.divsi %while3A_433, %jit3A_436 : i32
        %sign3A_438 = arith.constant 0 : i32
        %sign3A_439 = arith.cmpi sgt, %while3A_433, %sign3A_438 : i32
        %sign3A_440 = arith.extui %sign3A_439 : i1 to i32
        %sign3A_441 = arith.constant 0 : i32
        %sign3A_442 = arith.cmpi slt, %while3A_433, %sign3A_441 : i32
        %sign3A_443 = arith.extui %sign3A_442 : i1 to i32
        %sign3A_444 = arith.subi %sign3A_440, %sign3A_443 : i32
        %sign3A_445 = arith.constant 0 : i32
        %sign3A_446 = arith.cmpi sgt, %jit3A_436, %sign3A_445 : i32
        %sign3A_447 = arith.extui %sign3A_446 : i1 to i32
        %sign3A_448 = arith.constant 0 : i32
        %sign3A_449 = arith.cmpi slt, %jit3A_436, %sign3A_448 : i32
        %sign3A_450 = arith.extui %sign3A_449 : i1 to i32
        %sign3A_451 = arith.subi %sign3A_447, %sign3A_450 : i32
        %ne3A_452 = arith.cmpi ne, %sign3A_444, %sign3A_451 : i32
        %rem3A_453 = arith.remsi %while3A_433, %jit3A_436 : i32
        %ne3A_454 = arith.constant 0 : i32
        %ne3A_455 = arith.cmpi ne, %rem3A_453, %ne3A_454 : i32
        %and3A_456 = arith.andi %ne3A_452, %ne3A_455 : i1
        %sub3A_457 = arith.constant 1 : i32
        %sub3A_458 = arith.subi %div3A_437, %sub3A_457 : i32
        %select_n3A_459 = arith.select %and3A_456, %sub3A_458, %div3A_437 : i32
        %gt3A = arith.cmpi sgt, %select_n3A_459, %while3A_434 : i32
        %convert_element_type3A_460 = arith.extui %gt3A : i1 to i32
        %cond3A_461 = arith.constant 0 : i32
        %cond3A_462 = arith.cmpi ne, %convert_element_type3A_460, %cond3A_461 : i32
        scf.if %cond3A_462 {
          %jit3A_533 = arith.constant 2 : i32
          %eq3A_534 = arith.constant 0 : i32
          %eq3A_535 = arith.cmpi eq, %jit3A_533, %eq3A_534 : i32
          %jit3A_536 = arith.constant 1 : i32
          %select_n3A_537 = arith.select %eq3A_535, %jit3A_536, %jit3A_533 : i32
          %rem3A_538 = arith.remsi %select_n3A_459, %select_n3A_537 : i32
          %ne3A_539 = arith.constant 0 : i32
          %ne3A_540 = arith.cmpi ne, %rem3A_538, %ne3A_539 : i32
          %lt3A_541 = arith.constant 0 : i32
          %lt3A_542 = arith.cmpi slt, %rem3A_538, %lt3A_541 : i32
          %lt3A_543 = arith.constant 0 : i32
          %lt3A_544 = arith.cmpi slt, %select_n3A_537, %lt3A_543 : i32
          %ne3A_545 = arith.xori %lt3A_542, %lt3A_544 : i1
          %and3A_546 = arith.andi %ne3A_545, %ne3A_540 : i1
          %add3A_547 = arith.addi %rem3A_538, %select_n3A_537 : i32
          %select_n3A_548 = arith.select %and3A_546, %add3A_547, %rem3A_538 : i32
          %eq3A_549 = arith.constant 0 : i32
          %eq3A_550 = arith.cmpi eq, %select_n3A_548, %eq3A_549 : i32
          %lt3A_551 = arith.constant 976 : i32
          %lt3A_552 = arith.cmpi slt, %select_n3A_459, %lt3A_551 : i32
          %and3A_553 = arith.andi %eq3A_550, %lt3A_552 : i1
          %convert_element_type3A_554 = arith.extui %and3A_553 : i1 to i32
          %cond3A_555 = arith.constant 0 : i32
          %cond3A_556 = arith.cmpi ne, %convert_element_type3A_554, %cond3A_555 : i32
          scf.if %cond3A_556 {
            %mul3A_641 = arith.constant 1024 : i32
            %mul3A_642 = arith.muli %select_n3A_459, %mul3A_641 : i32
            %mul3A_643 = arith.constant 1024 : i32
            %mul3A_644 = arith.muli %select_n3A_459, %mul3A_643 : i32
            %dma_wait3A_645 = arith.constant 0 : i32
            %dma_wait3A_646 = tpu.memref_slice %arg9[%dma_wait3A_645] : memref<2048xi32, #tpu.memory_space<vmem>> -> memref<1024xi32, #tpu.memory_space<vmem>>
            %dma_wait3A_647 = tpu.memref_slice %arg3[%mul3A_642] : memref<1000000xi32, #tpu.memory_space<hbm>> -> memref<1024xi32, #tpu.memory_space<hbm>>
            %dma_wait3A_648 = arith.constant 0 : i32
            %dma_wait3A_649 = tpu.memref_slice %arg9[%dma_wait3A_648] : memref<2048xi32, #tpu.memory_space<vmem>> -> memref<1024xi32, #tpu.memory_space<vmem>>
            %dma_wait3A_650 = tpu.memref_slice %arg3[%mul3A_642] : memref<1000000xi32, #tpu.memory_space<hbm>> -> memref<1024xi32, #tpu.memory_space<hbm>>
            tpu.wait_dma2 semaphore(%arg18 : memref<!tpu.dma_semaphore, #tpu.memory_space<semaphore_mem>>) src(%dma_wait3A_650 : memref<1024xi32, #tpu.memory_space<hbm>>) dst(%dma_wait3A_649 : memref<1024xi32, #tpu.memory_space<vmem>>)
            %dma_wait3A_651 = arith.constant 0 : i32
            %dma_wait3A_652 = tpu.memref_slice %arg10[%dma_wait3A_651] : memref<2048xf32, #tpu.memory_space<vmem>> -> memref<1024xf32, #tpu.memory_space<vmem>>
            %dma_wait3A_653 = tpu.memref_slice %arg4[%mul3A_644] : memref<1000000xf32, #tpu.memory_space<hbm>> -> memref<1024xf32, #tpu.memory_space<hbm>>
            %dma_wait3A_654 = arith.constant 0 : i32
            %dma_wait3A_655 = tpu.memref_slice %arg10[%dma_wait3A_654] : memref<2048xf32, #tpu.memory_space<vmem>> -> memref<1024xf32, #tpu.memory_space<vmem>>
            %dma_wait3A_656 = tpu.memref_slice %arg4[%mul3A_644] : memref<1000000xf32, #tpu.memory_space<hbm>> -> memref<1024xf32, #tpu.memory_space<hbm>>
            tpu.wait_dma2 semaphore(%arg18 : memref<!tpu.dma_semaphore, #tpu.memory_space<semaphore_mem>>) src(%dma_wait3A_656 : memref<1024xf32, #tpu.memory_space<hbm>>) dst(%dma_wait3A_655 : memref<1024xf32, #tpu.memory_space<vmem>>)
          } else {
          }
          %jit3A_557 = arith.constant 2 : i32
          %eq3A_558 = arith.constant 0 : i32
          %eq3A_559 = arith.cmpi eq, %jit3A_557, %eq3A_558 : i32
          %jit3A_560 = arith.constant 1 : i32
          %select_n3A_561 = arith.select %eq3A_559, %jit3A_560, %jit3A_557 : i32
          %rem3A_562 = arith.remsi %select_n3A_459, %select_n3A_561 : i32
          %ne3A_563 = arith.constant 0 : i32
          %ne3A_564 = arith.cmpi ne, %rem3A_562, %ne3A_563 : i32
          %lt3A_565 = arith.constant 0 : i32
          %lt3A_566 = arith.cmpi slt, %rem3A_562, %lt3A_565 : i32
          %lt3A_567 = arith.constant 0 : i32
          %lt3A_568 = arith.cmpi slt, %select_n3A_561, %lt3A_567 : i32
          %ne3A_569 = arith.xori %lt3A_566, %lt3A_568 : i1
          %and3A_570 = arith.andi %ne3A_569, %ne3A_564 : i1
          %add3A_571 = arith.addi %rem3A_562, %select_n3A_561 : i32
          %select_n3A_572 = arith.select %and3A_570, %add3A_571, %rem3A_562 : i32
          %eq3A_573 = arith.constant 1 : i32
          %eq3A_574 = arith.cmpi eq, %select_n3A_572, %eq3A_573 : i32
          %lt3A_575 = arith.constant 976 : i32
          %lt3A_576 = arith.cmpi slt, %select_n3A_459, %lt3A_575 : i32
          %and3A_577 = arith.andi %eq3A_574, %lt3A_576 : i1
          %convert_element_type3A_578 = arith.extui %and3A_577 : i1 to i32
          %cond3A_579 = arith.constant 0 : i32
          %cond3A_580 = arith.cmpi ne, %convert_element_type3A_578, %cond3A_579 : i32
          scf.if %cond3A_580 {
            %mul3A_641 = arith.constant 1024 : i32
            %mul3A_642 = arith.muli %select_n3A_459, %mul3A_641 : i32
            %mul3A_643 = arith.constant 1024 : i32
            %mul3A_644 = arith.muli %select_n3A_459, %mul3A_643 : i32
            %dma_wait3A_645 = arith.constant 1024 : i32
            %dma_wait3A_646 = tpu.memref_slice %arg9[%dma_wait3A_645] : memref<2048xi32, #tpu.memory_space<vmem>> -> memref<1024xi32, #tpu.memory_space<vmem>>
            %dma_wait3A_647 = tpu.memref_slice %arg3[%mul3A_642] : memref<1000000xi32, #tpu.memory_space<hbm>> -> memref<1024xi32, #tpu.memory_space<hbm>>
            %dma_wait3A_648 = arith.constant 1024 : i32
            %dma_wait3A_649 = tpu.memref_slice %arg9[%dma_wait3A_648] : memref<2048xi32, #tpu.memory_space<vmem>> -> memref<1024xi32, #tpu.memory_space<vmem>>
            %dma_wait3A_650 = tpu.memref_slice %arg3[%mul3A_642] : memref<1000000xi32, #tpu.memory_space<hbm>> -> memref<1024xi32, #tpu.memory_space<hbm>>
            tpu.wait_dma2 semaphore(%arg19 : memref<!tpu.dma_semaphore, #tpu.memory_space<semaphore_mem>>) src(%dma_wait3A_650 : memref<1024xi32, #tpu.memory_space<hbm>>) dst(%dma_wait3A_649 : memref<1024xi32, #tpu.memory_space<vmem>>)
            %dma_wait3A_651 = arith.constant 1024 : i32
            %dma_wait3A_652 = tpu.memref_slice %arg10[%dma_wait3A_651] : memref<2048xf32, #tpu.memory_space<vmem>> -> memref<1024xf32, #tpu.memory_space<vmem>>
            %dma_wait3A_653 = tpu.memref_slice %arg4[%mul3A_644] : memref<1000000xf32, #tpu.memory_space<hbm>> -> memref<1024xf32, #tpu.memory_space<hbm>>
            %dma_wait3A_654 = arith.constant 1024 : i32
            %dma_wait3A_655 = tpu.memref_slice %arg10[%dma_wait3A_654] : memref<2048xf32, #tpu.memory_space<vmem>> -> memref<1024xf32, #tpu.memory_space<vmem>>
            %dma_wait3A_656 = tpu.memref_slice %arg4[%mul3A_644] : memref<1000000xf32, #tpu.memory_space<hbm>> -> memref<1024xf32, #tpu.memory_space<hbm>>
            tpu.wait_dma2 semaphore(%arg19 : memref<!tpu.dma_semaphore, #tpu.memory_space<semaphore_mem>>) src(%dma_wait3A_656 : memref<1024xf32, #tpu.memory_space<hbm>>) dst(%dma_wait3A_655 : memref<1024xf32, #tpu.memory_space<vmem>>)
          } else {
          }
          %eq3A_581 = arith.constant 976 : i32
          %eq3A_582 = arith.cmpi eq, %select_n3A_459, %eq3A_581 : i32
          %convert_element_type3A_583 = arith.extui %eq3A_582 : i1 to i32
          %cond3A_584 = arith.constant 0 : i32
          %cond3A_585 = arith.cmpi ne, %convert_element_type3A_583, %cond3A_584 : i32
          scf.if %cond3A_585 {
            %dma_wait3A_641 = arith.constant 0 : i32
            %dma_wait3A_642 = tpu.memref_slice %arg9[%dma_wait3A_641] : memref<2048xi32, #tpu.memory_space<vmem>> -> memref<576xi32, #tpu.memory_space<vmem>>
            %dma_wait3A_643 = arith.constant 999424 : i32
            %dma_wait3A_644 = tpu.memref_slice %arg3[%dma_wait3A_643] : memref<1000000xi32, #tpu.memory_space<hbm>> -> memref<576xi32, #tpu.memory_space<hbm>>
            %dma_wait3A_645 = arith.constant 0 : i32
            %dma_wait3A_646 = tpu.memref_slice %arg9[%dma_wait3A_645] : memref<2048xi32, #tpu.memory_space<vmem>> -> memref<576xi32, #tpu.memory_space<vmem>>
            %dma_wait3A_647 = arith.constant 999424 : i32
            %dma_wait3A_648 = tpu.memref_slice %arg3[%dma_wait3A_647] : memref<1000000xi32, #tpu.memory_space<hbm>> -> memref<576xi32, #tpu.memory_space<hbm>>
            tpu.wait_dma2 semaphore(%arg18 : memref<!tpu.dma_semaphore, #tpu.memory_space<semaphore_mem>>) src(%dma_wait3A_648 : memref<576xi32, #tpu.memory_space<hbm>>) dst(%dma_wait3A_646 : memref<576xi32, #tpu.memory_space<vmem>>)
            %dma_wait3A_649 = arith.constant 0 : i32
            %dma_wait3A_650 = tpu.memref_slice %arg10[%dma_wait3A_649] : memref<2048xf32, #tpu.memory_space<vmem>> -> memref<576xf32, #tpu.memory_space<vmem>>
            %dma_wait3A_651 = arith.constant 999424 : i32
            %dma_wait3A_652 = tpu.memref_slice %arg4[%dma_wait3A_651] : memref<1000000xf32, #tpu.memory_space<hbm>> -> memref<576xf32, #tpu.memory_space<hbm>>
            %dma_wait3A_653 = arith.constant 0 : i32
            %dma_wait3A_654 = tpu.memref_slice %arg10[%dma_wait3A_653] : memref<2048xf32, #tpu.memory_space<vmem>> -> memref<576xf32, #tpu.memory_space<vmem>>
            %dma_wait3A_655 = arith.constant 999424 : i32
            %dma_wait3A_656 = tpu.memref_slice %arg4[%dma_wait3A_655] : memref<1000000xf32, #tpu.memory_space<hbm>> -> memref<576xf32, #tpu.memory_space<hbm>>
            tpu.wait_dma2 semaphore(%arg18 : memref<!tpu.dma_semaphore, #tpu.memory_space<semaphore_mem>>) src(%dma_wait3A_656 : memref<576xf32, #tpu.memory_space<hbm>>) dst(%dma_wait3A_654 : memref<576xf32, #tpu.memory_space<vmem>>)
          } else {
          }
          %add3A_586 = arith.constant 1 : i32
          %add3A_587 = arith.addi %select_n3A_459, %add3A_586 : i32
          %jit3A_588 = arith.constant 2 : i32
          %eq3A_589 = arith.constant 0 : i32
          %eq3A_590 = arith.cmpi eq, %jit3A_588, %eq3A_589 : i32
          %jit3A_591 = arith.constant 1 : i32
          %select_n3A_592 = arith.select %eq3A_590, %jit3A_591, %jit3A_588 : i32
          %rem3A_593 = arith.remsi %add3A_587, %select_n3A_592 : i32
          %ne3A_594 = arith.constant 0 : i32
          %ne3A_595 = arith.cmpi ne, %rem3A_593, %ne3A_594 : i32
          %lt3A_596 = arith.constant 0 : i32
          %lt3A_597 = arith.cmpi slt, %rem3A_593, %lt3A_596 : i32
          %lt3A_598 = arith.constant 0 : i32
          %lt3A_599 = arith.cmpi slt, %select_n3A_592, %lt3A_598 : i32
          %ne3A_600 = arith.xori %lt3A_597, %lt3A_599 : i1
          %and3A_601 = arith.andi %ne3A_600, %ne3A_595 : i1
          %add3A_602 = arith.addi %rem3A_593, %select_n3A_592 : i32
          %select_n3A_603 = arith.select %and3A_601, %add3A_602, %rem3A_593 : i32
          %eq3A_604 = arith.constant 0 : i32
          %eq3A_605 = arith.cmpi eq, %select_n3A_603, %eq3A_604 : i32
          %lt3A_606 = arith.constant 976 : i32
          %lt3A_607 = arith.cmpi slt, %add3A_587, %lt3A_606 : i32
          %and3A_608 = arith.andi %eq3A_605, %lt3A_607 : i1
          %convert_element_type3A_609 = arith.extui %and3A_608 : i1 to i32
          %cond3A_610 = arith.constant 0 : i32
          %cond3A_611 = arith.cmpi ne, %convert_element_type3A_609, %cond3A_610 : i32
          scf.if %cond3A_611 {
            %mul3A_641 = arith.constant 1024 : i32
            %mul3A_642 = arith.muli %add3A_587, %mul3A_641 : i32
            %mul3A_643 = arith.constant 1024 : i32
            %mul3A_644 = arith.muli %add3A_587, %mul3A_643 : i32
            %dma_start3A_645 = arith.constant 0 : i32
            %dma_start3A_646 = tpu.memref_slice %arg9[%dma_start3A_645] : memref<2048xi32, #tpu.memory_space<vmem>> -> memref<1024xi32, #tpu.memory_space<vmem>>
            %dma_start3A_647 = tpu.memref_slice %arg3[%mul3A_642] : memref<1000000xi32, #tpu.memory_space<hbm>> -> memref<1024xi32, #tpu.memory_space<hbm>>
            %dma_start3A_648 = arith.constant 0 : i32
            %dma_start3A_649 = tpu.memref_slice %arg9[%dma_start3A_648] : memref<2048xi32, #tpu.memory_space<vmem>> -> memref<1024xi32, #tpu.memory_space<vmem>>
            %dma_start3A_650 = tpu.memref_slice %arg3[%mul3A_642] : memref<1000000xi32, #tpu.memory_space<hbm>> -> memref<1024xi32, #tpu.memory_space<hbm>>
            tpu.enqueue_dma source(%dma_start3A_650 : memref<1024xi32, #tpu.memory_space<hbm>>) target(%dma_start3A_649 : memref<1024xi32, #tpu.memory_space<vmem>>) target_semaphore(%arg18 : memref<!tpu.dma_semaphore, #tpu.memory_space<semaphore_mem>>)
            %dma_start3A_651 = arith.constant 0 : i32
            %dma_start3A_652 = tpu.memref_slice %arg10[%dma_start3A_651] : memref<2048xf32, #tpu.memory_space<vmem>> -> memref<1024xf32, #tpu.memory_space<vmem>>
            %dma_start3A_653 = tpu.memref_slice %arg4[%mul3A_644] : memref<1000000xf32, #tpu.memory_space<hbm>> -> memref<1024xf32, #tpu.memory_space<hbm>>
            %dma_start3A_654 = arith.constant 0 : i32
            %dma_start3A_655 = tpu.memref_slice %arg10[%dma_start3A_654] : memref<2048xf32, #tpu.memory_space<vmem>> -> memref<1024xf32, #tpu.memory_space<vmem>>
            %dma_start3A_656 = tpu.memref_slice %arg4[%mul3A_644] : memref<1000000xf32, #tpu.memory_space<hbm>> -> memref<1024xf32, #tpu.memory_space<hbm>>
            tpu.enqueue_dma source(%dma_start3A_656 : memref<1024xf32, #tpu.memory_space<hbm>>) target(%dma_start3A_655 : memref<1024xf32, #tpu.memory_space<vmem>>) target_semaphore(%arg18 : memref<!tpu.dma_semaphore, #tpu.memory_space<semaphore_mem>>)
          } else {
          }
          %jit3A_612 = arith.constant 2 : i32
          %eq3A_613 = arith.constant 0 : i32
          %eq3A_614 = arith.cmpi eq, %jit3A_612, %eq3A_613 : i32
          %jit3A_615 = arith.constant 1 : i32
          %select_n3A_616 = arith.select %eq3A_614, %jit3A_615, %jit3A_612 : i32
          %rem3A_617 = arith.remsi %add3A_587, %select_n3A_616 : i32
          %ne3A_618 = arith.constant 0 : i32
          %ne3A_619 = arith.cmpi ne, %rem3A_617, %ne3A_618 : i32
          %lt3A_620 = arith.constant 0 : i32
          %lt3A_621 = arith.cmpi slt, %rem3A_617, %lt3A_620 : i32
          %lt3A_622 = arith.constant 0 : i32
          %lt3A_623 = arith.cmpi slt, %select_n3A_616, %lt3A_622 : i32
          %ne3A_624 = arith.xori %lt3A_621, %lt3A_623 : i1
          %and3A_625 = arith.andi %ne3A_624, %ne3A_619 : i1
          %add3A_626 = arith.addi %rem3A_617, %select_n3A_616 : i32
          %select_n3A_627 = arith.select %and3A_625, %add3A_626, %rem3A_617 : i32
          %eq3A_628 = arith.constant 1 : i32
          %eq3A_629 = arith.cmpi eq, %select_n3A_627, %eq3A_628 : i32
          %lt3A_630 = arith.constant 976 : i32
          %lt3A_631 = arith.cmpi slt, %add3A_587, %lt3A_630 : i32
          %and3A_632 = arith.andi %eq3A_629, %lt3A_631 : i1
          %convert_element_type3A_633 = arith.extui %and3A_632 : i1 to i32
          %cond3A_634 = arith.constant 0 : i32
          %cond3A_635 = arith.cmpi ne, %convert_element_type3A_633, %cond3A_634 : i32
          scf.if %cond3A_635 {
            %mul3A_641 = arith.constant 1024 : i32
            %mul3A_642 = arith.muli %add3A_587, %mul3A_641 : i32
            %mul3A_643 = arith.constant 1024 : i32
            %mul3A_644 = arith.muli %add3A_587, %mul3A_643 : i32
            %dma_start3A_645 = arith.constant 1024 : i32
            %dma_start3A_646 = tpu.memref_slice %arg9[%dma_start3A_645] : memref<2048xi32, #tpu.memory_space<vmem>> -> memref<1024xi32, #tpu.memory_space<vmem>>
            %dma_start3A_647 = tpu.memref_slice %arg3[%mul3A_642] : memref<1000000xi32, #tpu.memory_space<hbm>> -> memref<1024xi32, #tpu.memory_space<hbm>>
            %dma_start3A_648 = arith.constant 1024 : i32
            %dma_start3A_649 = tpu.memref_slice %arg9[%dma_start3A_648] : memref<2048xi32, #tpu.memory_space<vmem>> -> memref<1024xi32, #tpu.memory_space<vmem>>
            %dma_start3A_650 = tpu.memref_slice %arg3[%mul3A_642] : memref<1000000xi32, #tpu.memory_space<hbm>> -> memref<1024xi32, #tpu.memory_space<hbm>>
            tpu.enqueue_dma source(%dma_start3A_650 : memref<1024xi32, #tpu.memory_space<hbm>>) target(%dma_start3A_649 : memref<1024xi32, #tpu.memory_space<vmem>>) target_semaphore(%arg19 : memref<!tpu.dma_semaphore, #tpu.memory_space<semaphore_mem>>)
            %dma_start3A_651 = arith.constant 1024 : i32
            %dma_start3A_652 = tpu.memref_slice %arg10[%dma_start3A_651] : memref<2048xf32, #tpu.memory_space<vmem>> -> memref<1024xf32, #tpu.memory_space<vmem>>
            %dma_start3A_653 = tpu.memref_slice %arg4[%mul3A_644] : memref<1000000xf32, #tpu.memory_space<hbm>> -> memref<1024xf32, #tpu.memory_space<hbm>>
            %dma_start3A_654 = arith.constant 1024 : i32
            %dma_start3A_655 = tpu.memref_slice %arg10[%dma_start3A_654] : memref<2048xf32, #tpu.memory_space<vmem>> -> memref<1024xf32, #tpu.memory_space<vmem>>
            %dma_start3A_656 = tpu.memref_slice %arg4[%mul3A_644] : memref<1000000xf32, #tpu.memory_space<hbm>> -> memref<1024xf32, #tpu.memory_space<hbm>>
            tpu.enqueue_dma source(%dma_start3A_656 : memref<1024xf32, #tpu.memory_space<hbm>>) target(%dma_start3A_655 : memref<1024xf32, #tpu.memory_space<vmem>>) target_semaphore(%arg19 : memref<!tpu.dma_semaphore, #tpu.memory_space<semaphore_mem>>)
          } else {
          }
          %eq3A_636 = arith.constant 976 : i32
          %eq3A_637 = arith.cmpi eq, %add3A_587, %eq3A_636 : i32
          %convert_element_type3A_638 = arith.extui %eq3A_637 : i1 to i32
          %cond3A_639 = arith.constant 0 : i32
          %cond3A_640 = arith.cmpi ne, %convert_element_type3A_638, %cond3A_639 : i32
          scf.if %cond3A_640 {
            %dma_start3A_641 = arith.constant 0 : i32
            %dma_start3A_642 = tpu.memref_slice %arg9[%dma_start3A_641] : memref<2048xi32, #tpu.memory_space<vmem>> -> memref<576xi32, #tpu.memory_space<vmem>>
            %dma_start3A_643 = arith.constant 999424 : i32
            %dma_start3A_644 = tpu.memref_slice %arg3[%dma_start3A_643] : memref<1000000xi32, #tpu.memory_space<hbm>> -> memref<576xi32, #tpu.memory_space<hbm>>
            %dma_start3A_645 = arith.constant 0 : i32
            %dma_start3A_646 = tpu.memref_slice %arg9[%dma_start3A_645] : memref<2048xi32, #tpu.memory_space<vmem>> -> memref<576xi32, #tpu.memory_space<vmem>>
            %dma_start3A_647 = arith.constant 999424 : i32
            %dma_start3A_648 = tpu.memref_slice %arg3[%dma_start3A_647] : memref<1000000xi32, #tpu.memory_space<hbm>> -> memref<576xi32, #tpu.memory_space<hbm>>
            tpu.enqueue_dma source(%dma_start3A_648 : memref<576xi32, #tpu.memory_space<hbm>>) target(%dma_start3A_646 : memref<576xi32, #tpu.memory_space<vmem>>) target_semaphore(%arg18 : memref<!tpu.dma_semaphore, #tpu.memory_space<semaphore_mem>>)
            %dma_start3A_649 = arith.constant 0 : i32
            %dma_start3A_650 = tpu.memref_slice %arg10[%dma_start3A_649] : memref<2048xf32, #tpu.memory_space<vmem>> -> memref<576xf32, #tpu.memory_space<vmem>>
            %dma_start3A_651 = arith.constant 999424 : i32
            %dma_start3A_652 = tpu.memref_slice %arg4[%dma_start3A_651] : memref<1000000xf32, #tpu.memory_space<hbm>> -> memref<576xf32, #tpu.memory_space<hbm>>
            %dma_start3A_653 = arith.constant 0 : i32
            %dma_start3A_654 = tpu.memref_slice %arg10[%dma_start3A_653] : memref<2048xf32, #tpu.memory_space<vmem>> -> memref<576xf32, #tpu.memory_space<vmem>>
            %dma_start3A_655 = arith.constant 999424 : i32
            %dma_start3A_656 = tpu.memref_slice %arg4[%dma_start3A_655] : memref<1000000xf32, #tpu.memory_space<hbm>> -> memref<576xf32, #tpu.memory_space<hbm>>
            tpu.enqueue_dma source(%dma_start3A_656 : memref<576xf32, #tpu.memory_space<hbm>>) target(%dma_start3A_654 : memref<576xf32, #tpu.memory_space<vmem>>) target_semaphore(%arg18 : memref<!tpu.dma_semaphore, #tpu.memory_space<semaphore_mem>>)
          } else {
          }
        } else {
        }
        %max3A_463 = arith.maxsi %while3A_434, %select_n3A_459 : i32
        %jit3A_464 = arith.constant 16 : i32
        %div3A_465 = arith.divsi %while3A_433, %jit3A_464 : i32
        %sign3A_466 = arith.constant 0 : i32
        %sign3A_467 = arith.cmpi sgt, %while3A_433, %sign3A_466 : i32
        %sign3A_468 = arith.extui %sign3A_467 : i1 to i32
        %sign3A_469 = arith.constant 0 : i32
        %sign3A_470 = arith.cmpi slt, %while3A_433, %sign3A_469 : i32
        %sign3A_471 = arith.extui %sign3A_470 : i1 to i32
        %sign3A_472 = arith.subi %sign3A_468, %sign3A_471 : i32
        %sign3A_473 = arith.constant 0 : i32
        %sign3A_474 = arith.cmpi sgt, %jit3A_464, %sign3A_473 : i32
        %sign3A_475 = arith.extui %sign3A_474 : i1 to i32
        %sign3A_476 = arith.constant 0 : i32
        %sign3A_477 = arith.cmpi slt, %jit3A_464, %sign3A_476 : i32
        %sign3A_478 = arith.extui %sign3A_477 : i1 to i32
        %sign3A_479 = arith.subi %sign3A_475, %sign3A_478 : i32
        %ne3A_480 = arith.cmpi ne, %sign3A_472, %sign3A_479 : i32
        %rem3A_481 = arith.remsi %while3A_433, %jit3A_464 : i32
        %ne3A_482 = arith.constant 0 : i32
        %ne3A_483 = arith.cmpi ne, %rem3A_481, %ne3A_482 : i32
        %and3A_484 = arith.andi %ne3A_480, %ne3A_483 : i1
        %sub3A_485 = arith.constant 1 : i32
        %sub3A_486 = arith.subi %div3A_465, %sub3A_485 : i32
        %select_n3A_487 = arith.select %and3A_484, %sub3A_486, %div3A_465 : i32
        %mul3A_488 = arith.constant 16 : i32
        %mul3A_489 = arith.muli %select_n3A_487, %mul3A_488 : i32
        %jit3A_490 = arith.constant 2048 : i32
        %eq3A_491 = arith.constant 0 : i32
        %eq3A_492 = arith.cmpi eq, %jit3A_490, %eq3A_491 : i32
        %jit3A_493 = arith.constant 1 : i32
        %select_n3A_494 = arith.select %eq3A_492, %jit3A_493, %jit3A_490 : i32
        %rem3A_495 = arith.remsi %mul3A_489, %select_n3A_494 : i32
        %ne3A_496 = arith.constant 0 : i32
        %ne3A_497 = arith.cmpi ne, %rem3A_495, %ne3A_496 : i32
        %lt3A_498 = arith.constant 0 : i32
        %lt3A_499 = arith.cmpi slt, %rem3A_495, %lt3A_498 : i32
        %lt3A_500 = arith.constant 0 : i32
        %lt3A_501 = arith.cmpi slt, %select_n3A_494, %lt3A_500 : i32
        %ne3A_502 = arith.xori %lt3A_499, %lt3A_501 : i1
        %and3A_503 = arith.andi %ne3A_502, %ne3A_497 : i1
        %add3A_504 = arith.addi %rem3A_495, %select_n3A_494 : i32
        %select_n3A_505 = arith.select %and3A_503, %add3A_504, %rem3A_495 : i32
        %get3A_506 = arith.index_cast %select_n3A_505 : i32 to index
        %get3A_507 = tpu.vector_load %arg9[%get3A_506] {strides = array<i32>} : memref<2048xi32, #tpu.memory_space<vmem>>, vector<16xi32>,
        %get3A_508 = arith.index_cast %select_n3A_505 : i32 to index
        %get3A_509 = tpu.vector_load %arg10[%get3A_508] {strides = array<i32>} : memref<2048xf32, #tpu.memory_space<vmem>>, vector<16xf32>,
        %iota3A = tpu.iota {dimensions = array<i32: 0>} : vector<16xi32>
        %add3A_510 = vector.broadcast %mul3A_489 : i32 to vector<16xi32>
        %add3A_511 = arith.addi %add3A_510, %iota3A : vector<16xi32>
        %ge3A_512 = vector.broadcast %while3A_433 : i32 to vector<16xi32>
        %ge3A_513 = arith.cmpi sge, %add3A_511, %ge3A_512 : vector<16xi32>
        %lt3A_514 = arith.constant 1000000 : i32
        %lt3A_515 = vector.broadcast %lt3A_514 : i32 to vector<16xi32>
        %lt3A_516 = arith.cmpi slt, %add3A_511, %lt3A_515 : vector<16xi32>
        %and3A_517 = arith.andi %ge3A_513, %lt3A_516 : vector<16xi1>
        %lt3A_518 = vector.broadcast %add3A_382 : i32 to vector<16xi32>
        %lt3A_519 = arith.cmpi slt, %get3A_507, %lt3A_518 : vector<16xi32>
        %and3A_520 = arith.andi %and3A_517, %lt3A_519 : vector<16xi1>
        %sub3A_521 = vector.broadcast %mul3A_380 : i32 to vector<16xi32>
        %sub3A_522 = arith.subi %get3A_507, %sub3A_521 : vector<16xi32>
        %jit3A_523 = arith.constant 0 : i32
        %broadcast_in_dim3A = vector.broadcast %jit3A_523 : i32 to vector<16xi32>
        %select_n3A_524 = arith.select %and3A_520, %sub3A_522, %broadcast_in_dim3A : vector<16xi1>, vector<16xi32>
        tpu.vector_store_idx %arg7[%select_n3A_524], %get3A_509 masked %and3A_520 {add = true} : memref<32768xf32, #tpu.memory_space<vmem>>[vector<16xi32>], vector<16xf32>, vector<16xi1>
        %all_reduce_population_count3A_525 = tpu.all_reduce %and3A_520 {dim = 0 : i64, kind = #tpu.reduction_kind<sum>} : vector<16xi1> -> vector<16xi32>
        %slice3A_526 = vector.extract_strided_slice %all_reduce_population_count3A_525 {offsets = [0], sizes = [1], strides = [1]} : vector<16xi32> to vector<1xi32>
        %squeeze3A_527 = vector.extract %slice3A_526[0] : i32 from vector<1xi32>
        %sub3A_528 = arith.subi %while3A_433, %mul3A_489 : i32
        %sub3A_529 = arith.constant 16 : i32
        %sub3A_530 = arith.subi %sub3A_529, %sub3A_528 : i32
        %lt3A_531 = arith.cmpi slt, %squeeze3A_527, %sub3A_530 : i32
        %add3A_532 = arith.addi %while3A_433, %squeeze3A_527 : i32
        scf.yield %add3A_532, %max3A_463, %lt3A_531 : i32, i32, i1
      }
      %mul3A_385 = arith.constant 43 : i32
      %mul3A_386 = arith.muli %add3A, %mul3A_385 : i32
      %add3A_387 = arith.addi %mul3A_386, %add3A_354 : i32
      %mul3A_388 = arith.constant 32768 : i32
      %mul3A_389 = arith.muli %add3A_387, %mul3A_388 : i32
      %dma_start3A_390 = tpu.memref_slice %arg5[%mul3A_389] : memref<45088768xf32, #tpu.memory_space<hbm>> -> memref<32768xf32, #tpu.memory_space<hbm>>
      %dma_start3A_391 = tpu.memref_slice %arg5[%mul3A_389] : memref<45088768xf32, #tpu.memory_space<hbm>> -> memref<32768xf32, #tpu.memory_space<hbm>>
      tpu.enqueue_dma source(%arg7 : memref<32768xf32, #tpu.memory_space<vmem>>) target(%dma_start3A_391 : memref<32768xf32, #tpu.memory_space<hbm>>) target_semaphore(%arg16 : memref<!tpu.dma_semaphore, #tpu.memory_space<semaphore_mem>>)
      %mul3A_392 = arith.constant 3 : i32
      %mul3A_393 = arith.muli %scan3A_308, %mul3A_392 : i32
      %add3A_394 = arith.constant 2 : i32
      %add3A_395 = arith.addi %mul3A_393, %add3A_394 : i32
      %ge3A_396 = arith.constant 2 : i32
      %ge3A_397 = arith.cmpi sge, %add3A_395, %ge3A_396 : i32
      %convert_element_type3A_398 = arith.extui %ge3A_397 : i1 to i32
      %cond3A_399 = arith.constant 0 : i32
      %cond3A_400 = arith.cmpi ne, %convert_element_type3A_398, %cond3A_399 : i32
      scf.if %cond3A_400 {
        %sub3A_433 = arith.constant 2 : i32
        %sub3A_434 = arith.subi %add3A_395, %sub3A_433 : i32
        %mul3A_435 = arith.constant 43 : i32
        %mul3A_436 = arith.muli %add3A, %mul3A_435 : i32
        %add3A_437 = arith.addi %mul3A_436, %sub3A_434 : i32
        %mul3A_438 = arith.constant 32768 : i32
        %mul3A_439 = arith.muli %add3A_437, %mul3A_438 : i32
        %dma_wait3A_440 = tpu.memref_slice %arg5[%mul3A_439] : memref<45088768xf32, #tpu.memory_space<hbm>> -> memref<32768xf32, #tpu.memory_space<hbm>>
        %dma_wait3A_441 = tpu.memref_slice %arg5[%mul3A_439] : memref<45088768xf32, #tpu.memory_space<hbm>> -> memref<32768xf32, #tpu.memory_space<hbm>>
        tpu.wait_dma2 semaphore(%arg15 : memref<!tpu.dma_semaphore, #tpu.memory_space<semaphore_mem>>) src(%arg6 : memref<32768xf32, #tpu.memory_space<vmem>>) dst(%dma_wait3A_441 : memref<32768xf32, #tpu.memory_space<hbm>>)
      } else {
      }
      %add3A_401 = arith.constant 1 : i32
      %add3A_402 = arith.addi %add3A_395, %add3A_401 : i32
      %mul3A_403 = arith.constant 43 : i32
      %mul3A_404 = arith.muli %add3A, %mul3A_403 : i32
      %add3A_405 = arith.addi %mul3A_404, %add3A_402 : i32
      %mul3A_406 = arith.constant 32768 : i32
      %mul3A_407 = arith.muli %add3A_405, %mul3A_406 : i32
      %dma_start3A_408 = tpu.memref_slice %arg2[%mul3A_407] : memref<45088768xf32, #tpu.memory_space<hbm>> -> memref<32768xf32, #tpu.memory_space<hbm>>
      %dma_start3A_409 = tpu.memref_slice %arg2[%mul3A_407] : memref<45088768xf32, #tpu.memory_space<hbm>> -> memref<32768xf32, #tpu.memory_space<hbm>>
      tpu.enqueue_dma source(%dma_start3A_409 : memref<32768xf32, #tpu.memory_space<hbm>>) target(%arg6 : memref<32768xf32, #tpu.memory_space<vmem>>) target_semaphore(%arg12 : memref<!tpu.dma_semaphore, #tpu.memory_space<semaphore_mem>>)
      %mul3A_410 = arith.constant 43 : i32
      %mul3A_411 = arith.muli %add3A, %mul3A_410 : i32
      %add3A_412 = arith.addi %mul3A_411, %add3A_395 : i32
      %mul3A_413 = arith.constant 32768 : i32
      %mul3A_414 = arith.muli %add3A_412, %mul3A_413 : i32
      %dma_wait3A_415 = tpu.memref_slice %arg2[%mul3A_414] : memref<45088768xf32, #tpu.memory_space<hbm>> -> memref<32768xf32, #tpu.memory_space<hbm>>
      %dma_wait3A_416 = tpu.memref_slice %arg2[%mul3A_414] : memref<45088768xf32, #tpu.memory_space<hbm>> -> memref<32768xf32, #tpu.memory_space<hbm>>
      tpu.wait_dma2 semaphore(%arg14 : memref<!tpu.dma_semaphore, #tpu.memory_space<semaphore_mem>>) src(%dma_wait3A_416 : memref<32768xf32, #tpu.memory_space<hbm>>) dst(%arg8 : memref<32768xf32, #tpu.memory_space<vmem>>)
      %mul3A_417 = arith.constant 43 : i32
      %mul3A_418 = arith.muli %add3A, %mul3A_417 : i32
      %add3A_419 = arith.addi %mul3A_418, %add3A_395 : i32
      %mul3A_420 = arith.constant 32768 : i32
      %mul3A_421 = arith.muli %add3A_419, %mul3A_420 : i32
      %add3A_422 = arith.constant 32768 : i32
      %add3A_423 = arith.addi %mul3A_421, %add3A_422 : i32
      %while3A_424 = arith.constant false
      %while3A_425:3 = scf.while (%while3A_433 = %while3A_384#0, %while3A_434 = %while3A_384#1, %while3A_435 = %while3A_424) : (i32, i32, i1) -> (i32, i32, i1) {
        %not3A = arith.constant true
        %not3A_436 = arith.xori %while3A_435, %not3A : i1
        scf.condition(%not3A_436) %while3A_433, %while3A_434, %while3A_435 : i32, i32, i1
      } do {
      ^bb0(%while3A_433: i32, %while3A_434: i32, %while3A_435: i1):
        %jit3A_436 = arith.constant 1024 : i32
        %div3A_437 = arith.divsi %while3A_433, %jit3A_436 : i32
        %sign3A_438 = arith.constant 0 : i32
        %sign3A_439 = arith.cmpi sgt, %while3A_433, %sign3A_438 : i32
        %sign3A_440 = arith.extui %sign3A_439 : i1 to i32
        %sign3A_441 = arith.constant 0 : i32
        %sign3A_442 = arith.cmpi slt, %while3A_433, %sign3A_441 : i32
        %sign3A_443 = arith.extui %sign3A_442 : i1 to i32
        %sign3A_444 = arith.subi %sign3A_440, %sign3A_443 : i32
        %sign3A_445 = arith.constant 0 : i32
        %sign3A_446 = arith.cmpi sgt, %jit3A_436, %sign3A_445 : i32
        %sign3A_447 = arith.extui %sign3A_446 : i1 to i32
        %sign3A_448 = arith.constant 0 : i32
        %sign3A_449 = arith.cmpi slt, %jit3A_436, %sign3A_448 : i32
        %sign3A_450 = arith.extui %sign3A_449 : i1 to i32
        %sign3A_451 = arith.subi %sign3A_447, %sign3A_450 : i32
        %ne3A_452 = arith.cmpi ne, %sign3A_444, %sign3A_451 : i32
        %rem3A_453 = arith.remsi %while3A_433, %jit3A_436 : i32
        %ne3A_454 = arith.constant 0 : i32
        %ne3A_455 = arith.cmpi ne, %rem3A_453, %ne3A_454 : i32
        %and3A_456 = arith.andi %ne3A_452, %ne3A_455 : i1
        %sub3A_457 = arith.constant 1 : i32
        %sub3A_458 = arith.subi %div3A_437, %sub3A_457 : i32
        %select_n3A_459 = arith.select %and3A_456, %sub3A_458, %div3A_437 : i32
        %gt3A = arith.cmpi sgt, %select_n3A_459, %while3A_434 : i32
        %convert_element_type3A_460 = arith.extui %gt3A : i1 to i32
        %cond3A_461 = arith.constant 0 : i32
        %cond3A_462 = arith.cmpi ne, %convert_element_type3A_460, %cond3A_461 : i32
        scf.if %cond3A_462 {
          %jit3A_533 = arith.constant 2 : i32
          %eq3A_534 = arith.constant 0 : i32
          %eq3A_535 = arith.cmpi eq, %jit3A_533, %eq3A_534 : i32
          %jit3A_536 = arith.constant 1 : i32
          %select_n3A_537 = arith.select %eq3A_535, %jit3A_536, %jit3A_533 : i32
          %rem3A_538 = arith.remsi %select_n3A_459, %select_n3A_537 : i32
          %ne3A_539 = arith.constant 0 : i32
          %ne3A_540 = arith.cmpi ne, %rem3A_538, %ne3A_539 : i32
          %lt3A_541 = arith.constant 0 : i32
          %lt3A_542 = arith.cmpi slt, %rem3A_538, %lt3A_541 : i32
          %lt3A_543 = arith.constant 0 : i32
          %lt3A_544 = arith.cmpi slt, %select_n3A_537, %lt3A_543 : i32
          %ne3A_545 = arith.xori %lt3A_542, %lt3A_544 : i1
          %and3A_546 = arith.andi %ne3A_545, %ne3A_540 : i1
          %add3A_547 = arith.addi %rem3A_538, %select_n3A_537 : i32
          %select_n3A_548 = arith.select %and3A_546, %add3A_547, %rem3A_538 : i32
          %eq3A_549 = arith.constant 0 : i32
          %eq3A_550 = arith.cmpi eq, %select_n3A_548, %eq3A_549 : i32
          %lt3A_551 = arith.constant 976 : i32
          %lt3A_552 = arith.cmpi slt, %select_n3A_459, %lt3A_551 : i32
          %and3A_553 = arith.andi %eq3A_550, %lt3A_552 : i1
          %convert_element_type3A_554 = arith.extui %and3A_553 : i1 to i32
          %cond3A_555 = arith.constant 0 : i32
          %cond3A_556 = arith.cmpi ne, %convert_element_type3A_554, %cond3A_555 : i32
          scf.if %cond3A_556 {
            %mul3A_641 = arith.constant 1024 : i32
            %mul3A_642 = arith.muli %select_n3A_459, %mul3A_641 : i32
            %mul3A_643 = arith.constant 1024 : i32
            %mul3A_644 = arith.muli %select_n3A_459, %mul3A_643 : i32
            %dma_wait3A_645 = arith.constant 0 : i32
            %dma_wait3A_646 = tpu.memref_slice %arg9[%dma_wait3A_645] : memref<2048xi32, #tpu.memory_space<vmem>> -> memref<1024xi32, #tpu.memory_space<vmem>>
            %dma_wait3A_647 = tpu.memref_slice %arg3[%mul3A_642] : memref<1000000xi32, #tpu.memory_space<hbm>> -> memref<1024xi32, #tpu.memory_space<hbm>>
            %dma_wait3A_648 = arith.constant 0 : i32
            %dma_wait3A_649 = tpu.memref_slice %arg9[%dma_wait3A_648] : memref<2048xi32, #tpu.memory_space<vmem>> -> memref<1024xi32, #tpu.memory_space<vmem>>
            %dma_wait3A_650 = tpu.memref_slice %arg3[%mul3A_642] : memref<1000000xi32, #tpu.memory_space<hbm>> -> memref<1024xi32, #tpu.memory_space<hbm>>
            tpu.wait_dma2 semaphore(%arg18 : memref<!tpu.dma_semaphore, #tpu.memory_space<semaphore_mem>>) src(%dma_wait3A_650 : memref<1024xi32, #tpu.memory_space<hbm>>) dst(%dma_wait3A_649 : memref<1024xi32, #tpu.memory_space<vmem>>)
            %dma_wait3A_651 = arith.constant 0 : i32
            %dma_wait3A_652 = tpu.memref_slice %arg10[%dma_wait3A_651] : memref<2048xf32, #tpu.memory_space<vmem>> -> memref<1024xf32, #tpu.memory_space<vmem>>
            %dma_wait3A_653 = tpu.memref_slice %arg4[%mul3A_644] : memref<1000000xf32, #tpu.memory_space<hbm>> -> memref<1024xf32, #tpu.memory_space<hbm>>
            %dma_wait3A_654 = arith.constant 0 : i32
            %dma_wait3A_655 = tpu.memref_slice %arg10[%dma_wait3A_654] : memref<2048xf32, #tpu.memory_space<vmem>> -> memref<1024xf32, #tpu.memory_space<vmem>>
            %dma_wait3A_656 = tpu.memref_slice %arg4[%mul3A_644] : memref<1000000xf32, #tpu.memory_space<hbm>> -> memref<1024xf32, #tpu.memory_space<hbm>>
            tpu.wait_dma2 semaphore(%arg18 : memref<!tpu.dma_semaphore, #tpu.memory_space<semaphore_mem>>) src(%dma_wait3A_656 : memref<1024xf32, #tpu.memory_space<hbm>>) dst(%dma_wait3A_655 : memref<1024xf32, #tpu.memory_space<vmem>>)
          } else {
          }
          %jit3A_557 = arith.constant 2 : i32
          %eq3A_558 = arith.constant 0 : i32
          %eq3A_559 = arith.cmpi eq, %jit3A_557, %eq3A_558 : i32
          %jit3A_560 = arith.constant 1 : i32
          %select_n3A_561 = arith.select %eq3A_559, %jit3A_560, %jit3A_557 : i32
          %rem3A_562 = arith.remsi %select_n3A_459, %select_n3A_561 : i32
          %ne3A_563 = arith.constant 0 : i32
          %ne3A_564 = arith.cmpi ne, %rem3A_562, %ne3A_563 : i32
          %lt3A_565 = arith.constant 0 : i32
          %lt3A_566 = arith.cmpi slt, %rem3A_562, %lt3A_565 : i32
          %lt3A_567 = arith.constant 0 : i32
          %lt3A_568 = arith.cmpi slt, %select_n3A_561, %lt3A_567 : i32
          %ne3A_569 = arith.xori %lt3A_566, %lt3A_568 : i1
          %and3A_570 = arith.andi %ne3A_569, %ne3A_564 : i1
          %add3A_571 = arith.addi %rem3A_562, %select_n3A_561 : i32
          %select_n3A_572 = arith.select %and3A_570, %add3A_571, %rem3A_562 : i32
          %eq3A_573 = arith.constant 1 : i32
          %eq3A_574 = arith.cmpi eq, %select_n3A_572, %eq3A_573 : i32
          %lt3A_575 = arith.constant 976 : i32
          %lt3A_576 = arith.cmpi slt, %select_n3A_459, %lt3A_575 : i32
          %and3A_577 = arith.andi %eq3A_574, %lt3A_576 : i1
          %convert_element_type3A_578 = arith.extui %and3A_577 : i1 to i32
          %cond3A_579 = arith.constant 0 : i32
          %cond3A_580 = arith.cmpi ne, %convert_element_type3A_578, %cond3A_579 : i32
          scf.if %cond3A_580 {
            %mul3A_641 = arith.constant 1024 : i32
            %mul3A_642 = arith.muli %select_n3A_459, %mul3A_641 : i32
            %mul3A_643 = arith.constant 1024 : i32
            %mul3A_644 = arith.muli %select_n3A_459, %mul3A_643 : i32
            %dma_wait3A_645 = arith.constant 1024 : i32
            %dma_wait3A_646 = tpu.memref_slice %arg9[%dma_wait3A_645] : memref<2048xi32, #tpu.memory_space<vmem>> -> memref<1024xi32, #tpu.memory_space<vmem>>
            %dma_wait3A_647 = tpu.memref_slice %arg3[%mul3A_642] : memref<1000000xi32, #tpu.memory_space<hbm>> -> memref<1024xi32, #tpu.memory_space<hbm>>
            %dma_wait3A_648 = arith.constant 1024 : i32
            %dma_wait3A_649 = tpu.memref_slice %arg9[%dma_wait3A_648] : memref<2048xi32, #tpu.memory_space<vmem>> -> memref<1024xi32, #tpu.memory_space<vmem>>
            %dma_wait3A_650 = tpu.memref_slice %arg3[%mul3A_642] : memref<1000000xi32, #tpu.memory_space<hbm>> -> memref<1024xi32, #tpu.memory_space<hbm>>
            tpu.wait_dma2 semaphore(%arg19 : memref<!tpu.dma_semaphore, #tpu.memory_space<semaphore_mem>>) src(%dma_wait3A_650 : memref<1024xi32, #tpu.memory_space<hbm>>) dst(%dma_wait3A_649 : memref<1024xi32, #tpu.memory_space<vmem>>)
            %dma_wait3A_651 = arith.constant 1024 : i32
            %dma_wait3A_652 = tpu.memref_slice %arg10[%dma_wait3A_651] : memref<2048xf32, #tpu.memory_space<vmem>> -> memref<1024xf32, #tpu.memory_space<vmem>>
            %dma_wait3A_653 = tpu.memref_slice %arg4[%mul3A_644] : memref<1000000xf32, #tpu.memory_space<hbm>> -> memref<1024xf32, #tpu.memory_space<hbm>>
            %dma_wait3A_654 = arith.constant 1024 : i32
            %dma_wait3A_655 = tpu.memref_slice %arg10[%dma_wait3A_654] : memref<2048xf32, #tpu.memory_space<vmem>> -> memref<1024xf32, #tpu.memory_space<vmem>>
            %dma_wait3A_656 = tpu.memref_slice %arg4[%mul3A_644] : memref<1000000xf32, #tpu.memory_space<hbm>> -> memref<1024xf32, #tpu.memory_space<hbm>>
            tpu.wait_dma2 semaphore(%arg19 : memref<!tpu.dma_semaphore, #tpu.memory_space<semaphore_mem>>) src(%dma_wait3A_656 : memref<1024xf32, #tpu.memory_space<hbm>>) dst(%dma_wait3A_655 : memref<1024xf32, #tpu.memory_space<vmem>>)
          } else {
          }
          %eq3A_581 = arith.constant 976 : i32
          %eq3A_582 = arith.cmpi eq, %select_n3A_459, %eq3A_581 : i32
          %convert_element_type3A_583 = arith.extui %eq3A_582 : i1 to i32
          %cond3A_584 = arith.constant 0 : i32
          %cond3A_585 = arith.cmpi ne, %convert_element_type3A_583, %cond3A_584 : i32
          scf.if %cond3A_585 {
            %dma_wait3A_641 = arith.constant 0 : i32
            %dma_wait3A_642 = tpu.memref_slice %arg9[%dma_wait3A_641] : memref<2048xi32, #tpu.memory_space<vmem>> -> memref<576xi32, #tpu.memory_space<vmem>>
            %dma_wait3A_643 = arith.constant 999424 : i32
            %dma_wait3A_644 = tpu.memref_slice %arg3[%dma_wait3A_643] : memref<1000000xi32, #tpu.memory_space<hbm>> -> memref<576xi32, #tpu.memory_space<hbm>>
            %dma_wait3A_645 = arith.constant 0 : i32
            %dma_wait3A_646 = tpu.memref_slice %arg9[%dma_wait3A_645] : memref<2048xi32, #tpu.memory_space<vmem>> -> memref<576xi32, #tpu.memory_space<vmem>>
            %dma_wait3A_647 = arith.constant 999424 : i32
            %dma_wait3A_648 = tpu.memref_slice %arg3[%dma_wait3A_647] : memref<1000000xi32, #tpu.memory_space<hbm>> -> memref<576xi32, #tpu.memory_space<hbm>>
            tpu.wait_dma2 semaphore(%arg18 : memref<!tpu.dma_semaphore, #tpu.memory_space<semaphore_mem>>) src(%dma_wait3A_648 : memref<576xi32, #tpu.memory_space<hbm>>) dst(%dma_wait3A_646 : memref<576xi32, #tpu.memory_space<vmem>>)
            %dma_wait3A_649 = arith.constant 0 : i32
            %dma_wait3A_650 = tpu.memref_slice %arg10[%dma_wait3A_649] : memref<2048xf32, #tpu.memory_space<vmem>> -> memref<576xf32, #tpu.memory_space<vmem>>
            %dma_wait3A_651 = arith.constant 999424 : i32
            %dma_wait3A_652 = tpu.memref_slice %arg4[%dma_wait3A_651] : memref<1000000xf32, #tpu.memory_space<hbm>> -> memref<576xf32, #tpu.memory_space<hbm>>
            %dma_wait3A_653 = arith.constant 0 : i32
            %dma_wait3A_654 = tpu.memref_slice %arg10[%dma_wait3A_653] : memref<2048xf32, #tpu.memory_space<vmem>> -> memref<576xf32, #tpu.memory_space<vmem>>
            %dma_wait3A_655 = arith.constant 999424 : i32
            %dma_wait3A_656 = tpu.memref_slice %arg4[%dma_wait3A_655] : memref<1000000xf32, #tpu.memory_space<hbm>> -> memref<576xf32, #tpu.memory_space<hbm>>
            tpu.wait_dma2 semaphore(%arg18 : memref<!tpu.dma_semaphore, #tpu.memory_space<semaphore_mem>>) src(%dma_wait3A_656 : memref<576xf32, #tpu.memory_space<hbm>>) dst(%dma_wait3A_654 : memref<576xf32, #tpu.memory_space<vmem>>)
          } else {
          }
          %add3A_586 = arith.constant 1 : i32
          %add3A_587 = arith.addi %select_n3A_459, %add3A_586 : i32
          %jit3A_588 = arith.constant 2 : i32
          %eq3A_589 = arith.constant 0 : i32
          %eq3A_590 = arith.cmpi eq, %jit3A_588, %eq3A_589 : i32
          %jit3A_591 = arith.constant 1 : i32
          %select_n3A_592 = arith.select %eq3A_590, %jit3A_591, %jit3A_588 : i32
          %rem3A_593 = arith.remsi %add3A_587, %select_n3A_592 : i32
          %ne3A_594 = arith.constant 0 : i32
          %ne3A_595 = arith.cmpi ne, %rem3A_593, %ne3A_594 : i32
          %lt3A_596 = arith.constant 0 : i32
          %lt3A_597 = arith.cmpi slt, %rem3A_593, %lt3A_596 : i32
          %lt3A_598 = arith.constant 0 : i32
          %lt3A_599 = arith.cmpi slt, %select_n3A_592, %lt3A_598 : i32
          %ne3A_600 = arith.xori %lt3A_597, %lt3A_599 : i1
          %and3A_601 = arith.andi %ne3A_600, %ne3A_595 : i1
          %add3A_602 = arith.addi %rem3A_593, %select_n3A_592 : i32
          %select_n3A_603 = arith.select %and3A_601, %add3A_602, %rem3A_593 : i32
          %eq3A_604 = arith.constant 0 : i32
          %eq3A_605 = arith.cmpi eq, %select_n3A_603, %eq3A_604 : i32
          %lt3A_606 = arith.constant 976 : i32
          %lt3A_607 = arith.cmpi slt, %add3A_587, %lt3A_606 : i32
          %and3A_608 = arith.andi %eq3A_605, %lt3A_607 : i1
          %convert_element_type3A_609 = arith.extui %and3A_608 : i1 to i32
          %cond3A_610 = arith.constant 0 : i32
          %cond3A_611 = arith.cmpi ne, %convert_element_type3A_609, %cond3A_610 : i32
          scf.if %cond3A_611 {
            %mul3A_641 = arith.constant 1024 : i32
            %mul3A_642 = arith.muli %add3A_587, %mul3A_641 : i32
            %mul3A_643 = arith.constant 1024 : i32
            %mul3A_644 = arith.muli %add3A_587, %mul3A_643 : i32
            %dma_start3A_645 = arith.constant 0 : i32
            %dma_start3A_646 = tpu.memref_slice %arg9[%dma_start3A_645] : memref<2048xi32, #tpu.memory_space<vmem>> -> memref<1024xi32, #tpu.memory_space<vmem>>
            %dma_start3A_647 = tpu.memref_slice %arg3[%mul3A_642] : memref<1000000xi32, #tpu.memory_space<hbm>> -> memref<1024xi32, #tpu.memory_space<hbm>>
            %dma_start3A_648 = arith.constant 0 : i32
            %dma_start3A_649 = tpu.memref_slice %arg9[%dma_start3A_648] : memref<2048xi32, #tpu.memory_space<vmem>> -> memref<1024xi32, #tpu.memory_space<vmem>>
            %dma_start3A_650 = tpu.memref_slice %arg3[%mul3A_642] : memref<1000000xi32, #tpu.memory_space<hbm>> -> memref<1024xi32, #tpu.memory_space<hbm>>
            tpu.enqueue_dma source(%dma_start3A_650 : memref<1024xi32, #tpu.memory_space<hbm>>) target(%dma_start3A_649 : memref<1024xi32, #tpu.memory_space<vmem>>) target_semaphore(%arg18 : memref<!tpu.dma_semaphore, #tpu.memory_space<semaphore_mem>>)
            %dma_start3A_651 = arith.constant 0 : i32
            %dma_start3A_652 = tpu.memref_slice %arg10[%dma_start3A_651] : memref<2048xf32, #tpu.memory_space<vmem>> -> memref<1024xf32, #tpu.memory_space<vmem>>
            %dma_start3A_653 = tpu.memref_slice %arg4[%mul3A_644] : memref<1000000xf32, #tpu.memory_space<hbm>> -> memref<1024xf32, #tpu.memory_space<hbm>>
            %dma_start3A_654 = arith.constant 0 : i32
            %dma_start3A_655 = tpu.memref_slice %arg10[%dma_start3A_654] : memref<2048xf32, #tpu.memory_space<vmem>> -> memref<1024xf32, #tpu.memory_space<vmem>>
            %dma_start3A_656 = tpu.memref_slice %arg4[%mul3A_644] : memref<1000000xf32, #tpu.memory_space<hbm>> -> memref<1024xf32, #tpu.memory_space<hbm>>
            tpu.enqueue_dma source(%dma_start3A_656 : memref<1024xf32, #tpu.memory_space<hbm>>) target(%dma_start3A_655 : memref<1024xf32, #tpu.memory_space<vmem>>) target_semaphore(%arg18 : memref<!tpu.dma_semaphore, #tpu.memory_space<semaphore_mem>>)
          } else {
          }
          %jit3A_612 = arith.constant 2 : i32
          %eq3A_613 = arith.constant 0 : i32
          %eq3A_614 = arith.cmpi eq, %jit3A_612, %eq3A_613 : i32
          %jit3A_615 = arith.constant 1 : i32
          %select_n3A_616 = arith.select %eq3A_614, %jit3A_615, %jit3A_612 : i32
          %rem3A_617 = arith.remsi %add3A_587, %select_n3A_616 : i32
          %ne3A_618 = arith.constant 0 : i32
          %ne3A_619 = arith.cmpi ne, %rem3A_617, %ne3A_618 : i32
          %lt3A_620 = arith.constant 0 : i32
          %lt3A_621 = arith.cmpi slt, %rem3A_617, %lt3A_620 : i32
          %lt3A_622 = arith.constant 0 : i32
          %lt3A_623 = arith.cmpi slt, %select_n3A_616, %lt3A_622 : i32
          %ne3A_624 = arith.xori %lt3A_621, %lt3A_623 : i1
          %and3A_625 = arith.andi %ne3A_624, %ne3A_619 : i1
          %add3A_626 = arith.addi %rem3A_617, %select_n3A_616 : i32
          %select_n3A_627 = arith.select %and3A_625, %add3A_626, %rem3A_617 : i32
          %eq3A_628 = arith.constant 1 : i32
          %eq3A_629 = arith.cmpi eq, %select_n3A_627, %eq3A_628 : i32
          %lt3A_630 = arith.constant 976 : i32
          %lt3A_631 = arith.cmpi slt, %add3A_587, %lt3A_630 : i32
          %and3A_632 = arith.andi %eq3A_629, %lt3A_631 : i1
          %convert_element_type3A_633 = arith.extui %and3A_632 : i1 to i32
          %cond3A_634 = arith.constant 0 : i32
          %cond3A_635 = arith.cmpi ne, %convert_element_type3A_633, %cond3A_634 : i32
          scf.if %cond3A_635 {
            %mul3A_641 = arith.constant 1024 : i32
            %mul3A_642 = arith.muli %add3A_587, %mul3A_641 : i32
            %mul3A_643 = arith.constant 1024 : i32
            %mul3A_644 = arith.muli %add3A_587, %mul3A_643 : i32
            %dma_start3A_645 = arith.constant 1024 : i32
            %dma_start3A_646 = tpu.memref_slice %arg9[%dma_start3A_645] : memref<2048xi32, #tpu.memory_space<vmem>> -> memref<1024xi32, #tpu.memory_space<vmem>>
            %dma_start3A_647 = tpu.memref_slice %arg3[%mul3A_642] : memref<1000000xi32, #tpu.memory_space<hbm>> -> memref<1024xi32, #tpu.memory_space<hbm>>
            %dma_start3A_648 = arith.constant 1024 : i32
            %dma_start3A_649 = tpu.memref_slice %arg9[%dma_start3A_648] : memref<2048xi32, #tpu.memory_space<vmem>> -> memref<1024xi32, #tpu.memory_space<vmem>>
            %dma_start3A_650 = tpu.memref_slice %arg3[%mul3A_642] : memref<1000000xi32, #tpu.memory_space<hbm>> -> memref<1024xi32, #tpu.memory_space<hbm>>
            tpu.enqueue_dma source(%dma_start3A_650 : memref<1024xi32, #tpu.memory_space<hbm>>) target(%dma_start3A_649 : memref<1024xi32, #tpu.memory_space<vmem>>) target_semaphore(%arg19 : memref<!tpu.dma_semaphore, #tpu.memory_space<semaphore_mem>>)
            %dma_start3A_651 = arith.constant 1024 : i32
            %dma_start3A_652 = tpu.memref_slice %arg10[%dma_start3A_651] : memref<2048xf32, #tpu.memory_space<vmem>> -> memref<1024xf32, #tpu.memory_space<vmem>>
            %dma_start3A_653 = tpu.memref_slice %arg4[%mul3A_644] : memref<1000000xf32, #tpu.memory_space<hbm>> -> memref<1024xf32, #tpu.memory_space<hbm>>
            %dma_start3A_654 = arith.constant 1024 : i32
            %dma_start3A_655 = tpu.memref_slice %arg10[%dma_start3A_654] : memref<2048xf32, #tpu.memory_space<vmem>> -> memref<1024xf32, #tpu.memory_space<vmem>>
            %dma_start3A_656 = tpu.memref_slice %arg4[%mul3A_644] : memref<1000000xf32, #tpu.memory_space<hbm>> -> memref<1024xf32, #tpu.memory_space<hbm>>
            tpu.enqueue_dma source(%dma_start3A_656 : memref<1024xf32, #tpu.memory_space<hbm>>) target(%dma_start3A_655 : memref<1024xf32, #tpu.memory_space<vmem>>) target_semaphore(%arg19 : memref<!tpu.dma_semaphore, #tpu.memory_space<semaphore_mem>>)
          } else {
          }
          %eq3A_636 = arith.constant 976 : i32
          %eq3A_637 = arith.cmpi eq, %add3A_587, %eq3A_636 : i32
          %convert_element_type3A_638 = arith.extui %eq3A_637 : i1 to i32
          %cond3A_639 = arith.constant 0 : i32
          %cond3A_640 = arith.cmpi ne, %convert_element_type3A_638, %cond3A_639 : i32
          scf.if %cond3A_640 {
            %dma_start3A_641 = arith.constant 0 : i32
            %dma_start3A_642 = tpu.memref_slice %arg9[%dma_start3A_641] : memref<2048xi32, #tpu.memory_space<vmem>> -> memref<576xi32, #tpu.memory_space<vmem>>
            %dma_start3A_643 = arith.constant 999424 : i32
            %dma_start3A_644 = tpu.memref_slice %arg3[%dma_start3A_643] : memref<1000000xi32, #tpu.memory_space<hbm>> -> memref<576xi32, #tpu.memory_space<hbm>>
            %dma_start3A_645 = arith.constant 0 : i32
            %dma_start3A_646 = tpu.memref_slice %arg9[%dma_start3A_645] : memref<2048xi32, #tpu.memory_space<vmem>> -> memref<576xi32, #tpu.memory_space<vmem>>
            %dma_start3A_647 = arith.constant 999424 : i32
            %dma_start3A_648 = tpu.memref_slice %arg3[%dma_start3A_647] : memref<1000000xi32, #tpu.memory_space<hbm>> -> memref<576xi32, #tpu.memory_space<hbm>>
            tpu.enqueue_dma source(%dma_start3A_648 : memref<576xi32, #tpu.memory_space<hbm>>) target(%dma_start3A_646 : memref<576xi32, #tpu.memory_space<vmem>>) target_semaphore(%arg18 : memref<!tpu.dma_semaphore, #tpu.memory_space<semaphore_mem>>)
            %dma_start3A_649 = arith.constant 0 : i32
            %dma_start3A_650 = tpu.memref_slice %arg10[%dma_start3A_649] : memref<2048xf32, #tpu.memory_space<vmem>> -> memref<576xf32, #tpu.memory_space<vmem>>
            %dma_start3A_651 = arith.constant 999424 : i32
            %dma_start3A_652 = tpu.memref_slice %arg4[%dma_start3A_651] : memref<1000000xf32, #tpu.memory_space<hbm>> -> memref<576xf32, #tpu.memory_space<hbm>>
            %dma_start3A_653 = arith.constant 0 : i32
            %dma_start3A_654 = tpu.memref_slice %arg10[%dma_start3A_653] : memref<2048xf32, #tpu.memory_space<vmem>> -> memref<576xf32, #tpu.memory_space<vmem>>
            %dma_start3A_655 = arith.constant 999424 : i32
            %dma_start3A_656 = tpu.memref_slice %arg4[%dma_start3A_655] : memref<1000000xf32, #tpu.memory_space<hbm>> -> memref<576xf32, #tpu.memory_space<hbm>>
            tpu.enqueue_dma source(%dma_start3A_656 : memref<576xf32, #tpu.memory_space<hbm>>) target(%dma_start3A_654 : memref<576xf32, #tpu.memory_space<vmem>>) target_semaphore(%arg18 : memref<!tpu.dma_semaphore, #tpu.memory_space<semaphore_mem>>)
          } else {
          }
        } else {
        }
        %max3A_463 = arith.maxsi %while3A_434, %select_n3A_459 : i32
        %jit3A_464 = arith.constant 16 : i32
        %div3A_465 = arith.divsi %while3A_433, %jit3A_464 : i32
        %sign3A_466 = arith.constant 0 : i32
        %sign3A_467 = arith.cmpi sgt, %while3A_433, %sign3A_466 : i32
        %sign3A_468 = arith.extui %sign3A_467 : i1 to i32
        %sign3A_469 = arith.constant 0 : i32
        %sign3A_470 = arith.cmpi slt, %while3A_433, %sign3A_469 : i32
        %sign3A_471 = arith.extui %sign3A_470 : i1 to i32
        %sign3A_472 = arith.subi %sign3A_468, %sign3A_471 : i32
        %sign3A_473 = arith.constant 0 : i32
        %sign3A_474 = arith.cmpi sgt, %jit3A_464, %sign3A_473 : i32
        %sign3A_475 = arith.extui %sign3A_474 : i1 to i32
        %sign3A_476 = arith.constant 0 : i32
        %sign3A_477 = arith.cmpi slt, %jit3A_464, %sign3A_476 : i32
        %sign3A_478 = arith.extui %sign3A_477 : i1 to i32
        %sign3A_479 = arith.subi %sign3A_475, %sign3A_478 : i32
        %ne3A_480 = arith.cmpi ne, %sign3A_472, %sign3A_479 : i32
        %rem3A_481 = arith.remsi %while3A_433, %jit3A_464 : i32
        %ne3A_482 = arith.constant 0 : i32
        %ne3A_483 = arith.cmpi ne, %rem3A_481, %ne3A_482 : i32
        %and3A_484 = arith.andi %ne3A_480, %ne3A_483 : i1
        %sub3A_485 = arith.constant 1 : i32
        %sub3A_486 = arith.subi %div3A_465, %sub3A_485 : i32
        %select_n3A_487 = arith.select %and3A_484, %sub3A_486, %div3A_465 : i32
        %mul3A_488 = arith.constant 16 : i32
        %mul3A_489 = arith.muli %select_n3A_487, %mul3A_488 : i32
        %jit3A_490 = arith.constant 2048 : i32
        %eq3A_491 = arith.constant 0 : i32
        %eq3A_492 = arith.cmpi eq, %jit3A_490, %eq3A_491 : i32
        %jit3A_493 = arith.constant 1 : i32
        %select_n3A_494 = arith.select %eq3A_492, %jit3A_493, %jit3A_490 : i32
        %rem3A_495 = arith.remsi %mul3A_489, %select_n3A_494 : i32
        %ne3A_496 = arith.constant 0 : i32
        %ne3A_497 = arith.cmpi ne, %rem3A_495, %ne3A_496 : i32
        %lt3A_498 = arith.constant 0 : i32
        %lt3A_499 = arith.cmpi slt, %rem3A_495, %lt3A_498 : i32
        %lt3A_500 = arith.constant 0 : i32
        %lt3A_501 = arith.cmpi slt, %select_n3A_494, %lt3A_500 : i32
        %ne3A_502 = arith.xori %lt3A_499, %lt3A_501 : i1
        %and3A_503 = arith.andi %ne3A_502, %ne3A_497 : i1
        %add3A_504 = arith.addi %rem3A_495, %select_n3A_494 : i32
        %select_n3A_505 = arith.select %and3A_503, %add3A_504, %rem3A_495 : i32
        %get3A_506 = arith.index_cast %select_n3A_505 : i32 to index
        %get3A_507 = tpu.vector_load %arg9[%get3A_506] {strides = array<i32>} : memref<2048xi32, #tpu.memory_space<vmem>>, vector<16xi32>,
        %get3A_508 = arith.index_cast %select_n3A_505 : i32 to index
        %get3A_509 = tpu.vector_load %arg10[%get3A_508] {strides = array<i32>} : memref<2048xf32, #tpu.memory_space<vmem>>, vector<16xf32>,
        %iota3A = tpu.iota {dimensions = array<i32: 0>} : vector<16xi32>
        %add3A_510 = vector.broadcast %mul3A_489 : i32 to vector<16xi32>
        %add3A_511 = arith.addi %add3A_510, %iota3A : vector<16xi32>
        %ge3A_512 = vector.broadcast %while3A_433 : i32 to vector<16xi32>
        %ge3A_513 = arith.cmpi sge, %add3A_511, %ge3A_512 : vector<16xi32>
        %lt3A_514 = arith.constant 1000000 : i32
        %lt3A_515 = vector.broadcast %lt3A_514 : i32 to vector<16xi32>
        %lt3A_516 = arith.cmpi slt, %add3A_511, %lt3A_515 : vector<16xi32>
        %and3A_517 = arith.andi %ge3A_513, %lt3A_516 : vector<16xi1>
        %lt3A_518 = vector.broadcast %add3A_423 : i32 to vector<16xi32>
        %lt3A_519 = arith.cmpi slt, %get3A_507, %lt3A_518 : vector<16xi32>
        %and3A_520 = arith.andi %and3A_517, %lt3A_519 : vector<16xi1>
        %sub3A_521 = vector.broadcast %mul3A_421 : i32 to vector<16xi32>
        %sub3A_522 = arith.subi %get3A_507, %sub3A_521 : vector<16xi32>
        %jit3A_523 = arith.constant 0 : i32
        %broadcast_in_dim3A = vector.broadcast %jit3A_523 : i32 to vector<16xi32>
        %select_n3A_524 = arith.select %and3A_520, %sub3A_522, %broadcast_in_dim3A : vector<16xi1>, vector<16xi32>
        tpu.vector_store_idx %arg8[%select_n3A_524], %get3A_509 masked %and3A_520 {add = true} : memref<32768xf32, #tpu.memory_space<vmem>>[vector<16xi32>], vector<16xf32>, vector<16xi1>
        %all_reduce_population_count3A_525 = tpu.all_reduce %and3A_520 {dim = 0 : i64, kind = #tpu.reduction_kind<sum>} : vector<16xi1> -> vector<16xi32>
        %slice3A_526 = vector.extract_strided_slice %all_reduce_population_count3A_525 {offsets = [0], sizes = [1], strides = [1]} : vector<16xi32> to vector<1xi32>
        %squeeze3A_527 = vector.extract %slice3A_526[0] : i32 from vector<1xi32>
        %sub3A_528 = arith.subi %while3A_433, %mul3A_489 : i32
        %sub3A_529 = arith.constant 16 : i32
        %sub3A_530 = arith.subi %sub3A_529, %sub3A_528 : i32
        %lt3A_531 = arith.cmpi slt, %squeeze3A_527, %sub3A_530 : i32
        %add3A_532 = arith.addi %while3A_433, %squeeze3A_527 : i32
        scf.yield %add3A_532, %max3A_463, %lt3A_531 : i32, i32, i1
      }
      %mul3A_426 = arith.constant 43 : i32
      %mul3A_427 = arith.muli %add3A, %mul3A_426 : i32
      %add3A_428 = arith.addi %mul3A_427, %add3A_395 : i32
      %mul3A_429 = arith.constant 32768 : i32
      %mul3A_430 = arith.muli %add3A_428, %mul3A_429 : i32
      %dma_start3A_431 = tpu.memref_slice %arg5[%mul3A_430] : memref<45088768xf32, #tpu.memory_space<hbm>> -> memref<32768xf32, #tpu.memory_space<hbm>>
      %dma_start3A_432 = tpu.memref_slice %arg5[%mul3A_430] : memref<45088768xf32, #tpu.memory_space<hbm>> -> memref<32768xf32, #tpu.memory_space<hbm>>
      tpu.enqueue_dma source(%arg8 : memref<32768xf32, #tpu.memory_space<vmem>>) target(%dma_start3A_432 : memref<32768xf32, #tpu.memory_space<hbm>>) target_semaphore(%arg17 : memref<!tpu.dma_semaphore, #tpu.memory_space<semaphore_mem>>)
      scf.yield %while3A_425#0, %while3A_425#1 : i32, i32
    }
    %scan3A_204 = arith.constant 14 : i32
    %mul3A_205 = arith.constant 43 : i32
    %mul3A_206 = arith.muli %add3A, %mul3A_205 : i32
    %add3A_207 = arith.constant 42 : i32
    %add3A_208 = arith.addi %mul3A_206, %add3A_207 : i32
    %mul3A_209 = arith.constant 32768 : i32
    %mul3A_210 = arith.muli %add3A_208, %mul3A_209 : i32
    %dma_wait3A = tpu.memref_slice %arg2[%mul3A_210] : memref<45088768xf32, #tpu.memory_space<hbm>> -> memref<32768xf32, #tpu.memory_space<hbm>>
    %dma_wait3A_211 = tpu.memref_slice %arg2[%mul3A_210] : memref<45088768xf32, #tpu.memory_space<hbm>> -> memref<32768xf32, #tpu.memory_space<hbm>>
    tpu.wait_dma2 semaphore(%arg12 : memref<!tpu.dma_semaphore, #tpu.memory_space<semaphore_mem>>) src(%dma_wait3A_211 : memref<32768xf32, #tpu.memory_space<hbm>>) dst(%arg6 : memref<32768xf32, #tpu.memory_space<vmem>>)
    %mul3A_212 = arith.constant 43 : i32
    %mul3A_213 = arith.muli %add3A, %mul3A_212 : i32
    %add3A_214 = arith.constant 42 : i32
    %add3A_215 = arith.addi %mul3A_213, %add3A_214 : i32
    %mul3A_216 = arith.constant 32768 : i32
    %mul3A_217 = arith.muli %add3A_215, %mul3A_216 : i32
    %add3A_218 = arith.constant 32768 : i32
    %add3A_219 = arith.addi %mul3A_217, %add3A_218 : i32
    %while3A = arith.constant false
    %while3A_220:3 = scf.while (%while3A_308 = %scan3A_203#0, %while3A_309 = %scan3A_203#1, %while3A_310 = %while3A) : (i32, i32, i1) -> (i32, i32, i1) {
      %not3A = arith.constant true
      %not3A_311 = arith.xori %while3A_310, %not3A : i1
      scf.condition(%not3A_311) %while3A_308, %while3A_309, %while3A_310 : i32, i32, i1
    } do {
    ^bb0(%while3A_308: i32, %while3A_309: i32, %while3A_310: i1):
      %jit3A_311 = arith.constant 1024 : i32
      %div3A_312 = arith.divsi %while3A_308, %jit3A_311 : i32
      %sign3A_313 = arith.constant 0 : i32
      %sign3A_314 = arith.cmpi sgt, %while3A_308, %sign3A_313 : i32
      %sign3A_315 = arith.extui %sign3A_314 : i1 to i32
      %sign3A_316 = arith.constant 0 : i32
      %sign3A_317 = arith.cmpi slt, %while3A_308, %sign3A_316 : i32
      %sign3A_318 = arith.extui %sign3A_317 : i1 to i32
      %sign3A_319 = arith.subi %sign3A_315, %sign3A_318 : i32
      %sign3A_320 = arith.constant 0 : i32
      %sign3A_321 = arith.cmpi sgt, %jit3A_311, %sign3A_320 : i32
      %sign3A_322 = arith.extui %sign3A_321 : i1 to i32
      %sign3A_323 = arith.constant 0 : i32
      %sign3A_324 = arith.cmpi slt, %jit3A_311, %sign3A_323 : i32
      %sign3A_325 = arith.extui %sign3A_324 : i1 to i32
      %sign3A_326 = arith.subi %sign3A_322, %sign3A_325 : i32
      %ne3A_327 = arith.cmpi ne, %sign3A_319, %sign3A_326 : i32
      %rem3A_328 = arith.remsi %while3A_308, %jit3A_311 : i32
      %ne3A_329 = arith.constant 0 : i32
      %ne3A_330 = arith.cmpi ne, %rem3A_328, %ne3A_329 : i32
      %and3A_331 = arith.andi %ne3A_327, %ne3A_330 : i1
      %sub3A_332 = arith.constant 1 : i32
      %sub3A_333 = arith.subi %div3A_312, %sub3A_332 : i32
      %select_n3A_334 = arith.select %and3A_331, %sub3A_333, %div3A_312 : i32
      %gt3A = arith.cmpi sgt, %select_n3A_334, %while3A_309 : i32
      %convert_element_type3A_335 = arith.extui %gt3A : i1 to i32
      %cond3A_336 = arith.constant 0 : i32
      %cond3A_337 = arith.cmpi ne, %convert_element_type3A_335, %cond3A_336 : i32
      scf.if %cond3A_337 {
        %jit3A_407 = arith.constant 2 : i32
        %eq3A_408 = arith.constant 0 : i32
        %eq3A_409 = arith.cmpi eq, %jit3A_407, %eq3A_408 : i32
        %jit3A_410 = arith.constant 1 : i32
        %select_n3A_411 = arith.select %eq3A_409, %jit3A_410, %jit3A_407 : i32
        %rem3A_412 = arith.remsi %select_n3A_334, %select_n3A_411 : i32
        %ne3A_413 = arith.constant 0 : i32
        %ne3A_414 = arith.cmpi ne, %rem3A_412, %ne3A_413 : i32
        %lt3A_415 = arith.constant 0 : i32
        %lt3A_416 = arith.cmpi slt, %rem3A_412, %lt3A_415 : i32
        %lt3A_417 = arith.constant 0 : i32
        %lt3A_418 = arith.cmpi slt, %select_n3A_411, %lt3A_417 : i32
        %ne3A_419 = arith.xori %lt3A_416, %lt3A_418 : i1
        %and3A_420 = arith.andi %ne3A_419, %ne3A_414 : i1
        %add3A_421 = arith.addi %rem3A_412, %select_n3A_411 : i32
        %select_n3A_422 = arith.select %and3A_420, %add3A_421, %rem3A_412 : i32
        %eq3A_423 = arith.constant 0 : i32
        %eq3A_424 = arith.cmpi eq, %select_n3A_422, %eq3A_423 : i32
        %lt3A_425 = arith.constant 976 : i32
        %lt3A_426 = arith.cmpi slt, %select_n3A_334, %lt3A_425 : i32
        %and3A_427 = arith.andi %eq3A_424, %lt3A_426 : i1
        %convert_element_type3A_428 = arith.extui %and3A_427 : i1 to i32
        %cond3A_429 = arith.constant 0 : i32
        %cond3A_430 = arith.cmpi ne, %convert_element_type3A_428, %cond3A_429 : i32
        scf.if %cond3A_430 {
          %mul3A_515 = arith.constant 1024 : i32
          %mul3A_516 = arith.muli %select_n3A_334, %mul3A_515 : i32
          %mul3A_517 = arith.constant 1024 : i32
          %mul3A_518 = arith.muli %select_n3A_334, %mul3A_517 : i32
          %dma_wait3A_519 = arith.constant 0 : i32
          %dma_wait3A_520 = tpu.memref_slice %arg9[%dma_wait3A_519] : memref<2048xi32, #tpu.memory_space<vmem>> -> memref<1024xi32, #tpu.memory_space<vmem>>
          %dma_wait3A_521 = tpu.memref_slice %arg3[%mul3A_516] : memref<1000000xi32, #tpu.memory_space<hbm>> -> memref<1024xi32, #tpu.memory_space<hbm>>
          %dma_wait3A_522 = arith.constant 0 : i32
          %dma_wait3A_523 = tpu.memref_slice %arg9[%dma_wait3A_522] : memref<2048xi32, #tpu.memory_space<vmem>> -> memref<1024xi32, #tpu.memory_space<vmem>>
          %dma_wait3A_524 = tpu.memref_slice %arg3[%mul3A_516] : memref<1000000xi32, #tpu.memory_space<hbm>> -> memref<1024xi32, #tpu.memory_space<hbm>>
          tpu.wait_dma2 semaphore(%arg18 : memref<!tpu.dma_semaphore, #tpu.memory_space<semaphore_mem>>) src(%dma_wait3A_524 : memref<1024xi32, #tpu.memory_space<hbm>>) dst(%dma_wait3A_523 : memref<1024xi32, #tpu.memory_space<vmem>>)
          %dma_wait3A_525 = arith.constant 0 : i32
          %dma_wait3A_526 = tpu.memref_slice %arg10[%dma_wait3A_525] : memref<2048xf32, #tpu.memory_space<vmem>> -> memref<1024xf32, #tpu.memory_space<vmem>>
          %dma_wait3A_527 = tpu.memref_slice %arg4[%mul3A_518] : memref<1000000xf32, #tpu.memory_space<hbm>> -> memref<1024xf32, #tpu.memory_space<hbm>>
          %dma_wait3A_528 = arith.constant 0 : i32
          %dma_wait3A_529 = tpu.memref_slice %arg10[%dma_wait3A_528] : memref<2048xf32, #tpu.memory_space<vmem>> -> memref<1024xf32, #tpu.memory_space<vmem>>
          %dma_wait3A_530 = tpu.memref_slice %arg4[%mul3A_518] : memref<1000000xf32, #tpu.memory_space<hbm>> -> memref<1024xf32, #tpu.memory_space<hbm>>
          tpu.wait_dma2 semaphore(%arg18 : memref<!tpu.dma_semaphore, #tpu.memory_space<semaphore_mem>>) src(%dma_wait3A_530 : memref<1024xf32, #tpu.memory_space<hbm>>) dst(%dma_wait3A_529 : memref<1024xf32, #tpu.memory_space<vmem>>)
        } else {
        }
        %jit3A_431 = arith.constant 2 : i32
        %eq3A_432 = arith.constant 0 : i32
        %eq3A_433 = arith.cmpi eq, %jit3A_431, %eq3A_432 : i32
        %jit3A_434 = arith.constant 1 : i32
        %select_n3A_435 = arith.select %eq3A_433, %jit3A_434, %jit3A_431 : i32
        %rem3A_436 = arith.remsi %select_n3A_334, %select_n3A_435 : i32
        %ne3A_437 = arith.constant 0 : i32
        %ne3A_438 = arith.cmpi ne, %rem3A_436, %ne3A_437 : i32
        %lt3A_439 = arith.constant 0 : i32
        %lt3A_440 = arith.cmpi slt, %rem3A_436, %lt3A_439 : i32
        %lt3A_441 = arith.constant 0 : i32
        %lt3A_442 = arith.cmpi slt, %select_n3A_435, %lt3A_441 : i32
        %ne3A_443 = arith.xori %lt3A_440, %lt3A_442 : i1
        %and3A_444 = arith.andi %ne3A_443, %ne3A_438 : i1
        %add3A_445 = arith.addi %rem3A_436, %select_n3A_435 : i32
        %select_n3A_446 = arith.select %and3A_444, %add3A_445, %rem3A_436 : i32
        %eq3A_447 = arith.constant 1 : i32
        %eq3A_448 = arith.cmpi eq, %select_n3A_446, %eq3A_447 : i32
        %lt3A_449 = arith.constant 976 : i32
        %lt3A_450 = arith.cmpi slt, %select_n3A_334, %lt3A_449 : i32
        %and3A_451 = arith.andi %eq3A_448, %lt3A_450 : i1
        %convert_element_type3A_452 = arith.extui %and3A_451 : i1 to i32
        %cond3A_453 = arith.constant 0 : i32
        %cond3A_454 = arith.cmpi ne, %convert_element_type3A_452, %cond3A_453 : i32
        scf.if %cond3A_454 {
          %mul3A_515 = arith.constant 1024 : i32
          %mul3A_516 = arith.muli %select_n3A_334, %mul3A_515 : i32
          %mul3A_517 = arith.constant 1024 : i32
          %mul3A_518 = arith.muli %select_n3A_334, %mul3A_517 : i32
          %dma_wait3A_519 = arith.constant 1024 : i32
          %dma_wait3A_520 = tpu.memref_slice %arg9[%dma_wait3A_519] : memref<2048xi32, #tpu.memory_space<vmem>> -> memref<1024xi32, #tpu.memory_space<vmem>>
          %dma_wait3A_521 = tpu.memref_slice %arg3[%mul3A_516] : memref<1000000xi32, #tpu.memory_space<hbm>> -> memref<1024xi32, #tpu.memory_space<hbm>>
          %dma_wait3A_522 = arith.constant 1024 : i32
          %dma_wait3A_523 = tpu.memref_slice %arg9[%dma_wait3A_522] : memref<2048xi32, #tpu.memory_space<vmem>> -> memref<1024xi32, #tpu.memory_space<vmem>>
          %dma_wait3A_524 = tpu.memref_slice %arg3[%mul3A_516] : memref<1000000xi32, #tpu.memory_space<hbm>> -> memref<1024xi32, #tpu.memory_space<hbm>>
          tpu.wait_dma2 semaphore(%arg19 : memref<!tpu.dma_semaphore, #tpu.memory_space<semaphore_mem>>) src(%dma_wait3A_524 : memref<1024xi32, #tpu.memory_space<hbm>>) dst(%dma_wait3A_523 : memref<1024xi32, #tpu.memory_space<vmem>>)
          %dma_wait3A_525 = arith.constant 1024 : i32
          %dma_wait3A_526 = tpu.memref_slice %arg10[%dma_wait3A_525] : memref<2048xf32, #tpu.memory_space<vmem>> -> memref<1024xf32, #tpu.memory_space<vmem>>
          %dma_wait3A_527 = tpu.memref_slice %arg4[%mul3A_518] : memref<1000000xf32, #tpu.memory_space<hbm>> -> memref<1024xf32, #tpu.memory_space<hbm>>
          %dma_wait3A_528 = arith.constant 1024 : i32
          %dma_wait3A_529 = tpu.memref_slice %arg10[%dma_wait3A_528] : memref<2048xf32, #tpu.memory_space<vmem>> -> memref<1024xf32, #tpu.memory_space<vmem>>
          %dma_wait3A_530 = tpu.memref_slice %arg4[%mul3A_518] : memref<1000000xf32, #tpu.memory_space<hbm>> -> memref<1024xf32, #tpu.memory_space<hbm>>
          tpu.wait_dma2 semaphore(%arg19 : memref<!tpu.dma_semaphore, #tpu.memory_space<semaphore_mem>>) src(%dma_wait3A_530 : memref<1024xf32, #tpu.memory_space<hbm>>) dst(%dma_wait3A_529 : memref<1024xf32, #tpu.memory_space<vmem>>)
        } else {
        }
        %eq3A_455 = arith.constant 976 : i32
        %eq3A_456 = arith.cmpi eq, %select_n3A_334, %eq3A_455 : i32
        %convert_element_type3A_457 = arith.extui %eq3A_456 : i1 to i32
        %cond3A_458 = arith.constant 0 : i32
        %cond3A_459 = arith.cmpi ne, %convert_element_type3A_457, %cond3A_458 : i32
        scf.if %cond3A_459 {
          %dma_wait3A_515 = arith.constant 0 : i32
          %dma_wait3A_516 = tpu.memref_slice %arg9[%dma_wait3A_515] : memref<2048xi32, #tpu.memory_space<vmem>> -> memref<576xi32, #tpu.memory_space<vmem>>
          %dma_wait3A_517 = arith.constant 999424 : i32
          %dma_wait3A_518 = tpu.memref_slice %arg3[%dma_wait3A_517] : memref<1000000xi32, #tpu.memory_space<hbm>> -> memref<576xi32, #tpu.memory_space<hbm>>
          %dma_wait3A_519 = arith.constant 0 : i32
          %dma_wait3A_520 = tpu.memref_slice %arg9[%dma_wait3A_519] : memref<2048xi32, #tpu.memory_space<vmem>> -> memref<576xi32, #tpu.memory_space<vmem>>
          %dma_wait3A_521 = arith.constant 999424 : i32
          %dma_wait3A_522 = tpu.memref_slice %arg3[%dma_wait3A_521] : memref<1000000xi32, #tpu.memory_space<hbm>> -> memref<576xi32, #tpu.memory_space<hbm>>
          tpu.wait_dma2 semaphore(%arg18 : memref<!tpu.dma_semaphore, #tpu.memory_space<semaphore_mem>>) src(%dma_wait3A_522 : memref<576xi32, #tpu.memory_space<hbm>>) dst(%dma_wait3A_520 : memref<576xi32, #tpu.memory_space<vmem>>)
          %dma_wait3A_523 = arith.constant 0 : i32
          %dma_wait3A_524 = tpu.memref_slice %arg10[%dma_wait3A_523] : memref<2048xf32, #tpu.memory_space<vmem>> -> memref<576xf32, #tpu.memory_space<vmem>>
          %dma_wait3A_525 = arith.constant 999424 : i32
          %dma_wait3A_526 = tpu.memref_slice %arg4[%dma_wait3A_525] : memref<1000000xf32, #tpu.memory_space<hbm>> -> memref<576xf32, #tpu.memory_space<hbm>>
          %dma_wait3A_527 = arith.constant 0 : i32
          %dma_wait3A_528 = tpu.memref_slice %arg10[%dma_wait3A_527] : memref<2048xf32, #tpu.memory_space<vmem>> -> memref<576xf32, #tpu.memory_space<vmem>>
          %dma_wait3A_529 = arith.constant 999424 : i32
          %dma_wait3A_530 = tpu.memref_slice %arg4[%dma_wait3A_529] : memref<1000000xf32, #tpu.memory_space<hbm>> -> memref<576xf32, #tpu.memory_space<hbm>>
          tpu.wait_dma2 semaphore(%arg18 : memref<!tpu.dma_semaphore, #tpu.memory_space<semaphore_mem>>) src(%dma_wait3A_530 : memref<576xf32, #tpu.memory_space<hbm>>) dst(%dma_wait3A_528 : memref<576xf32, #tpu.memory_space<vmem>>)
        } else {
        }
        %add3A_460 = arith.constant 1 : i32
        %add3A_461 = arith.addi %select_n3A_334, %add3A_460 : i32
        %jit3A_462 = arith.constant 2 : i32
        %eq3A_463 = arith.constant 0 : i32
        %eq3A_464 = arith.cmpi eq, %jit3A_462, %eq3A_463 : i32
        %jit3A_465 = arith.constant 1 : i32
        %select_n3A_466 = arith.select %eq3A_464, %jit3A_465, %jit3A_462 : i32
        %rem3A_467 = arith.remsi %add3A_461, %select_n3A_466 : i32
        %ne3A_468 = arith.constant 0 : i32
        %ne3A_469 = arith.cmpi ne, %rem3A_467, %ne3A_468 : i32
        %lt3A_470 = arith.constant 0 : i32
        %lt3A_471 = arith.cmpi slt, %rem3A_467, %lt3A_470 : i32
        %lt3A_472 = arith.constant 0 : i32
        %lt3A_473 = arith.cmpi slt, %select_n3A_466, %lt3A_472 : i32
        %ne3A_474 = arith.xori %lt3A_471, %lt3A_473 : i1
        %and3A_475 = arith.andi %ne3A_474, %ne3A_469 : i1
        %add3A_476 = arith.addi %rem3A_467, %select_n3A_466 : i32
        %select_n3A_477 = arith.select %and3A_475, %add3A_476, %rem3A_467 : i32
        %eq3A_478 = arith.constant 0 : i32
        %eq3A_479 = arith.cmpi eq, %select_n3A_477, %eq3A_478 : i32
        %lt3A_480 = arith.constant 976 : i32
        %lt3A_481 = arith.cmpi slt, %add3A_461, %lt3A_480 : i32
        %and3A_482 = arith.andi %eq3A_479, %lt3A_481 : i1
        %convert_element_type3A_483 = arith.extui %and3A_482 : i1 to i32
        %cond3A_484 = arith.constant 0 : i32
        %cond3A_485 = arith.cmpi ne, %convert_element_type3A_483, %cond3A_484 : i32
        scf.if %cond3A_485 {
          %mul3A_515 = arith.constant 1024 : i32
          %mul3A_516 = arith.muli %add3A_461, %mul3A_515 : i32
          %mul3A_517 = arith.constant 1024 : i32
          %mul3A_518 = arith.muli %add3A_461, %mul3A_517 : i32
          %dma_start3A_519 = arith.constant 0 : i32
          %dma_start3A_520 = tpu.memref_slice %arg9[%dma_start3A_519] : memref<2048xi32, #tpu.memory_space<vmem>> -> memref<1024xi32, #tpu.memory_space<vmem>>
          %dma_start3A_521 = tpu.memref_slice %arg3[%mul3A_516] : memref<1000000xi32, #tpu.memory_space<hbm>> -> memref<1024xi32, #tpu.memory_space<hbm>>
          %dma_start3A_522 = arith.constant 0 : i32
          %dma_start3A_523 = tpu.memref_slice %arg9[%dma_start3A_522] : memref<2048xi32, #tpu.memory_space<vmem>> -> memref<1024xi32, #tpu.memory_space<vmem>>
          %dma_start3A_524 = tpu.memref_slice %arg3[%mul3A_516] : memref<1000000xi32, #tpu.memory_space<hbm>> -> memref<1024xi32, #tpu.memory_space<hbm>>
          tpu.enqueue_dma source(%dma_start3A_524 : memref<1024xi32, #tpu.memory_space<hbm>>) target(%dma_start3A_523 : memref<1024xi32, #tpu.memory_space<vmem>>) target_semaphore(%arg18 : memref<!tpu.dma_semaphore, #tpu.memory_space<semaphore_mem>>)
          %dma_start3A_525 = arith.constant 0 : i32
          %dma_start3A_526 = tpu.memref_slice %arg10[%dma_start3A_525] : memref<2048xf32, #tpu.memory_space<vmem>> -> memref<1024xf32, #tpu.memory_space<vmem>>
          %dma_start3A_527 = tpu.memref_slice %arg4[%mul3A_518] : memref<1000000xf32, #tpu.memory_space<hbm>> -> memref<1024xf32, #tpu.memory_space<hbm>>
          %dma_start3A_528 = arith.constant 0 : i32
          %dma_start3A_529 = tpu.memref_slice %arg10[%dma_start3A_528] : memref<2048xf32, #tpu.memory_space<vmem>> -> memref<1024xf32, #tpu.memory_space<vmem>>
          %dma_start3A_530 = tpu.memref_slice %arg4[%mul3A_518] : memref<1000000xf32, #tpu.memory_space<hbm>> -> memref<1024xf32, #tpu.memory_space<hbm>>
          tpu.enqueue_dma source(%dma_start3A_530 : memref<1024xf32, #tpu.memory_space<hbm>>) target(%dma_start3A_529 : memref<1024xf32, #tpu.memory_space<vmem>>) target_semaphore(%arg18 : memref<!tpu.dma_semaphore, #tpu.memory_space<semaphore_mem>>)
        } else {
        }
        %jit3A_486 = arith.constant 2 : i32
        %eq3A_487 = arith.constant 0 : i32
        %eq3A_488 = arith.cmpi eq, %jit3A_486, %eq3A_487 : i32
        %jit3A_489 = arith.constant 1 : i32
        %select_n3A_490 = arith.select %eq3A_488, %jit3A_489, %jit3A_486 : i32
        %rem3A_491 = arith.remsi %add3A_461, %select_n3A_490 : i32
        %ne3A_492 = arith.constant 0 : i32
        %ne3A_493 = arith.cmpi ne, %rem3A_491, %ne3A_492 : i32
        %lt3A_494 = arith.constant 0 : i32
        %lt3A_495 = arith.cmpi slt, %rem3A_491, %lt3A_494 : i32
        %lt3A_496 = arith.constant 0 : i32
        %lt3A_497 = arith.cmpi slt, %select_n3A_490, %lt3A_496 : i32
        %ne3A_498 = arith.xori %lt3A_495, %lt3A_497 : i1
        %and3A_499 = arith.andi %ne3A_498, %ne3A_493 : i1
        %add3A_500 = arith.addi %rem3A_491, %select_n3A_490 : i32
        %select_n3A_501 = arith.select %and3A_499, %add3A_500, %rem3A_491 : i32
        %eq3A_502 = arith.constant 1 : i32
        %eq3A_503 = arith.cmpi eq, %select_n3A_501, %eq3A_502 : i32
        %lt3A_504 = arith.constant 976 : i32
        %lt3A_505 = arith.cmpi slt, %add3A_461, %lt3A_504 : i32
        %and3A_506 = arith.andi %eq3A_503, %lt3A_505 : i1
        %convert_element_type3A_507 = arith.extui %and3A_506 : i1 to i32
        %cond3A_508 = arith.constant 0 : i32
        %cond3A_509 = arith.cmpi ne, %convert_element_type3A_507, %cond3A_508 : i32
        scf.if %cond3A_509 {
          %mul3A_515 = arith.constant 1024 : i32
          %mul3A_516 = arith.muli %add3A_461, %mul3A_515 : i32
          %mul3A_517 = arith.constant 1024 : i32
          %mul3A_518 = arith.muli %add3A_461, %mul3A_517 : i32
          %dma_start3A_519 = arith.constant 1024 : i32
          %dma_start3A_520 = tpu.memref_slice %arg9[%dma_start3A_519] : memref<2048xi32, #tpu.memory_space<vmem>> -> memref<1024xi32, #tpu.memory_space<vmem>>
          %dma_start3A_521 = tpu.memref_slice %arg3[%mul3A_516] : memref<1000000xi32, #tpu.memory_space<hbm>> -> memref<1024xi32, #tpu.memory_space<hbm>>
          %dma_start3A_522 = arith.constant 1024 : i32
          %dma_start3A_523 = tpu.memref_slice %arg9[%dma_start3A_522] : memref<2048xi32, #tpu.memory_space<vmem>> -> memref<1024xi32, #tpu.memory_space<vmem>>
          %dma_start3A_524 = tpu.memref_slice %arg3[%mul3A_516] : memref<1000000xi32, #tpu.memory_space<hbm>> -> memref<1024xi32, #tpu.memory_space<hbm>>
          tpu.enqueue_dma source(%dma_start3A_524 : memref<1024xi32, #tpu.memory_space<hbm>>) target(%dma_start3A_523 : memref<1024xi32, #tpu.memory_space<vmem>>) target_semaphore(%arg19 : memref<!tpu.dma_semaphore, #tpu.memory_space<semaphore_mem>>)
          %dma_start3A_525 = arith.constant 1024 : i32
          %dma_start3A_526 = tpu.memref_slice %arg10[%dma_start3A_525] : memref<2048xf32, #tpu.memory_space<vmem>> -> memref<1024xf32, #tpu.memory_space<vmem>>
          %dma_start3A_527 = tpu.memref_slice %arg4[%mul3A_518] : memref<1000000xf32, #tpu.memory_space<hbm>> -> memref<1024xf32, #tpu.memory_space<hbm>>
          %dma_start3A_528 = arith.constant 1024 : i32
          %dma_start3A_529 = tpu.memref_slice %arg10[%dma_start3A_528] : memref<2048xf32, #tpu.memory_space<vmem>> -> memref<1024xf32, #tpu.memory_space<vmem>>
          %dma_start3A_530 = tpu.memref_slice %arg4[%mul3A_518] : memref<1000000xf32, #tpu.memory_space<hbm>> -> memref<1024xf32, #tpu.memory_space<hbm>>
          tpu.enqueue_dma source(%dma_start3A_530 : memref<1024xf32, #tpu.memory_space<hbm>>) target(%dma_start3A_529 : memref<1024xf32, #tpu.memory_space<vmem>>) target_semaphore(%arg19 : memref<!tpu.dma_semaphore, #tpu.memory_space<semaphore_mem>>)
        } else {
        }
        %eq3A_510 = arith.constant 976 : i32
        %eq3A_511 = arith.cmpi eq, %add3A_461, %eq3A_510 : i32
        %convert_element_type3A_512 = arith.extui %eq3A_511 : i1 to i32
        %cond3A_513 = arith.constant 0 : i32
        %cond3A_514 = arith.cmpi ne, %convert_element_type3A_512, %cond3A_513 : i32
        scf.if %cond3A_514 {
          %dma_start3A_515 = arith.constant 0 : i32
          %dma_start3A_516 = tpu.memref_slice %arg9[%dma_start3A_515] : memref<2048xi32, #tpu.memory_space<vmem>> -> memref<576xi32, #tpu.memory_space<vmem>>
          %dma_start3A_517 = arith.constant 999424 : i32
          %dma_start3A_518 = tpu.memref_slice %arg3[%dma_start3A_517] : memref<1000000xi32, #tpu.memory_space<hbm>> -> memref<576xi32, #tpu.memory_space<hbm>>
          %dma_start3A_519 = arith.constant 0 : i32
          %dma_start3A_520 = tpu.memref_slice %arg9[%dma_start3A_519] : memref<2048xi32, #tpu.memory_space<vmem>> -> memref<576xi32, #tpu.memory_space<vmem>>
          %dma_start3A_521 = arith.constant 999424 : i32
          %dma_start3A_522 = tpu.memref_slice %arg3[%dma_start3A_521] : memref<1000000xi32, #tpu.memory_space<hbm>> -> memref<576xi32, #tpu.memory_space<hbm>>
          tpu.enqueue_dma source(%dma_start3A_522 : memref<576xi32, #tpu.memory_space<hbm>>) target(%dma_start3A_520 : memref<576xi32, #tpu.memory_space<vmem>>) target_semaphore(%arg18 : memref<!tpu.dma_semaphore, #tpu.memory_space<semaphore_mem>>)
          %dma_start3A_523 = arith.constant 0 : i32
          %dma_start3A_524 = tpu.memref_slice %arg10[%dma_start3A_523] : memref<2048xf32, #tpu.memory_space<vmem>> -> memref<576xf32, #tpu.memory_space<vmem>>
          %dma_start3A_525 = arith.constant 999424 : i32
          %dma_start3A_526 = tpu.memref_slice %arg4[%dma_start3A_525] : memref<1000000xf32, #tpu.memory_space<hbm>> -> memref<576xf32, #tpu.memory_space<hbm>>
          %dma_start3A_527 = arith.constant 0 : i32
          %dma_start3A_528 = tpu.memref_slice %arg10[%dma_start3A_527] : memref<2048xf32, #tpu.memory_space<vmem>> -> memref<576xf32, #tpu.memory_space<vmem>>
          %dma_start3A_529 = arith.constant 999424 : i32
          %dma_start3A_530 = tpu.memref_slice %arg4[%dma_start3A_529] : memref<1000000xf32, #tpu.memory_space<hbm>> -> memref<576xf32, #tpu.memory_space<hbm>>
          tpu.enqueue_dma source(%dma_start3A_530 : memref<576xf32, #tpu.memory_space<hbm>>) target(%dma_start3A_528 : memref<576xf32, #tpu.memory_space<vmem>>) target_semaphore(%arg18 : memref<!tpu.dma_semaphore, #tpu.memory_space<semaphore_mem>>)
        } else {
        }
      } else {
      }
      %max3A_338 = arith.maxsi %while3A_309, %select_n3A_334 : i32
      %jit3A_339 = arith.constant 16 : i32
      %div3A_340 = arith.divsi %while3A_308, %jit3A_339 : i32
      %sign3A_341 = arith.constant 0 : i32
      %sign3A_342 = arith.cmpi sgt, %while3A_308, %sign3A_341 : i32
      %sign3A_343 = arith.extui %sign3A_342 : i1 to i32
      %sign3A_344 = arith.constant 0 : i32
      %sign3A_345 = arith.cmpi slt, %while3A_308, %sign3A_344 : i32
      %sign3A_346 = arith.extui %sign3A_345 : i1 to i32
      %sign3A_347 = arith.subi %sign3A_343, %sign3A_346 : i32
      %sign3A_348 = arith.constant 0 : i32
      %sign3A_349 = arith.cmpi sgt, %jit3A_339, %sign3A_348 : i32
      %sign3A_350 = arith.extui %sign3A_349 : i1 to i32
      %sign3A_351 = arith.constant 0 : i32
      %sign3A_352 = arith.cmpi slt, %jit3A_339, %sign3A_351 : i32
      %sign3A_353 = arith.extui %sign3A_352 : i1 to i32
      %sign3A_354 = arith.subi %sign3A_350, %sign3A_353 : i32
      %ne3A_355 = arith.cmpi ne, %sign3A_347, %sign3A_354 : i32
      %rem3A_356 = arith.remsi %while3A_308, %jit3A_339 : i32
      %ne3A_357 = arith.constant 0 : i32
      %ne3A_358 = arith.cmpi ne, %rem3A_356, %ne3A_357 : i32
      %and3A_359 = arith.andi %ne3A_355, %ne3A_358 : i1
      %sub3A_360 = arith.constant 1 : i32
      %sub3A_361 = arith.subi %div3A_340, %sub3A_360 : i32
      %select_n3A_362 = arith.select %and3A_359, %sub3A_361, %div3A_340 : i32
      %mul3A_363 = arith.constant 16 : i32
      %mul3A_364 = arith.muli %select_n3A_362, %mul3A_363 : i32
      %jit3A_365 = arith.constant 2048 : i32
      %eq3A_366 = arith.constant 0 : i32
      %eq3A_367 = arith.cmpi eq, %jit3A_365, %eq3A_366 : i32
      %jit3A_368 = arith.constant 1 : i32
      %select_n3A_369 = arith.select %eq3A_367, %jit3A_368, %jit3A_365 : i32
      %rem3A_370 = arith.remsi %mul3A_364, %select_n3A_369 : i32
      %ne3A_371 = arith.constant 0 : i32
      %ne3A_372 = arith.cmpi ne, %rem3A_370, %ne3A_371 : i32
      %lt3A_373 = arith.constant 0 : i32
      %lt3A_374 = arith.cmpi slt, %rem3A_370, %lt3A_373 : i32
      %lt3A_375 = arith.constant 0 : i32
      %lt3A_376 = arith.cmpi slt, %select_n3A_369, %lt3A_375 : i32
      %ne3A_377 = arith.xori %lt3A_374, %lt3A_376 : i1
      %and3A_378 = arith.andi %ne3A_377, %ne3A_372 : i1
      %add3A_379 = arith.addi %rem3A_370, %select_n3A_369 : i32
      %select_n3A_380 = arith.select %and3A_378, %add3A_379, %rem3A_370 : i32
      %get3A_381 = arith.index_cast %select_n3A_380 : i32 to index
      %get3A_382 = tpu.vector_load %arg9[%get3A_381] {strides = array<i32>} : memref<2048xi32, #tpu.memory_space<vmem>>, vector<16xi32>,
      %get3A_383 = arith.index_cast %select_n3A_380 : i32 to index
      %get3A_384 = tpu.vector_load %arg10[%get3A_383] {strides = array<i32>} : memref<2048xf32, #tpu.memory_space<vmem>>, vector<16xf32>,
      %iota3A = tpu.iota {dimensions = array<i32: 0>} : vector<16xi32>
      %add3A_385 = vector.broadcast %mul3A_364 : i32 to vector<16xi32>
      %add3A_386 = arith.addi %add3A_385, %iota3A : vector<16xi32>
      %ge3A = vector.broadcast %while3A_308 : i32 to vector<16xi32>
      %ge3A_387 = arith.cmpi sge, %add3A_386, %ge3A : vector<16xi32>
      %lt3A_388 = arith.constant 1000000 : i32
      %lt3A_389 = vector.broadcast %lt3A_388 : i32 to vector<16xi32>
      %lt3A_390 = arith.cmpi slt, %add3A_386, %lt3A_389 : vector<16xi32>
      %and3A_391 = arith.andi %ge3A_387, %lt3A_390 : vector<16xi1>
      %lt3A_392 = vector.broadcast %add3A_219 : i32 to vector<16xi32>
      %lt3A_393 = arith.cmpi slt, %get3A_382, %lt3A_392 : vector<16xi32>
      %and3A_394 = arith.andi %and3A_391, %lt3A_393 : vector<16xi1>
      %sub3A_395 = vector.broadcast %mul3A_217 : i32 to vector<16xi32>
      %sub3A_396 = arith.subi %get3A_382, %sub3A_395 : vector<16xi32>
      %jit3A_397 = arith.constant 0 : i32
      %broadcast_in_dim3A = vector.broadcast %jit3A_397 : i32 to vector<16xi32>
      %select_n3A_398 = arith.select %and3A_394, %sub3A_396, %broadcast_in_dim3A : vector<16xi1>, vector<16xi32>
      tpu.vector_store_idx %arg6[%select_n3A_398], %get3A_384 masked %and3A_394 {add = true} : memref<32768xf32, #tpu.memory_space<vmem>>[vector<16xi32>], vector<16xf32>, vector<16xi1>
      %all_reduce_population_count3A_399 = tpu.all_reduce %and3A_394 {dim = 0 : i64, kind = #tpu.reduction_kind<sum>} : vector<16xi1> -> vector<16xi32>
      %slice3A_400 = vector.extract_strided_slice %all_reduce_population_count3A_399 {offsets = [0], sizes = [1], strides = [1]} : vector<16xi32> to vector<1xi32>
      %squeeze3A_401 = vector.extract %slice3A_400[0] : i32 from vector<1xi32>
      %sub3A_402 = arith.subi %while3A_308, %mul3A_364 : i32
      %sub3A_403 = arith.constant 16 : i32
      %sub3A_404 = arith.subi %sub3A_403, %sub3A_402 : i32
      %lt3A_405 = arith.cmpi slt, %squeeze3A_401, %sub3A_404 : i32
      %add3A_406 = arith.addi %while3A_308, %squeeze3A_401 : i32
      scf.yield %add3A_406, %max3A_338, %lt3A_405 : i32, i32, i1
    }
    %mul3A_221 = arith.constant 43 : i32
    %mul3A_222 = arith.muli %add3A, %mul3A_221 : i32
    %add3A_223 = arith.constant 42 : i32
    %add3A_224 = arith.addi %mul3A_222, %add3A_223 : i32
    %mul3A_225 = arith.constant 32768 : i32
    %mul3A_226 = arith.muli %add3A_224, %mul3A_225 : i32
    %dma_start3A_227 = tpu.memref_slice %arg5[%mul3A_226] : memref<45088768xf32, #tpu.memory_space<hbm>> -> memref<32768xf32, #tpu.memory_space<hbm>>
    %dma_start3A_228 = tpu.memref_slice %arg5[%mul3A_226] : memref<45088768xf32, #tpu.memory_space<hbm>> -> memref<32768xf32, #tpu.memory_space<hbm>>
    tpu.enqueue_dma source(%arg6 : memref<32768xf32, #tpu.memory_space<vmem>>) target(%dma_start3A_228 : memref<32768xf32, #tpu.memory_space<hbm>>) target_semaphore(%arg15 : memref<!tpu.dma_semaphore, #tpu.memory_space<semaphore_mem>>)
    %add3A_229 = arith.constant 1 : i32
    %add3A_230 = arith.addi %while3A_220#1, %add3A_229 : i32
    %jit3A_231 = arith.constant 2 : i32
    %eq3A_232 = arith.constant 0 : i32
    %eq3A_233 = arith.cmpi eq, %jit3A_231, %eq3A_232 : i32
    %jit3A_234 = arith.constant 1 : i32
    %select_n3A_235 = arith.select %eq3A_233, %jit3A_234, %jit3A_231 : i32
    %rem3A_236 = arith.remsi %add3A_230, %select_n3A_235 : i32
    %ne3A_237 = arith.constant 0 : i32
    %ne3A_238 = arith.cmpi ne, %rem3A_236, %ne3A_237 : i32
    %lt3A_239 = arith.constant 0 : i32
    %lt3A_240 = arith.cmpi slt, %rem3A_236, %lt3A_239 : i32
    %lt3A_241 = arith.constant 0 : i32
    %lt3A_242 = arith.cmpi slt, %select_n3A_235, %lt3A_241 : i32
    %ne3A_243 = arith.xori %lt3A_240, %lt3A_242 : i1
    %and3A_244 = arith.andi %ne3A_243, %ne3A_238 : i1
    %add3A_245 = arith.addi %rem3A_236, %select_n3A_235 : i32
    %select_n3A_246 = arith.select %and3A_244, %add3A_245, %rem3A_236 : i32
    %eq3A_247 = arith.constant 0 : i32
    %eq3A_248 = arith.cmpi eq, %select_n3A_246, %eq3A_247 : i32
    %lt3A_249 = arith.constant 976 : i32
    %lt3A_250 = arith.cmpi slt, %add3A_230, %lt3A_249 : i32
    %and3A_251 = arith.andi %eq3A_248, %lt3A_250 : i1
    %convert_element_type3A_252 = arith.extui %and3A_251 : i1 to i32
    %cond3A_253 = arith.constant 0 : i32
    %cond3A_254 = arith.cmpi ne, %convert_element_type3A_252, %cond3A_253 : i32
    scf.if %cond3A_254 {
      %mul3A_308 = arith.constant 1024 : i32
      %mul3A_309 = arith.muli %add3A_230, %mul3A_308 : i32
      %mul3A_310 = arith.constant 1024 : i32
      %mul3A_311 = arith.muli %add3A_230, %mul3A_310 : i32
      %dma_wait3A_312 = arith.constant 0 : i32
      %dma_wait3A_313 = tpu.memref_slice %arg9[%dma_wait3A_312] : memref<2048xi32, #tpu.memory_space<vmem>> -> memref<1024xi32, #tpu.memory_space<vmem>>
      %dma_wait3A_314 = tpu.memref_slice %arg3[%mul3A_309] : memref<1000000xi32, #tpu.memory_space<hbm>> -> memref<1024xi32, #tpu.memory_space<hbm>>
      %dma_wait3A_315 = arith.constant 0 : i32
      %dma_wait3A_316 = tpu.memref_slice %arg9[%dma_wait3A_315] : memref<2048xi32, #tpu.memory_space<vmem>> -> memref<1024xi32, #tpu.memory_space<vmem>>
      %dma_wait3A_317 = tpu.memref_slice %arg3[%mul3A_309] : memref<1000000xi32, #tpu.memory_space<hbm>> -> memref<1024xi32, #tpu.memory_space<hbm>>
      tpu.wait_dma2 semaphore(%arg18 : memref<!tpu.dma_semaphore, #tpu.memory_space<semaphore_mem>>) src(%dma_wait3A_317 : memref<1024xi32, #tpu.memory_space<hbm>>) dst(%dma_wait3A_316 : memref<1024xi32, #tpu.memory_space<vmem>>)
      %dma_wait3A_318 = arith.constant 0 : i32
      %dma_wait3A_319 = tpu.memref_slice %arg10[%dma_wait3A_318] : memref<2048xf32, #tpu.memory_space<vmem>> -> memref<1024xf32, #tpu.memory_space<vmem>>
      %dma_wait3A_320 = tpu.memref_slice %arg4[%mul3A_311] : memref<1000000xf32, #tpu.memory_space<hbm>> -> memref<1024xf32, #tpu.memory_space<hbm>>
      %dma_wait3A_321 = arith.constant 0 : i32
      %dma_wait3A_322 = tpu.memref_slice %arg10[%dma_wait3A_321] : memref<2048xf32, #tpu.memory_space<vmem>> -> memref<1024xf32, #tpu.memory_space<vmem>>
      %dma_wait3A_323 = tpu.memref_slice %arg4[%mul3A_311] : memref<1000000xf32, #tpu.memory_space<hbm>> -> memref<1024xf32, #tpu.memory_space<hbm>>
      tpu.wait_dma2 semaphore(%arg18 : memref<!tpu.dma_semaphore, #tpu.memory_space<semaphore_mem>>) src(%dma_wait3A_323 : memref<1024xf32, #tpu.memory_space<hbm>>) dst(%dma_wait3A_322 : memref<1024xf32, #tpu.memory_space<vmem>>)
    } else {
    }
    %jit3A_255 = arith.constant 2 : i32
    %eq3A_256 = arith.constant 0 : i32
    %eq3A_257 = arith.cmpi eq, %jit3A_255, %eq3A_256 : i32
    %jit3A_258 = arith.constant 1 : i32
    %select_n3A_259 = arith.select %eq3A_257, %jit3A_258, %jit3A_255 : i32
    %rem3A_260 = arith.remsi %add3A_230, %select_n3A_259 : i32
    %ne3A_261 = arith.constant 0 : i32
    %ne3A_262 = arith.cmpi ne, %rem3A_260, %ne3A_261 : i32
    %lt3A_263 = arith.constant 0 : i32
    %lt3A_264 = arith.cmpi slt, %rem3A_260, %lt3A_263 : i32
    %lt3A_265 = arith.constant 0 : i32
    %lt3A_266 = arith.cmpi slt, %select_n3A_259, %lt3A_265 : i32
    %ne3A_267 = arith.xori %lt3A_264, %lt3A_266 : i1
    %and3A_268 = arith.andi %ne3A_267, %ne3A_262 : i1
    %add3A_269 = arith.addi %rem3A_260, %select_n3A_259 : i32
    %select_n3A_270 = arith.select %and3A_268, %add3A_269, %rem3A_260 : i32
    %eq3A_271 = arith.constant 1 : i32
    %eq3A_272 = arith.cmpi eq, %select_n3A_270, %eq3A_271 : i32
    %lt3A_273 = arith.constant 976 : i32
    %lt3A_274 = arith.cmpi slt, %add3A_230, %lt3A_273 : i32
    %and3A_275 = arith.andi %eq3A_272, %lt3A_274 : i1
    %convert_element_type3A_276 = arith.extui %and3A_275 : i1 to i32
    %cond3A_277 = arith.constant 0 : i32
    %cond3A_278 = arith.cmpi ne, %convert_element_type3A_276, %cond3A_277 : i32
    scf.if %cond3A_278 {
      %mul3A_308 = arith.constant 1024 : i32
      %mul3A_309 = arith.muli %add3A_230, %mul3A_308 : i32
      %mul3A_310 = arith.constant 1024 : i32
      %mul3A_311 = arith.muli %add3A_230, %mul3A_310 : i32
      %dma_wait3A_312 = arith.constant 1024 : i32
      %dma_wait3A_313 = tpu.memref_slice %arg9[%dma_wait3A_312] : memref<2048xi32, #tpu.memory_space<vmem>> -> memref<1024xi32, #tpu.memory_space<vmem>>
      %dma_wait3A_314 = tpu.memref_slice %arg3[%mul3A_309] : memref<1000000xi32, #tpu.memory_space<hbm>> -> memref<1024xi32, #tpu.memory_space<hbm>>
      %dma_wait3A_315 = arith.constant 1024 : i32
      %dma_wait3A_316 = tpu.memref_slice %arg9[%dma_wait3A_315] : memref<2048xi32, #tpu.memory_space<vmem>> -> memref<1024xi32, #tpu.memory_space<vmem>>
      %dma_wait3A_317 = tpu.memref_slice %arg3[%mul3A_309] : memref<1000000xi32, #tpu.memory_space<hbm>> -> memref<1024xi32, #tpu.memory_space<hbm>>
      tpu.wait_dma2 semaphore(%arg19 : memref<!tpu.dma_semaphore, #tpu.memory_space<semaphore_mem>>) src(%dma_wait3A_317 : memref<1024xi32, #tpu.memory_space<hbm>>) dst(%dma_wait3A_316 : memref<1024xi32, #tpu.memory_space<vmem>>)
      %dma_wait3A_318 = arith.constant 1024 : i32
      %dma_wait3A_319 = tpu.memref_slice %arg10[%dma_wait3A_318] : memref<2048xf32, #tpu.memory_space<vmem>> -> memref<1024xf32, #tpu.memory_space<vmem>>
      %dma_wait3A_320 = tpu.memref_slice %arg4[%mul3A_311] : memref<1000000xf32, #tpu.memory_space<hbm>> -> memref<1024xf32, #tpu.memory_space<hbm>>
      %dma_wait3A_321 = arith.constant 1024 : i32
      %dma_wait3A_322 = tpu.memref_slice %arg10[%dma_wait3A_321] : memref<2048xf32, #tpu.memory_space<vmem>> -> memref<1024xf32, #tpu.memory_space<vmem>>
      %dma_wait3A_323 = tpu.memref_slice %arg4[%mul3A_311] : memref<1000000xf32, #tpu.memory_space<hbm>> -> memref<1024xf32, #tpu.memory_space<hbm>>
      tpu.wait_dma2 semaphore(%arg19 : memref<!tpu.dma_semaphore, #tpu.memory_space<semaphore_mem>>) src(%dma_wait3A_323 : memref<1024xf32, #tpu.memory_space<hbm>>) dst(%dma_wait3A_322 : memref<1024xf32, #tpu.memory_space<vmem>>)
    } else {
    }
    %eq3A_279 = arith.constant 976 : i32
    %eq3A_280 = arith.cmpi eq, %add3A_230, %eq3A_279 : i32
    %convert_element_type3A_281 = arith.extui %eq3A_280 : i1 to i32
    %cond3A_282 = arith.constant 0 : i32
    %cond3A_283 = arith.cmpi ne, %convert_element_type3A_281, %cond3A_282 : i32
    scf.if %cond3A_283 {
      %dma_wait3A_308 = arith.constant 0 : i32
      %dma_wait3A_309 = tpu.memref_slice %arg9[%dma_wait3A_308] : memref<2048xi32, #tpu.memory_space<vmem>> -> memref<576xi32, #tpu.memory_space<vmem>>
      %dma_wait3A_310 = arith.constant 999424 : i32
      %dma_wait3A_311 = tpu.memref_slice %arg3[%dma_wait3A_310] : memref<1000000xi32, #tpu.memory_space<hbm>> -> memref<576xi32, #tpu.memory_space<hbm>>
      %dma_wait3A_312 = arith.constant 0 : i32
      %dma_wait3A_313 = tpu.memref_slice %arg9[%dma_wait3A_312] : memref<2048xi32, #tpu.memory_space<vmem>> -> memref<576xi32, #tpu.memory_space<vmem>>
      %dma_wait3A_314 = arith.constant 999424 : i32
      %dma_wait3A_315 = tpu.memref_slice %arg3[%dma_wait3A_314] : memref<1000000xi32, #tpu.memory_space<hbm>> -> memref<576xi32, #tpu.memory_space<hbm>>
      tpu.wait_dma2 semaphore(%arg18 : memref<!tpu.dma_semaphore, #tpu.memory_space<semaphore_mem>>) src(%dma_wait3A_315 : memref<576xi32, #tpu.memory_space<hbm>>) dst(%dma_wait3A_313 : memref<576xi32, #tpu.memory_space<vmem>>)
      %dma_wait3A_316 = arith.constant 0 : i32
      %dma_wait3A_317 = tpu.memref_slice %arg10[%dma_wait3A_316] : memref<2048xf32, #tpu.memory_space<vmem>> -> memref<576xf32, #tpu.memory_space<vmem>>
      %dma_wait3A_318 = arith.constant 999424 : i32
      %dma_wait3A_319 = tpu.memref_slice %arg4[%dma_wait3A_318] : memref<1000000xf32, #tpu.memory_space<hbm>> -> memref<576xf32, #tpu.memory_space<hbm>>
      %dma_wait3A_320 = arith.constant 0 : i32
      %dma_wait3A_321 = tpu.memref_slice %arg10[%dma_wait3A_320] : memref<2048xf32, #tpu.memory_space<vmem>> -> memref<576xf32, #tpu.memory_space<vmem>>
      %dma_wait3A_322 = arith.constant 999424 : i32
      %dma_wait3A_323 = tpu.memref_slice %arg4[%dma_wait3A_322] : memref<1000000xf32, #tpu.memory_space<hbm>> -> memref<576xf32, #tpu.memory_space<hbm>>
      tpu.wait_dma2 semaphore(%arg18 : memref<!tpu.dma_semaphore, #tpu.memory_space<semaphore_mem>>) src(%dma_wait3A_323 : memref<576xf32, #tpu.memory_space<hbm>>) dst(%dma_wait3A_321 : memref<576xf32, #tpu.memory_space<vmem>>)
    } else {
    }
    %mul3A_284 = arith.constant 43 : i32
    %mul3A_285 = arith.muli %add3A, %mul3A_284 : i32
    %add3A_286 = arith.constant 40 : i32
    %add3A_287 = arith.addi %mul3A_285, %add3A_286 : i32
    %mul3A_288 = arith.constant 32768 : i32
    %mul3A_289 = arith.muli %add3A_287, %mul3A_288 : i32
    %dma_wait3A_290 = tpu.memref_slice %arg5[%mul3A_289] : memref<45088768xf32, #tpu.memory_space<hbm>> -> memref<32768xf32, #tpu.memory_space<hbm>>
    %dma_wait3A_291 = tpu.memref_slice %arg5[%mul3A_289] : memref<45088768xf32, #tpu.memory_space<hbm>> -> memref<32768xf32, #tpu.memory_space<hbm>>
    tpu.wait_dma2 semaphore(%arg16 : memref<!tpu.dma_semaphore, #tpu.memory_space<semaphore_mem>>) src(%arg7 : memref<32768xf32, #tpu.memory_space<vmem>>) dst(%dma_wait3A_291 : memref<32768xf32, #tpu.memory_space<hbm>>)
    %mul3A_292 = arith.constant 43 : i32
    %mul3A_293 = arith.muli %add3A, %mul3A_292 : i32
    %add3A_294 = arith.constant 41 : i32
    %add3A_295 = arith.addi %mul3A_293, %add3A_294 : i32
    %mul3A_296 = arith.constant 32768 : i32
    %mul3A_297 = arith.muli %add3A_295, %mul3A_296 : i32
    %dma_wait3A_298 = tpu.memref_slice %arg5[%mul3A_297] : memref<45088768xf32, #tpu.memory_space<hbm>> -> memref<32768xf32, #tpu.memory_space<hbm>>
    %dma_wait3A_299 = tpu.memref_slice %arg5[%mul3A_297] : memref<45088768xf32, #tpu.memory_space<hbm>> -> memref<32768xf32, #tpu.memory_space<hbm>>
    tpu.wait_dma2 semaphore(%arg17 : memref<!tpu.dma_semaphore, #tpu.memory_space<semaphore_mem>>) src(%arg8 : memref<32768xf32, #tpu.memory_space<vmem>>) dst(%dma_wait3A_299 : memref<32768xf32, #tpu.memory_space<hbm>>)
    %mul3A_300 = arith.constant 43 : i32
    %mul3A_301 = arith.muli %add3A, %mul3A_300 : i32
    %add3A_302 = arith.constant 42 : i32
    %add3A_303 = arith.addi %mul3A_301, %add3A_302 : i32
    %mul3A_304 = arith.constant 32768 : i32
    %mul3A_305 = arith.muli %add3A_303, %mul3A_304 : i32
    %dma_wait3A_306 = tpu.memref_slice %arg5[%mul3A_305] : memref<45088768xf32, #tpu.memory_space<hbm>> -> memref<32768xf32, #tpu.memory_space<hbm>>
    %dma_wait3A_307 = tpu.memref_slice %arg5[%mul3A_305] : memref<45088768xf32, #tpu.memory_space<hbm>> -> memref<32768xf32, #tpu.memory_space<hbm>>
    tpu.wait_dma2 semaphore(%arg15 : memref<!tpu.dma_semaphore, #tpu.memory_space<semaphore_mem>>) src(%arg6 : memref<32768xf32, #tpu.memory_space<vmem>>) dst(%dma_wait3A_307 : memref<32768xf32, #tpu.memory_space<hbm>>)
    return
  }
}

</mosaic_0001>

<sc_bundles>
// kernel: kernel.3.cloned.1.call-start
scs
__scs_entry_jumppad:
0x0: {  	(pc) =	sbr.rel $0x88, $3  }
0x1: {  	(tag) =	ssettag $0x0;
	lr =	simm.s32 $0x1  }
0x2: {  	[smem:$0x3F9E] =	sst lr;
	_ =	strace $0xD0000000  }
0x3: {  	_ = 	snop  }
0x4: {  	_ = 	snop  }
0x5: {  	_ = 	snop  }
0x6: {  	_ = 	snop  }
0x7: {  	_ = 	snop  }
__scs_overlays_trampoline_lowered:
0x8: {  	[smem:$0x3FAD] =	sst s0  }
0x9: {  	[smem:$0x3FAE] =	sst s1  }
0xa: {  	[smem:$0x3FAF] =	sst s2  }
0xb: {  	[smem:$0x3FB0] =	sst s3  }
0xc: {  	[smem:$0x3FB1] =	sst s4  }
0xd: {  	[smem:$0x3FB2] =	sst s5  }
0xe: {  	[smem:$0x3FB3] =	sst s6  }
0xf: {  	[smem:$0x3FB4] =	sst s7  }
0x10: {  	[smem:$0x3FB5] =	sst s8  }
0x11: {  	[smem:$0x3FB6] =	sst s9;
	s0 =	simm.s32 @!p0 $0x0  }
0x12: {  	s1 =	sld [smem:$0x3F9C];
	s0 =	simm.s32 @p0 $0x1  }
0x13: {  	[smem:$0x3FB7] =	sst s0;
	s0 =	simm.s32 @!p1 $0x0  }
0x14: {  	s2 =	sld [smem:$0x3F9B];
	s0 =	simm.s32 @p1 $0x1  }
0x15: {  	[smem:$0x3FB8] =	sst s0;
	s0 =	simm.s32 @!p2 $0x0  }
0x16: {  	s3 =	sld [smem:$0x3FDB];
	s0 =	simm.s32 @p2 $0x1  }
0x17: {  	s4 =	simm.s32 $0x1BF5;
	[smem:$0x3FBA] =	sst s0  }
0x18: {  	s0 =	sld [smem:$0x3F9D];
	_ =	swait.ge [sflag:s4], $0x0  }
0x19: {  	s7 =	sld [smem:$0x3F9E]  }
0x1a: {  	s8 =	sadd.s32 $0xFFFFE003, lr  }
0x1b: {  	s9 =	sadd.s32 $0xFFFFFEF7, lr;
	s5 =	simm.s32 $0xFFFFFFFF;
	p2 =	slt.u32 s8, $0xFFFFF086  }
0x1c: {  	p1 =	slt.u32 s9, $0xF7A;
	s5 =	simm.s32 @!p2 $0x0  }
0x1d: {  	s5 =	simm.s32 @p1 $0x1;
	p0 =	seq.s32 s7, s2  }
0x1e: {  	s7 =	smul.u32 @!p0 $0xF7A, s2;
	p2 =	seq.s32 @!p0 s5, $0x0  }
0x1f: {  	s9 =	smul.u32 $0xF7A, s1;
	s8 =	simm.s32 @!p0 $0x1BF5;
	p2 =	por !p2, p0  }
0x20: {  	[sflag:s8] =	ssyncset.s32 @!p0 $0xFFFFF086;
	s6 =	sadd.s32 @!p0 s3, s7;
	s7 =	simm.s32 @!p0 $0x108  }
0x21: {  	s3 =	sadd.s32 s3, s9;
	s6 =	sadd.s32 @!p0 $0x88, s6;
	s7 =	simm.s32 @p2 $0x1082  }
0x22: {  	[simem:s7], [sflag:s8] =	dma.local @!p0 [hbm:s6], $0xF7A  }
0x23: {  	s9 =	sor.u32 $0xD0000000, s2;
	s6 =	simm.s32 $0x108;
	_ =	swait.ge @!p0 [sflag:s8], $0x0  }
0x24: {  	s3 =	sadd.s32 $0x88, s3;
	s6 =	simm.s32 @!p1 $0x1082;
	[sflag:s4] =	ssyncset.s32 $0xFFFFF086  }
0x25: {  	[simem:s6], [sflag:s4] =	dma.local [hbm:s3], $0xF7A  }
0x26: {  	[smem:$0x3F9E] =	sst s1;
	(tag) =	ssettag s2;
	_ =	strace s9  }
0x27: {  	s1 =	sld [smem:$0x3FAE]  }
0x28: {  	s2 =	sld [smem:$0x3FAF]  }
0x29: {  	s4 =	sld [smem:$0x3FB1]  }
0x2a: {  	p0 =	seq.s32 s5, $0x0;
	s5 =	sld [smem:$0x3FB2]  }
0x2b: {  	s6 =	sld [smem:$0x3FB3]  }
0x2c: {  	s7 =	sld [smem:$0x3FB4]  }
0x2d: {  	s3 =	simm.s32 $0x108;
	s8 =	sld [smem:$0x3FB5]  }
0x2e: {  	s3 =	simm.s32 @!p0 $0x1082;
	s9 =	sld [smem:$0x3FB6]  }
0x2f: {  	lr =	sadd.s32 s0, s3;
	s0 =	sld [smem:$0x3FAD]  }
0x30: {  	s3 =	sld [smem:$0x3FB0]  }
0x31: {  	[smem:$0x3FB9] =	sst s10  }
0x32: {  	s10 =	sld [smem:$0x3FB7];
	_ =	sdelay $0x3  }
0x33: {  	p0 =	seq.s32 s10, $0x1;
	s10 =	sld [smem:$0x3FB9];
	_ =	sdelay $0x3  }
0x34: {  	[smem:$0x3FB9] =	sst s10  }
0x35: {  	s10 =	sld [smem:$0x3FB8];
	_ =	sdelay $0x3  }
0x36: {  	p1 =	seq.s32 s10, $0x1;
	s10 =	sld [smem:$0x3FB9];
	_ =	sdelay $0x3  }
0x37: {  	[smem:$0x3FB9] =	sst s10  }
0x38: {  	s10 =	sld [smem:$0x3FBA]  }
0x39: {  	_ = 	snop;
	(pc) =	sbr.ind lr, $3  }
0x3a: {  	_ = 	snop  }
0x3b: {  	_ = 	snop  }
0x3c: {  	p2 =	seq.s32 s10, $0x1;
	s10 =	sld [smem:$0x3FB9]  }
0x3d: {  	_ =	shalt  }
0x3e: {  	_ =	shalt  }
0x3f: {  	_ =	shalt  }
0x40: {  	_ =	shalt  }
0x41: {  	_ =	shalt  }
0x42: {  	_ =	shalt  }
0x43: {  	_ =	shalt  }
0x44: {  	_ =	shalt  }
0x45: {  	_ =	shalt  }
0x46: {  	_ =	shalt  }
0x47: {  	_ =	shalt  }
0x48: {  	_ =	shalt  }
0x49: {  	_ =	shalt  }
0x4a: {  	_ =	shalt  }
0x4b: {  	_ =	shalt  }
0x4c: {  	_ =	shalt  }
0x4d: {  	_ =	shalt  }
0x4e: {  	_ =	shalt  }
0x4f: {  	_ =	shalt  }
0x50: {  	_ =	shalt  }
0x51: {  	_ =	shalt  }
0x52: {  	_ =	shalt  }
0x53: {  	_ =	shalt  }
0x54: {  	_ =	shalt  }
0x55: {  	_ =	shalt  }
0x56: {  	_ =	shalt  }
0x57: {  	_ =	shalt  }
0x58: {  	_ =	shalt  }
0x59: {  	_ =	shalt  }
0x5a: {  	_ =	shalt  }
0x5b: {  	_ =	shalt  }
0x5c: {  	_ =	shalt  }
0x5d: {  	_ =	shalt  }
0x5e: {  	_ =	shalt  }
0x5f: {  	_ =	shalt  }
0x60: {  	_ =	shalt  }
0x61: {  	_ =	shalt  }
0x62: {  	_ =	shalt  }
0x63: {  	_ =	shalt  }
0x64: {  	_ =	shalt  }
0x65: {  	_ =	shalt  }
0x66: {  	_ =	shalt  }
0x67: {  	_ =	shalt  }
0x68: {  	_ =	shalt  }
0x69: {  	_ =	shalt  }
0x6a: {  	_ =	shalt  }
0x6b: {  	_ =	shalt  }
0x6c: {  	_ =	shalt  }
0x6d: {  	_ =	shalt  }
0x6e: {  	_ =	shalt  }
0x6f: {  	_ =	shalt  }
0x70: {  	_ =	shalt  }
0x71: {  	_ =	shalt  }
0x72: {  	_ =	shalt  }
0x73: {  	_ =	shalt  }
0x74: {  	_ =	shalt  }
0x75: {  	_ =	shalt  }
0x76: {  	_ =	shalt  }
0x77: {  	_ =	shalt  }
0x78: {  	_ =	shalt  }
0x79: {  	_ =	shalt  }
0x7a: {  	_ =	shalt  }
0x7b: {  	_ =	shalt  }
0x7c: {  	_ =	shalt  }
0x7d: {  	_ =	shalt  }
0x7e: {  	_ =	shalt  }
0x7f: {  	_ =	shalt  }
0x80: {  	_ =	shalt  }
0x81: {  	_ =	shalt  }
0x82: {  	_ =	shalt  }
0x83: {  	_ =	shalt  }
0x84: {  	_ =	shalt  }
0x85: {  	_ =	shalt  }
0x86: {  	_ =	shalt  }
0x87: {  	_ =	shalt  }
.Lfunc_end0:
.L_simem_size_0:
called_computation_lowered:
.L_overlay_start_0:
0x88: {  	s2 =	sld [smem:$0x3FD9]  }
0x89: {  	s3 =	sld [smem:$0x3FFE];
	_ =	sdelay $0x1  }
0x8a: {  	s1 =	srdreg.scid  }
0x8b: {  	s0 =	sand.u32 $0x1, s1  }
0x8c: {  	s17 =	sshll.u32 s0, $0xA;
	s2 =	sadd.s32 s3, s2  }
0x8d: {  	s2 =	sadd.s32 s2, s17  }
0x8e: {  	[smem:$0x3FC5] =	sst s2  }
0x8f: {  	_ = 	snop  }
0x90: {  	s2 =	sld [smem:$0x3FC8]  }
0x91: {  	s18 =	sld [smem:$0x3FC7]  }
0x92: {  	s4 =	sld [smem:$0x3FD0];
	(tm) =	ssettm $0x1  }
0x93: {  	s5 =	sld [smem:$0x3FFB];
	_ =	sdelay $0x3  }
0x94: {  	_ =	strace s5  }
0x95: {  	s5 =	sld [smem:$0x3FFC];
	_ =	sdelay $0x3  }
0x96: {  	_ =	strace s5  }
0x97: {  	s5 =	sld [smem:$0x3FFD];
	_ =	sdelay $0x3  }
0x98: {  	_ =	strace s5  }
0x99: {  	_ =	strace $0x8FFFFFFF  }
0x9a: {  	s19 =	sld [smem:$0x3FDB];
	_ =	sdelay $0x1  }
0x9b: {  	s6 =	simm.s32 $_scs_section_size  }
0x9c: {  	s7 =	simm.s32 $_size__tile_overlayer_lowered;
	s8 =	simm.s32 $_tile_overlayer_lowered  }
0x9d: {  	s22 =	simm.s32 $0x1BFF;
	s21 =	sshll.u32 s8, $0x1;
	s5 =	sadd.s32 s6, s19  }
0x9e: {  	s9 =	simm.s32 $0x0;
	s20 =	sshll.u32 s7, $0x1;
	s7 =	sadd.s32 s21, s5  }
0x9f: {  	[timem:s9], [sflag:s22] =	dma.local [hbm:s7], s20  }
0xa0: {  	_ =	swait.ge [sflag:s22], s20  }
0xa1: {  	s6 =	ssub.s32 $0x0, s20;
	[sflag:s22] =	ssyncset.done $0x0  }
0xa2: {  	[sflag:s22] =	ssyncadd.s32 s6;
	_ =	sdelay $0x1  }
0xa3: {  	s23 =	simm.s32 $0x1B8B  }
0xa4: {  	_ =	swait.ge [sflag:s23], $0x1  }
0xa5: {  	[sflag:s23] =	ssyncset.done $0x0  }
0xa6: {  	s25 =	simm.s32 $0x1B8E;
	s24 =	sld [smem:$0x3FFE];
	[sflag:s23] =	ssyncadd.s32 $0xFFFFFFFF  }
0xa7: {  	s26 =	simm.s32 $execute0_lowered;
	[smem:$0x3FD2] =	sst s25  }
0xa8: {  	s7 =	sshll.u32 s26, $0x1;
	_ =	strace $0x80000046;
	[dreg:$0x1] =	wrdreg $0xFFFFFFFF  }
0xa9: {  	s28 =	simm.s32 $_size_execute0_lowered;
	s5 =	sadd.s32 s5, s7;
	[dreg:$0x0] =	wrdreg $0x0  }
0xaa: {  	s7 =	sshll.u32 s28, $0x1;
	[dreg:$0x2] =	wrdreg s5  }
0xab: {  	[dreg:$0x3] =	wrdreg s7  }
0xac: {  	[dreg:$0x4] =	wrdreg $0xC0  }
0xad: {  	_ =	task [dreg:s9], $0x5FFFF  }
0xae: {  	[dreg:$0x1] =	wrdreg $0xFFFFFFFF  }
0xaf: {  	[dreg:$0x0] =	wrdreg $0x60  }
0xb0: {  	[dreg:$0x2] =	wrdreg s4  }
0xb1: {  	[dreg:$0x3] =	wrdreg s18  }
0xb2: {  	[dreg:$0x4] =	wrdreg s2  }
0xb3: {  	[dreg:$0x5] =	wrdreg s24  }
0xb4: {  	[dreg:$0x6] =	wrdreg $0x9  }
0xb5: {  	_ =	task.clear_ibuf [dreg:s9], $0x7FFFF;
	_ =	strace $0x90000046  }
0xb6: {  	s29 =	simm.s32 $0x9;
	_ =	strace $0x80000048  }
0xb7: {  	_ =	swait.ge [sflag:s29], $0x1  }
0xb8: {  	[sflag:s29] =	ssyncadd.s32 $0xFFFFFFFF  }
0xb9: {  	_ =	strace $0x90000048  }
0xba: {  	_ =	sfence  }
0xbb: {  	s30 =	sld [smem:$0x0];
	_ =	sdelay $0x2  }
0xbc: {  	s31 =	sshll.u32 s1, $0xD;
	s1 =	sshrl.u32 s1, $0x2  }
0xbd: {  	s3 =	sand.u32 $0x4000, s31;
	s1 =	sadd.s32 s1, s30  }
0xbe: {  	s0 =	sor.u32 s3, s0;
	s1 =	sshll.u32 s1, $0x11  }
0xbf: {  	s0 =	sor.u32 s1, s0  }
0xc0: {  	s0 =	sadd.s32 $0x8F2B, s0  }
0xc1: {  	[sflag:s0] =	ssyncadd.remote.s32 $0x1  }
0xc2: {  	_ =	sfence.sel $0xFFFF  }
0xc3: {  	[dreg:$0x0] =	wrdreg $0xFFFFFFFF;
	(pc) =	sbr.abs _section_cstart, $3  }
0xc4: {  	[dreg:$0x1] =	wrdreg $0xFFFFFFFF  }
0xc5: {  	_ =	task.clear_ibuf [dreg:s9], $0x2FFFF;
	_ =	strace $0x9FFFFFFF  }
0xc6: {  	(tm) =	ssettm $0x7FFFFFFF  }
0xc7: {  	_ =	shalt  }
tec
execute0_lowered:
.L_overlay_start_1:
0x0: {  	(tag) =	ssettag $0x1  }
0x1: {  	s1 =	rddreg [dreg:$0x0]  }
0x2: {  	s3 =	rddreg [dreg:$0x1]  }
0x3: {  	s4 =	rddreg [dreg:$0x2]  }
0x4: {  	s0 =	rddreg [dreg:$0x3]  }
0x5: {  	s2 =	srdreg.scid;
	s5 =	stileid.u32;
	s17 =	simm.s32 $0x1  }
0x6: {  	s18 =	simm.s32 $0x19000;
	s28 =	simm.s32 $0x10000;
	s29 =	simm.s32 $0x2  }
0x7: {  	s30 =	simm.s32 $0x4;
	s31 =	simm.s32 $0x3;
	s2 =	sand.u32 $0x1, s2  }
0x8: {  	s6 =	sshll.u32 s5, $0x1;
	s5 =	simm.s32 $0x0;
	s7 =	sadd.s32 $0x400, s0  }
0x9: {  	s10 =	sadd.s32 $0x1E800, s4;
	s8 =	ssub.s32 $0x2, s2;
	s2 =	sor.u32 s2, s6  }
0xa: {  	[smem:$0x7FF] =	sst s5;
	s9 =	sshrl.u32 s8, $0x1;
	s6 =	smul.u32 $0x158000, s2  }
0xb: {  	_ =	strace $0x80000047;
	s20 =	smul.u32 $0x2B, s2;
	s19 =	ssub.s32 s8, s9  }
0xc: {  	s8 =	sadd.s32 $0x1E800, s3;
	s11 =	sshrl.u32 s6, $0x3;
	s21 =	sadd.s32 $0x150000, s6  }
0xd: {  	s22 =	sadd.s32 $0x1, s20;
	s23 =	sadd.s32 $0x2, s20;
	[dreg:$0x5] =	wrdreg s20  }
0xe: {  	s25 =	sadd.s32 $0x3, s20;
	s15 =	sadd.s32 $0x158000, s6;
	[dreg:$0x7] =	wrdreg s22  }
.Ltmp0:
0xf: {  	s0 =	smax.u32 s19, $0x1;
	[dreg:$0x8] =	wrdreg s23;
	(pc) =	sbr.rel .LBB2_1-.Ltmp0, $4  }
0x10: {  	s19 =	simm.s32 $0x9;
	s1 =	sadd.s32 s1, s11;
	[dreg:$0x9] =	wrdreg s25  }
0x11: {  	s24 =	sshrl.u32 s21, $0x3;
	[dreg:$0xb] =	wrdreg s0;
	s25 =	simm.s32 $0x8  }
0x12: {  	v3 =	vlaneseq.u32;
	[dreg:$0x6] =	wrdreg s1;
	s26 =	sadd.s32 s7, s24;
	s24 =	simm.s32 $0x8000  }
0x13: {  	v2 =	vmov s6;
	v0 =	vmov s15;
	v1 =	vmov s21;
	s1 =	simm.s32 $0x0;
	[dreg:$0xa] =	wrdreg s26;
	s26 =	simm.s32 $0x7  }
.LBB2_44:
0x14: {  	p0 =	sne.s32 s0, $0x3D0  }
0x15: {  	s0 =	simm.s32 @!p0 $0x7  }
0x16: {  	_ =	swait.ge @!p0 [sflag:s0], $0x240  }
0x17: {  	[sflag:s0] =	ssyncset.done @!p0 $0x0  }
0x18: {  	[sflag:s0] =	ssyncadd.s32 @!p0 $0xFFFFFDC0  }
0x19: {  	_ =	swait.ge @!p0 [sflag:s0], $0x240  }
0x1a: {  	[sflag:s0] =	ssyncset.done @!p0 $0x0  }
0x1b: {  	s1 =	rddreg [dreg:$0xc];
	[sflag:s0] =	ssyncadd.s32 @!p0 $0xFFFFFDC0  }
.LBB2_45:
0x1c: {  	s0 =	simm.s32 $0x5  }
0x1d: {  	_ =	swait.ge [sflag:s0], $0x8000  }
0x1e: {  	[sflag:s0] =	ssyncset.done $0x0  }
0x1f: {  	s22 =	simm.s32 $0x6;
	[sflag:s0] =	ssyncadd.s32 $0xFFFF8000  }
0x20: {  	_ =	swait.ge [sflag:s22], $0x8000  }
0x21: {  	[sflag:s22] =	ssyncset.done $0x0  }
0x22: {  	[sflag:s22] =	ssyncadd.s32 $0xFFFF8000  }
0x23: {  	_ =	swait.ge [sflag:s30], $0x8000  }
0x24: {  	s1 =	sadd.s32 $0x1, s1;
	s23 =	rddreg [dreg:$0xb]  }
0x25: {  	p0 =	sne.s32 s1, s23  }
.Ltmp1:
0x26: {  	_ = 	snop;
	(pc) =	sbr.rel @!p0 .LBB2_46-.Ltmp1, $3  }
0x27: {  	_ =	sdelay $0x1  }
0x28: {  	[sflag:s30] =	ssyncset.done $0x0  }
0x29: {  	[sflag:s30] =	ssyncadd.s32 $0xFFFF8000  }
.LBB2_1:
0x2a: {  	s0 =	simm.s32 $0x1E847  }
0x2b: {  	s0 =	sand.u32 $0x1, s0  }
0x2c: {  	p0 =	por $0x0, $0x0;
	p1 =	seq.s32 s0, $0x1  }
0x2d: {  	p0 =	por !p0, !p1  }
0x2e: {  	s0 =	simm.s32 $0x1;
	p0 =	por !p0, !p0  }
0x2f: {  	s0 =	simm.s32 @!p0 $0x0  }
0x30: {  	s15 =	ssub.s32 $0xF423, s0  }
0x31: {  	s0 =	sand.u32 $0x1FFFFFFF, s15  }
0x32: {  	s0 =	sadd.s32 s3, s0  }
0x33: {  	[tilespmem:s18], [sflag:$0x9] =	stream.linear.gather [hbm4b:s0+s5], $0x10, $0x38;
	[tilespmem:$0x19080] =	vst v63  }
0x34: {  	_ =	swait.ge [sflag:s19], $0x10  }
0x35: {  	[sflag:s19] =	ssyncset.done $0x0  }
0x36: {  	[sflag:s19] =	ssyncadd.s32 $0xFFFFFFF0  }
0x37: {  	v4 =	vld [tilespmem:$0x19000];
	_ =	sdelay $0x4  }
0x38: {  	(v2sf) =	vpush v4, $0x0;
	_ =	sdelay $0xe  }
0x39: {  	s2 =	simm.s32 $0x1E847;
	s11 =	spop (v2sf)  }
0x3a: {  	s0 =	simm.s32 $0x10;
	p1 =	slt.s32 s11, s6;
	s11 =	simm.s32 $0x0  }
.LBB2_2:
0x3b: {  	s16 =	smov.u32 s2;
	s2 =	smov.u32 s15  }
0x3c: {  	p0 =	sne.s32 s0, $0x1;
	s11 =	smov.u32 @p1 s15;
	s2 =	smov.u32 @p1 s16  }
0x3d: {  	s0 =	sadd.s32 $0xFFFFFFFF, s0;
	s15 =	sadd.s32 s11, s2  }
0x3e: {  	s16 =	sshrl.u32 s15, $0x1F;
	s20 =	sand.u32 $0x1, s15  }
0x3f: {  	p1 =	slt.s32 s15, $0x1;
	s16 =	sadd.s32 s16, s15;
	p2 =	seq.s32 s20, $0x1  }
0x40: {  	p1 =	por !p1, !p2  }
0x41: {  	s15 =	sshra.s32 s16, $0x1;
	s16 =	simm.s32 $0x1;
	p1 =	por !p1, !p1  }
0x42: {  	s16 =	simm.s32 @!p1 $0x0  }
0x43: {  	s15 =	ssub.s32 s15, s16  }
0x44: {  	s16 =	sand.u32 $0x1FFFFFFF, s15  }
0x45: {  	s16 =	sadd.s32 s3, s16  }
0x46: {  	[tilespmem:s18], [sflag:$0x9] =	stream.linear.gather [hbm4b:s16+s5], $0x10, $0x38;
	[tilespmem:$0x19080] =	vst v63  }
0x47: {  	_ =	swait.ge [sflag:s19], $0x10  }
0x48: {  	[sflag:s19] =	ssyncset.done $0x0  }
0x49: {  	[sflag:s19] =	ssyncadd.s32 $0xFFFFFFF0  }
0x4a: {  	v4 =	vld [tilespmem:$0x19000];
	_ =	sdelay $0x4  }
0x4b: {  	(v2sf) =	vpush v4, $0x0;
	_ =	sdelay $0xb  }
.Ltmp2:
0x4c: {  	(pc) =	sbr.rel @p0 .LBB2_2-.Ltmp2, $3  }
0x4d: {  	_ =	sdelay $0x1  }
0x4e: {  	s16 =	spop (v2sf)  }
0x4f: {  	p1 =	slt.s32 s16, s6  }
0x50: {  	s15 =	smov.u32 @p1 s2  }
0x51: {  	s0 =	sadd.s32 $0xFFFFFFFF, s15  }
0x52: {  	p0 =	sgt.s32 s0, $0x0  }
0x53: {  	s0 =	simm.s32 @!p0 $0x0  }
0x54: {  	s21 =	sand.u32 $0x1FFFFFFF, s0  }
0x55: {  	s2 =	sadd.s32 s3, s21  }
0x56: {  	[tilespmem:s18], [sflag:$0x9] =	stream.linear.gather [hbm4b:s2+s5], $0x10, $0x38;
	[tilespmem:$0x19080] =	vst v63  }
0x57: {  	_ =	swait.ge [sflag:s19], $0x10  }
0x58: {  	[sflag:s19] =	ssyncset.done $0x0  }
0x59: {  	[sflag:s19] =	ssyncadd.s32 $0xFFFFFFF0  }
0x5a: {  	v4 =	vld [tilespmem:$0x19000];
	_ =	sdelay $0x4  }
0x5b: {  	vm0 =	vlt.s32 v4, v2  }
0x5c: {  	v4 =	vmpcnt.ones.xlane vm0;
	_ =	sdelay $0x1  }
0x5d: {  	(v2sf) =	vpush v4, $0x0;
	_ =	sdelay $0xe  }
0x5e: {  	s0 =	sshll.u32 s0, $0x3;
	s22 =	spop (v2sf)  }
0x5f: {  	s21 =	sadd.s32 s0, s22  }
0x60: {  	s0 =	sand.u32 $0x3FF, s21  }
0x61: {  	s2 =	sshra.s32 s21, $0x1F;
	p3 =	slt.s32 s21, $0x1;
	p4 =	sne.s32 s0, $0x0  }
0x62: {  	s23 =	sshrl.u32 s2, $0x16;
	p0 =	por !p3, !p4  }
0x63: {  	s2 =	simm.s32 $0x1;
	s0 =	sadd.s32 s23, s21;
	p0 =	por !p0, !p0  }
0x64: {  	s0 =	sshra.s32 s0, $0xA;
	s2 =	simm.s32 @!p0 $0x0  }
0x65: {  	s22 =	ssub.s32 s0, s2  }
0x66: {  	s0 =	sand.u32 $0x1, s22  }
0x67: {  	p2 =	seq.s32 s0, $0x1  }
0x68: {  	p6 =	slt.s32 s22, $0x3D0;
	p5 =	por !p2, !p2  }
0x69: {  	p0 =	por !p6, !p5  }
0x6a: {  	p1 =	por !p6, !p2;
	p0 =	por !p0, !p0  }
0x6b: {  	p1 =	por !p1, !p1;
	s0 =	sshll.u32 @p0 s22, $0x7  }
.Ltmp3:
0x6c: {  	s0 =	sand.u32 @p0 $0x1FFFFF00, s0;
	(pc) =	sbr.rel @!p1 .LBB2_5-.Ltmp3, $4  }
0x6d: {  	s11 =	simm.s32 @p0 $0x0;
	s15 =	simm.s32 @p0 $0x18000;
	s2 =	sadd.s32 @p0 s3, s0  }
0x6e: {  	[tilespmem:s15], [sflag:$0x7] =	stream.linear.gather @p0 [hbm4b:s2+s11], $0x400, $0x38;
	[tilespmem:$0x19080] =	vst v63  }
0x6f: {  	[dreg:$0xc] =	wrdreg s1;
	s0 =	sadd.s32 @p0 s4, s0;
	s2 =	simm.s32 @p0 $0x18800  }
0x70: {  	[tilespmem:s2], [sflag:$0x7] =	stream.linear.gather @p0 [hbm4b:s0+s11], $0x400, $0x38;
	[tilespmem:$0x19080] =	vst v63  }
0x71: {  	s0 =	sshll.u32 s22, $0x7  }
.Ltmp4:
0x72: {  	s0 =	sand.u32 $0x1FFFFF80, s0;
	(pc) =	sbr.rel .LBB2_6-.Ltmp4, $4  }
0x73: {  	s1 =	simm.s32 $0x18400;
	s2 =	sadd.s32 s3, s0  }
0x74: {  	[tilespmem:s1], [sflag:$0x8] =	stream.linear.gather [hbm4b:s2+s5], $0x400, $0x38;
	[tilespmem:$0x19080] =	vst v63  }
0x75: {  	s23 =	simm.s32 $0x18C00;
	s0 =	sadd.s32 s4, s0  }
0x76: {  	[tilespmem:s23], [sflag:$0x8] =	stream.linear.gather [hbm4b:s0+s5], $0x400, $0x38;
	[tilespmem:$0x19080] =	vst v63  }
.LBB2_5:
0x77: {  	p4 =	seq.s32 s22, $0x3D0  }
.Ltmp5:
0x78: {  	_ = 	snop;
	(pc) =	sbr.rel @p4 .LBB2_7-.Ltmp5, $2  }
0x79: {  	_ =	sdelay $0x2  }
0x7a: {  	p3 =	por $0x1, $0x1  }
.LBB2_6:
0x7b: {  	p3 =	slt.s32 s22, $0x3CF  }
0x7c: {  	p2 =	por !p3, !p2  }
0x7d: {  	s0 =	sadd.s32 $0x1, s22;
	p2 =	por !p2, !p2  }
0x7e: {  	s23 =	sand.u32 $0x1, s0;
	s2 =	sshll.u32 @p2 s0, $0x7  }
0x7f: {  	p6 =	seq.s32 s23, $0x1;
	s15 =	simm.s32 @p2 $0x0;
	s2 =	sand.u32 @p2 $0x1FFFFF00, s2  }
0x80: {  	s16 =	simm.s32 @p2 $0x18000;
	p4 =	por @p2 $0x1, $0x1;
	s11 =	sadd.s32 @p2 s3, s2  }
0x81: {  	[tilespmem:s16], [sflag:$0x7] =	stream.linear.gather @p2 [hbm4b:s11+s15], $0x400, $0x38;
	[tilespmem:$0x19080] =	vst v63  }
0x82: {  	p4 =	por @!p2 p3, p3;
	s2 =	sadd.s32 @p2 s4, s2;
	s11 =	simm.s32 @p2 $0x18800  }
0x83: {  	[tilespmem:s11], [sflag:$0x7] =	stream.linear.gather @p2 [hbm4b:s2+s15], $0x400, $0x38;
	[tilespmem:$0x19080] =	vst v63  }
0x84: {  	p2 =	por !p6, !p4  }
0x85: {  	s2 =	sshll.u32 @!p2 s0, $0x7  }
0x86: {  	s2 =	sand.u32 @!p2 $0x1FFFFF80, s2  }
0x87: {  	s15 =	simm.s32 @!p2 $0x0;
	s16 =	simm.s32 @!p2 $0x18400;
	s11 =	sadd.s32 @!p2 s3, s2  }
0x88: {  	[tilespmem:s16], [sflag:$0x8] =	stream.linear.gather @!p2 [hbm4b:s11+s15], $0x400, $0x38;
	[tilespmem:$0x19080] =	vst v63  }
0x89: {  	s2 =	sadd.s32 @!p2 s4, s2;
	s11 =	simm.s32 @!p2 $0x18C00  }
0x8a: {  	[tilespmem:s11], [sflag:$0x8] =	stream.linear.gather @!p2 [hbm4b:s2+s15], $0x400, $0x38;
	[tilespmem:$0x19080] =	vst v63  }
0x8b: {  	p2 =	sne.s32 s0, $0x3D0  }
.Ltmp6:
0x8c: {  	_ = 	snop;
	(pc) =	sbr.rel @p2 .LBB2_8-.Ltmp6, $2  }
0x8d: {  	_ =	sdelay $0x2  }
0x8e: {  	p3 =	por $0x0, $0x0  }
.LBB2_7:
0x8f: {  	s0 =	simm.s32 $0x18000  }
0x90: {  	[tilespmem:s0], [sflag:$0x7] =	stream.linear.gather [hbm4b:s8+s5], $0x240, $0x38;
	[tilespmem:$0x19080] =	vst v63  }
0x91: {  	s23 =	simm.s32 $0x18800  }
0x92: {  	[tilespmem:s23], [sflag:$0x7] =	stream.linear.gather [hbm4b:s10+s5], $0x240, $0x38;
	[tilespmem:$0x19080] =	vst v63  }
.LBB2_8:
0x93: {  	s0 =	simm.s32 @p0 $0x7  }
0x94: {  	_ =	swait.ge @p0 [sflag:s0], $0x400  }
0x95: {  	[sflag:s0] =	ssyncset.done @p0 $0x0  }
0x96: {  	[sflag:s0] =	ssyncadd.s32 @p0 $0xFFFFFC00  }
0x97: {  	_ =	swait.ge @p0 [sflag:s0], $0x400  }
0x98: {  	[sflag:s0] =	ssyncset.done @p0 $0x0  }
0x99: {  	[sflag:s0] =	ssyncadd.s32 @p0 $0xFFFFFC00;
	s0 =	simm.s32 @p1 $0x8  }
0x9a: {  	_ =	swait.ge @p1 [sflag:s0], $0x400  }
0x9b: {  	[sflag:s0] =	ssyncset.done @p1 $0x0  }
0x9c: {  	[sflag:s0] =	ssyncadd.s32 @p1 $0xFFFFFC00  }
0x9d: {  	_ =	swait.ge @p1 [sflag:s0], $0x400  }
0x9e: {  	[sflag:s0] =	ssyncset.done @p1 $0x0  }
0x9f: {  	[sflag:s0] =	ssyncadd.s32 @p1 $0xFFFFFC00;
	s0 =	simm.s32 @p3 $0x7  }
0xa0: {  	_ =	swait.ge @p3 [sflag:s0], $0x240  }
0xa1: {  	[sflag:s0] =	ssyncset.done @p3 $0x0  }
.Ltmp7:
0xa2: {  	[sflag:s0] =	ssyncadd.s32 @p3 $0xFFFFFDC0;
	(pc) =	sbr.rel .LBB2_9-.Ltmp7, $4  }
0xa3: {  	_ =	swait.ge @p3 [sflag:s0], $0x240  }
0xa4: {  	[sflag:s0] =	ssyncset.done @p3 $0x0  }
0xa5: {  	s23 =	simm.s32 $0x0;
	s20 =	rddreg [dreg:$0x6];
	[sflag:s0] =	ssyncadd.s32 @p3 $0xFFFFFDC0  }
0xa6: {  	[tilespmem:s23], [sflag:$0x1] =	stream.linear.gather [hbm4b:s20+s23], $0x8000, $0x38;
	[tilespmem:$0x19080] =	vst v63  }
.LBB2_33:
0xa7: {  	s23 =	sadd.s32 $0x1, s23  }
0xa8: {  	p0 =	sne.s32 s23, $0xE  }
.Ltmp8:
0xa9: {  	_ = 	snop;
	(pc) =	sbr.rel @!p0 .LBB2_34-.Ltmp8, $3  }
0xaa: {  	_ =	sdelay $0x1  }
0xab: {  	s0 =	sadd.s32 s7, s16  }
0xac: {  	[hbm4b:s0+s5] =	stream.linear.scatter [tilespmem:s28], [sflag:$0x6], $0x8000, $0x38;
	[tilespmem:$0x19080] =	vst v63  }
.LBB2_9:
0xad: {  	p0 =	seq.s32 s23, $0x0  }
0xae: {  	s2 =	simm.s32 @!p0 $0x5  }
0xaf: {  	s11 =	smul.u32 $0x3, s23;
	_ =	swait.ge @!p0 [sflag:s2], $0x8000  }
0xb0: {  	s0 =	rddreg [dreg:$0x7];
	[sflag:s2] =	ssyncset.done @!p0 $0x0  }
0xb1: {  	s20 =	rddreg [dreg:$0x5];
	s0 =	sadd.s32 s11, s0;
	[sflag:s2] =	ssyncadd.s32 @!p0 $0xFFFF8000  }
0xb2: {  	s15 =	sshll.u32 s0, $0xC;
	s1 =	rddreg [dreg:$0x0]  }
.Ltmp9:
0xb3: {  	s2 =	sadd.s32 s20, s11;
	s16 =	sadd.s32 s1, s15;
	(pc) =	sbr.rel .LBB2_10-.Ltmp9, $4  }
0xb4: {  	[tilespmem:s24], [sflag:$0x2] =	stream.linear.gather [hbm4b:s16+s5], $0x8000, $0x38;
	[tilespmem:$0x19080] =	vst v63  }
0xb5: {  	s16 =	sshll.u32 s2, $0xF;
	_ =	swait.ge [sflag:s17], $0x8000  }
0xb6: {  	s20 =	sadd.s32 $0x8000, s16;
	[sflag:s17] =	ssyncset.done $0x0  }
0xb7: {  	v5 =	vmov s16;
	v4 =	vmov s20;
	[sflag:s17] =	ssyncadd.s32 $0xFFFF8000  }
.LBB2_15:
0xb8: {  	_ =	swait.ge [sflag:s26], $0x240  }
0xb9: {  	[sflag:s26] =	ssyncset.done $0x0  }
0xba: {  	[sflag:s26] =	ssyncadd.s32 $0xFFFFFDC0  }
0xbb: {  	_ =	swait.ge [sflag:s26], $0x240  }
0xbc: {  	[sflag:s26] =	ssyncset.done $0x0  }
0xbd: {  	[sflag:s26] =	ssyncadd.s32 $0xFFFFFDC0  }
.LBB2_16:
0xbe: {  	s1 =	sand.u32 $0xF, s21  }
0xbf: {  	p2 =	sne.s32 s1, $0x0  }
0xc0: {  	s13 =	sshrl.u32 s20, $0x1C;
	p1 =	por !p1, !p2  }
0xc1: {  	s9 =	simm.s32 $0x1;
	s1 =	sadd.s32 s13, s21;
	p1 =	por !p1, !p1  }
0xc2: {  	s1 =	sshrl.u32 s1, $0x4;
	s9 =	simm.s32 @!p1 $0x0  }
0xc3: {  	s1 =	ssub.s32 s1, s9  }
0xc4: {  	s1 =	sshll.u32 s1, $0x4  }
0xc5: {  	s14 =	sand.u32 $0x7F0, s1  }
0xc6: {  	v6 =	vld [tilespmem:s14+$0x18000];
	_ =	sdelay $0x3  }
0xc7: {  	v7 =	vor.u32 s1, v3  }
0xc8: {  	vm0 =	vlt.s32 v7, $0xF4240;
	vm1 =	vlt.s32 v6, v4  }
0xc9: {  	vm2 =	vge.s32 v7, s21;
	vm0 =	vmand vm0, vm1  }
0xca: {  	vm0 =	vmand vm0, vm2  }
0xcb: {  	v7 =	vmpcnt.ones.xlane vm0;
	_ =	sdelay $0x1  }
0xcc: {  	(v2sf) =	vpush v7, $0x0;
	_ =	sdelay $0xd  }
0xcd: {  	s1 =	ssub.s32 s1, s21  }
0xce: {  	s1 =	sadd.s32 $0x10, s1;
	v6 =	vsub.s32 v6, v5;
	s20 =	spop (v2sf)  }
0xcf: {  	v6 =	vnsel vm0, $0x0, v6;
	v7 =	vld [tilespmem:s14+$0x18800];
	p1 =	sge.s32 s20, s1  }
.Ltmp10:
0xd0: {  	_ = 	snop;
	(pc) =	sbr.rel @!p1 .LBB2_17-.Ltmp10, $3  }
0xd1: {  	_ =	sdelay $0x1  }
0xd2: {  	p2 =	sgt.s32 s16, s22  }
0xd3: {  	s22 =	smov.u32 @p2 s16;
	[tilespmem:v6+s5+$0x0] =	vst.idx.add.f32.msk vm0, v7;
	s21 =	sadd.s32 s21, s20  }
.LBB2_10:
0xd4: {  	s16 =	sand.u32 $0x3FF, s21  }
0xd5: {  	s20 =	sshra.s32 s21, $0x1F;
	p1 =	slt.s32 s21, $0x1;
	p2 =	sne.s32 s16, $0x0  }
0xd6: {  	s14 =	sshrl.u32 s20, $0x16;
	p2 =	por !p1, !p2  }
0xd7: {  	s12 =	simm.s32 $0x1;
	s9 =	sadd.s32 s14, s21;
	p2 =	por !p2, !p2  }
0xd8: {  	s9 =	sshra.s32 s9, $0xA;
	s12 =	simm.s32 @!p2 $0x0  }
0xd9: {  	s16 =	smov.u32 s22;
	s22 =	ssub.s32 s9, s12  }
0xda: {  	p2 =	sle.s32 s22, s16  }
.Ltmp11:
0xdb: {  	_ = 	snop;
	(pc) =	sbr.rel @p2 .LBB2_16-.Ltmp11, $1  }
0xdc: {  	_ =	sdelay $0x3  }
0xdd: {  	s9 =	sand.u32 $0x1, s22;
	p3 =	sgt.s32 s22, $0x3CF  }
0xde: {  	p2 =	sne.s32 @!p3 s9, $0x0  }
0xdf: {  	p4 =	por p2, p3  }
0xe0: {  	p2 =	seq.s32 s9, $0x1;
	s12 =	simm.s32 @!p4 $0x7  }
0xe1: {  	p3 =	por p3, !p2;
	_ =	swait.ge @!p4 [sflag:s12], $0x400  }
.Ltmp12:
0xe2: {  	[sflag:s12] =	ssyncset.done @!p4 $0x0;
	(pc) =	sbr.rel @p3 .LBB2_14-.Ltmp12, $4  }
0xe3: {  	[sflag:s12] =	ssyncadd.s32 @!p4 $0xFFFFFC00  }
0xe4: {  	_ =	swait.ge @!p4 [sflag:s12], $0x400  }
0xe5: {  	[sflag:s12] =	ssyncset.done @!p4 $0x0  }
0xe6: {  	[sflag:s12] =	ssyncadd.s32 @!p4 $0xFFFFFC00  }
0xe7: {  	_ =	swait.ge [sflag:s25], $0x400  }
0xe8: {  	[sflag:s25] =	ssyncset.done $0x0  }
0xe9: {  	[sflag:s25] =	ssyncadd.s32 $0xFFFFFC00  }
0xea: {  	_ =	swait.ge [sflag:s25], $0x400  }
0xeb: {  	[sflag:s25] =	ssyncset.done $0x0  }
0xec: {  	[sflag:s25] =	ssyncadd.s32 $0xFFFFFC00  }
.LBB2_13:
0xed: {  	p3 =	slt.s32 s22, $0x3CF  }
0xee: {  	p2 =	por !p3, !p2  }
0xef: {  	s9 =	sadd.s32 $0x1, s22;
	p2 =	por !p2, !p2  }
0xf0: {  	s12 =	sshll.u32 @p2 s9, $0x7  }
0xf1: {  	s12 =	sand.u32 @p2 $0x1FFFFF00, s12  }
0xf2: {  	s14 =	simm.s32 @p2 $0x0;
	s1 =	simm.s32 @p2 $0x18000;
	s13 =	sadd.s32 @p2 s3, s12  }
0xf3: {  	[tilespmem:s1], [sflag:$0x7] =	stream.linear.gather @p2 [hbm4b:s13+s14], $0x400, $0x38;
	[tilespmem:$0x19080] =	vst v63  }
0xf4: {  	s1 =	sadd.s32 @p2 s4, s12;
	s12 =	simm.s32 @p2 $0x18800  }
0xf5: {  	[tilespmem:s12], [sflag:$0x7] =	stream.linear.gather @p2 [hbm4b:s1+s14], $0x400, $0x38;
	[tilespmem:$0x19080] =	vst v63  }
0xf6: {  	p4 =	por @p2 $0x1, $0x1;
	s14 =	sand.u32 $0x1, s9  }
0xf7: {  	p4 =	por @!p2 p3, p3;
	p6 =	seq.s32 s14, $0x1  }
0xf8: {  	p2 =	por !p6, !p4  }
0xf9: {  	s1 =	sshll.u32 @!p2 s9, $0x7  }
0xfa: {  	s1 =	sand.u32 @!p2 $0x1FFFFF80, s1  }
0xfb: {  	s13 =	simm.s32 @!p2 $0x0;
	s14 =	simm.s32 @!p2 $0x18400;
	s12 =	sadd.s32 @!p2 s3, s1  }
0xfc: {  	[tilespmem:s14], [sflag:$0x8] =	stream.linear.gather @!p2 [hbm4b:s12+s13], $0x400, $0x38;
	[tilespmem:$0x19080] =	vst v63  }
0xfd: {  	s1 =	sadd.s32 @!p2 s4, s1;
	s12 =	simm.s32 @!p2 $0x18C00  }
0xfe: {  	[tilespmem:s12], [sflag:$0x8] =	stream.linear.gather @!p2 [hbm4b:s1+s13], $0x400, $0x38;
	[tilespmem:$0x19080] =	vst v63  }
.Ltmp13:
0xff: {  	p2 =	sne.s32 s9, $0x3D0;
	(pc) =	sbr.rel .LBB2_16-.Ltmp13, $4  }
0x100: {  	s1 =	simm.s32 @!p2 $0x0;
	s9 =	simm.s32 @!p2 $0x18000  }
0x101: {  	[tilespmem:s9], [sflag:$0x7] =	stream.linear.gather @!p2 [hbm4b:s8+s1], $0x240, $0x38;
	[tilespmem:$0x19080] =	vst v63  }
0x102: {  	s9 =	simm.s32 @!p2 $0x18800  }
0x103: {  	[tilespmem:s9], [sflag:$0x7] =	stream.linear.gather @!p2 [hbm4b:s10+s1], $0x240, $0x38;
	[tilespmem:$0x19080] =	vst v63  }
.LBB2_14:
0x104: {  	p3 =	sne.s32 s22, $0x3D0  }
.Ltmp14:
0x105: {  	_ = 	snop;
	(pc) =	sbr.rel @p3 .LBB2_13-.Ltmp14, $4  }
.Ltmp15:
0x106: {  	_ = 	snop;
	(pc) =	sbr.rel @!p3 .LBB2_15-.Ltmp15, $4  }
0x107: {  	_ = 	snop  }
0x108: {  	_ = 	snop  }
0x109: {  	_ = 	snop  }
0x10a: {  	_ = 	snop  }
.LBB2_17:
0x10b: {  	s1 =	sshll.u32 s2, $0xC  }
0x10c: {  	s1 =	sadd.s32 s7, s1  }
0x10d: {  	[hbm4b:s1+s5] =	stream.linear.scatter [tilespmem:s5], [sflag:$0x4], $0x8000, $0x38;
	[tilespmem:$0x19080] =	vst v63  }
0x10e: {  	s1 =	simm.s32 @!p0 $0x6  }
0x10f: {  	_ =	swait.ge @!p0 [sflag:s1], $0x8000  }
0x110: {  	s16 =	rddreg [dreg:$0x8];
	[sflag:s1] =	ssyncset.done @!p0 $0x0  }
0x111: {  	s2 =	sadd.s32 s11, s16;
	[sflag:s1] =	ssyncadd.s32 @!p0 $0xFFFF8000  }
0x112: {  	s16 =	sshll.u32 s2, $0xC;
	s1 =	rddreg [dreg:$0x0]  }
.Ltmp16:
0x113: {  	s1 =	sadd.s32 s1, s16;
	(pc) =	sbr.rel .LBB2_18-.Ltmp16, $4  }
0x114: {  	[tilespmem:s28], [sflag:$0x3] =	stream.linear.gather [hbm4b:s1+s5], $0x8000, $0x38;
	[tilespmem:$0x19080] =	vst v63  }
0x115: {  	s0 =	sshll.u32 s0, $0xF;
	_ =	swait.ge [sflag:s29], $0x8000  }
0x116: {  	s20 =	sadd.s32 $0x8000, s0;
	[sflag:s29] =	ssyncset.done $0x0  }
0x117: {  	v5 =	vmov s0;
	v4 =	vmov s20;
	[sflag:s29] =	ssyncadd.s32 $0xFFFF8000  }
.LBB2_23:
0x118: {  	_ =	swait.ge [sflag:s26], $0x240  }
0x119: {  	[sflag:s26] =	ssyncset.done $0x0  }
0x11a: {  	[sflag:s26] =	ssyncadd.s32 $0xFFFFFDC0  }
0x11b: {  	_ =	swait.ge [sflag:s26], $0x240  }
0x11c: {  	[sflag:s26] =	ssyncset.done $0x0  }
0x11d: {  	[sflag:s26] =	ssyncadd.s32 $0xFFFFFDC0  }
.LBB2_24:
0x11e: {  	s1 =	sand.u32 $0xF, s21  }
0x11f: {  	p1 =	sne.s32 s1, $0x0  }
0x120: {  	s13 =	sshrl.u32 s20, $0x1C;
	p0 =	por !p0, !p1  }
0x121: {  	s9 =	simm.s32 $0x1;
	s1 =	sadd.s32 s13, s21;
	p0 =	por !p0, !p0  }
0x122: {  	s1 =	sshrl.u32 s1, $0x4;
	s9 =	simm.s32 @!p0 $0x0  }
0x123: {  	s1 =	ssub.s32 s1, s9  }
0x124: {  	s1 =	sshll.u32 s1, $0x4  }
0x125: {  	s14 =	sand.u32 $0x7F0, s1  }
0x126: {  	v6 =	vld [tilespmem:s14+$0x18000];
	_ =	sdelay $0x3  }
0x127: {  	v7 =	vor.u32 s1, v3  }
0x128: {  	vm0 =	vlt.s32 v7, $0xF4240;
	vm1 =	vlt.s32 v6, v4  }
0x129: {  	vm2 =	vge.s32 v7, s21;
	vm0 =	vmand vm0, vm1  }
0x12a: {  	vm0 =	vmand vm0, vm2  }
0x12b: {  	v7 =	vmpcnt.ones.xlane vm0;
	_ =	sdelay $0x1  }
0x12c: {  	(v2sf) =	vpush v7, $0x0;
	_ =	sdelay $0xd  }
0x12d: {  	s1 =	ssub.s32 s1, s21  }
0x12e: {  	s1 =	sadd.s32 $0x10, s1;
	v6 =	vsub.s32 v6, v5;
	s20 =	spop (v2sf)  }
0x12f: {  	v6 =	vnsel vm0, $0x0, v6;
	v7 =	vld [tilespmem:s14+$0x18800];
	p0 =	sge.s32 s20, s1  }
.Ltmp17:
0x130: {  	_ = 	snop;
	(pc) =	sbr.rel @!p0 .LBB2_25-.Ltmp17, $3  }
0x131: {  	_ =	sdelay $0x1  }
0x132: {  	p1 =	sgt.s32 s0, s22  }
0x133: {  	s22 =	smov.u32 @p1 s0;
	[tilespmem:v6+s24+$0x0] =	vst.idx.add.f32.msk vm0, v7;
	s21 =	sadd.s32 s21, s20  }
.LBB2_18:
0x134: {  	s0 =	sand.u32 $0x3FF, s21  }
0x135: {  	s20 =	sshra.s32 s21, $0x1F;
	p0 =	slt.s32 s21, $0x1;
	p1 =	sne.s32 s0, $0x0  }
0x136: {  	s14 =	sshrl.u32 s20, $0x16;
	p1 =	por !p0, !p1  }
0x137: {  	s9 =	simm.s32 $0x1;
	s1 =	sadd.s32 s14, s21;
	p1 =	por !p1, !p1  }
0x138: {  	s1 =	sshra.s32 s1, $0xA;
	s9 =	simm.s32 @!p1 $0x0  }
0x139: {  	s0 =	smov.u32 s22;
	s22 =	ssub.s32 s1, s9  }
0x13a: {  	p1 =	sle.s32 s22, s0  }
.Ltmp18:
0x13b: {  	_ = 	snop;
	(pc) =	sbr.rel @p1 .LBB2_24-.Ltmp18, $1  }
0x13c: {  	_ =	sdelay $0x3  }
0x13d: {  	s1 =	sand.u32 $0x1, s22;
	p2 =	sgt.s32 s22, $0x3CF  }
0x13e: {  	p1 =	sne.s32 @!p2 s1, $0x0  }
0x13f: {  	p3 =	por p1, p2  }
0x140: {  	p1 =	seq.s32 s1, $0x1;
	s9 =	simm.s32 @!p3 $0x7  }
0x141: {  	p2 =	por p2, !p1;
	_ =	swait.ge @!p3 [sflag:s9], $0x400  }
.Ltmp19:
0x142: {  	[sflag:s9] =	ssyncset.done @!p3 $0x0;
	(pc) =	sbr.rel @p2 .LBB2_22-.Ltmp19, $4  }
0x143: {  	[sflag:s9] =	ssyncadd.s32 @!p3 $0xFFFFFC00  }
0x144: {  	_ =	swait.ge @!p3 [sflag:s9], $0x400  }
0x145: {  	[sflag:s9] =	ssyncset.done @!p3 $0x0  }
0x146: {  	[sflag:s9] =	ssyncadd.s32 @!p3 $0xFFFFFC00  }
0x147: {  	_ =	swait.ge [sflag:s25], $0x400  }
0x148: {  	[sflag:s25] =	ssyncset.done $0x0  }
0x149: {  	[sflag:s25] =	ssyncadd.s32 $0xFFFFFC00  }
0x14a: {  	_ =	swait.ge [sflag:s25], $0x400  }
0x14b: {  	[sflag:s25] =	ssyncset.done $0x0  }
0x14c: {  	[sflag:s25] =	ssyncadd.s32 $0xFFFFFC00  }
.LBB2_21:
0x14d: {  	p2 =	slt.s32 s22, $0x3CF  }
0x14e: {  	p1 =	por !p2, !p1  }
0x14f: {  	s1 =	sadd.s32 $0x1, s22;
	p1 =	por !p1, !p1  }
0x150: {  	s9 =	sshll.u32 @p1 s1, $0x7  }
0x151: {  	s13 =	simm.s32 @p1 $0x0;
	s9 =	sand.u32 @p1 $0x1FFFFF00, s9  }
0x152: {  	s14 =	simm.s32 @p1 $0x18000;
	p3 =	por @p1 $0x1, $0x1;
	s12 =	sadd.s32 @p1 s3, s9  }
0x153: {  	[tilespmem:s14], [sflag:$0x7] =	stream.linear.gather @p1 [hbm4b:s12+s13], $0x400, $0x38;
	[tilespmem:$0x19080] =	vst v63  }
0x154: {  	p3 =	por @!p1 p2, p2;
	s14 =	sand.u32 $0x1, s1  }
0x155: {  	s9 =	sadd.s32 @p1 s4, s9;
	s12 =	simm.s32 @p1 $0x18800;
	p6 =	seq.s32 s14, $0x1  }
0x156: {  	[tilespmem:s12], [sflag:$0x7] =	stream.linear.gather @p1 [hbm4b:s9+s13], $0x400, $0x38;
	[tilespmem:$0x19080] =	vst v63  }
0x157: {  	p1 =	por !p6, !p3  }
0x158: {  	s9 =	sshll.u32 @!p1 s1, $0x7  }
0x159: {  	s9 =	sand.u32 @!p1 $0x1FFFFF80, s9  }
0x15a: {  	s13 =	simm.s32 @!p1 $0x0;
	s14 =	simm.s32 @!p1 $0x18400;
	s12 =	sadd.s32 @!p1 s3, s9  }
0x15b: {  	[tilespmem:s14], [sflag:$0x8] =	stream.linear.gather @!p1 [hbm4b:s12+s13], $0x400, $0x38;
	[tilespmem:$0x19080] =	vst v63  }
0x15c: {  	s9 =	sadd.s32 @!p1 s4, s9;
	s12 =	simm.s32 @!p1 $0x18C00  }
0x15d: {  	[tilespmem:s12], [sflag:$0x8] =	stream.linear.gather @!p1 [hbm4b:s9+s13], $0x400, $0x38;
	[tilespmem:$0x19080] =	vst v63  }
.Ltmp20:
0x15e: {  	p1 =	sne.s32 s1, $0x3D0;
	(pc) =	sbr.rel .LBB2_24-.Ltmp20, $4  }
0x15f: {  	s1 =	simm.s32 @!p1 $0x0;
	s9 =	simm.s32 @!p1 $0x18000  }
0x160: {  	[tilespmem:s9], [sflag:$0x7] =	stream.linear.gather @!p1 [hbm4b:s8+s1], $0x240, $0x38;
	[tilespmem:$0x19080] =	vst v63  }
0x161: {  	s9 =	simm.s32 @!p1 $0x18800  }
0x162: {  	[tilespmem:s9], [sflag:$0x7] =	stream.linear.gather @!p1 [hbm4b:s10+s1], $0x240, $0x38;
	[tilespmem:$0x19080] =	vst v63  }
.LBB2_22:
0x163: {  	p2 =	sne.s32 s22, $0x3D0  }
.Ltmp21:
0x164: {  	_ = 	snop;
	(pc) =	sbr.rel @p2 .LBB2_21-.Ltmp21, $4  }
.Ltmp22:
0x165: {  	_ = 	snop;
	(pc) =	sbr.rel @!p2 .LBB2_23-.Ltmp22, $4  }
0x166: {  	_ = 	snop  }
0x167: {  	_ = 	snop  }
0x168: {  	_ = 	snop  }
0x169: {  	_ = 	snop  }
.LBB2_25:
0x16a: {  	s0 =	sadd.s32 s7, s15  }
0x16b: {  	[hbm4b:s0+s5] =	stream.linear.scatter [tilespmem:s24], [sflag:$0x5], $0x8000, $0x38;
	[tilespmem:$0x19080] =	vst v63  }
0x16c: {  	s14 =	rddreg [dreg:$0x9];
	_ =	swait.ge [sflag:s30], $0x8000  }
0x16d: {  	s0 =	sadd.s32 s11, s14;
	[sflag:s30] =	ssyncset.done $0x0  }
0x16e: {  	s0 =	sshll.u32 s0, $0xC;
	[sflag:s30] =	ssyncadd.s32 $0xFFFF8000  }
0x16f: {  	s0 =	sand.u32 $0x1FFFF000, s0;
	s1 =	rddreg [dreg:$0x0]  }
.Ltmp23:
0x170: {  	s0 =	sadd.s32 s1, s0;
	(pc) =	sbr.rel .LBB2_26-.Ltmp23, $4  }
0x171: {  	[tilespmem:s5], [sflag:$0x1] =	stream.linear.gather [hbm4b:s0+s5], $0x8000, $0x38;
	[tilespmem:$0x19080] =	vst v63  }
0x172: {  	s15 =	sshll.u32 s2, $0xF;
	_ =	swait.ge [sflag:s31], $0x8000  }
0x173: {  	s20 =	sadd.s32 $0x8000, s15;
	[sflag:s31] =	ssyncset.done $0x0  }
0x174: {  	v5 =	vmov s15;
	v4 =	vmov s20;
	[sflag:s31] =	ssyncadd.s32 $0xFFFF8000  }
.LBB2_31:
0x175: {  	_ =	swait.ge [sflag:s26], $0x240  }
0x176: {  	[sflag:s26] =	ssyncset.done $0x0  }
0x177: {  	[sflag:s26] =	ssyncadd.s32 $0xFFFFFDC0  }
0x178: {  	_ =	swait.ge [sflag:s26], $0x240  }
0x179: {  	[sflag:s26] =	ssyncset.done $0x0  }
0x17a: {  	[sflag:s26] =	ssyncadd.s32 $0xFFFFFDC0  }
.LBB2_32:
0x17b: {  	s1 =	sand.u32 $0xF, s21  }
0x17c: {  	p1 =	sne.s32 s1, $0x0  }
0x17d: {  	s14 =	sshrl.u32 s2, $0x1C;
	p0 =	por !p0, !p1  }
0x17e: {  	s2 =	simm.s32 $0x1;
	s1 =	sadd.s32 s14, s21;
	p0 =	por !p0, !p0  }
0x17f: {  	s1 =	sshrl.u32 s1, $0x4;
	s2 =	simm.s32 @!p0 $0x0  }
0x180: {  	s1 =	ssub.s32 s1, s2  }
0x181: {  	s1 =	sshll.u32 s1, $0x4  }
0x182: {  	s15 =	sand.u32 $0x7F0, s1  }
0x183: {  	v6 =	vld [tilespmem:s15+$0x18000];
	_ =	sdelay $0x3  }
0x184: {  	v7 =	vor.u32 s1, v3  }
0x185: {  	vm0 =	vlt.s32 v7, $0xF4240;
	vm1 =	vlt.s32 v6, v4  }
0x186: {  	vm2 =	vge.s32 v7, s21;
	vm0 =	vmand vm0, vm1  }
0x187: {  	vm0 =	vmand vm0, vm2  }
0x188: {  	v7 =	vmpcnt.ones.xlane vm0;
	_ =	sdelay $0x1  }
0x189: {  	(v2sf) =	vpush v7, $0x0;
	_ =	sdelay $0xd  }
0x18a: {  	s1 =	ssub.s32 s1, s21  }
0x18b: {  	s1 =	sadd.s32 $0x10, s1;
	v6 =	vsub.s32 v6, v5;
	s20 =	spop (v2sf)  }
0x18c: {  	v6 =	vnsel vm0, $0x0, v6;
	v7 =	vld [tilespmem:s15+$0x18800];
	p0 =	sge.s32 s20, s1  }
.Ltmp24:
0x18d: {  	_ = 	snop;
	(pc) =	sbr.rel @!p0 .LBB2_33-.Ltmp24, $3  }
0x18e: {  	_ =	sdelay $0x1  }
0x18f: {  	p1 =	sgt.s32 s0, s22  }
0x190: {  	s22 =	smov.u32 @p1 s0;
	[tilespmem:v6+s28+$0x0] =	vst.idx.add.f32.msk vm0, v7;
	s21 =	sadd.s32 s21, s20  }
.LBB2_26:
0x191: {  	s0 =	sand.u32 $0x3FF, s21  }
0x192: {  	s2 =	sshra.s32 s21, $0x1F;
	p0 =	slt.s32 s21, $0x1;
	p1 =	sne.s32 s0, $0x0  }
0x193: {  	s20 =	sshrl.u32 s2, $0x16;
	p1 =	por !p0, !p1  }
0x194: {  	s9 =	simm.s32 $0x1;
	s1 =	sadd.s32 s20, s21;
	p1 =	por !p1, !p1  }
0x195: {  	s1 =	sshra.s32 s1, $0xA;
	s9 =	simm.s32 @!p1 $0x0  }
0x196: {  	s0 =	smov.u32 s22;
	s22 =	ssub.s32 s1, s9  }
0x197: {  	p1 =	sle.s32 s22, s0  }
.Ltmp25:
0x198: {  	_ = 	snop;
	(pc) =	sbr.rel @p1 .LBB2_32-.Ltmp25, $1  }
0x199: {  	_ =	sdelay $0x3  }
0x19a: {  	s1 =	sand.u32 $0x1, s22;
	p2 =	sgt.s32 s22, $0x3CF  }
0x19b: {  	p1 =	sne.s32 @!p2 s1, $0x0  }
0x19c: {  	p3 =	por p1, p2  }
0x19d: {  	p1 =	seq.s32 s1, $0x1;
	s9 =	simm.s32 @!p3 $0x7  }
0x19e: {  	p2 =	por p2, !p1;
	_ =	swait.ge @!p3 [sflag:s9], $0x400  }
.Ltmp26:
0x19f: {  	[sflag:s9] =	ssyncset.done @!p3 $0x0;
	(pc) =	sbr.rel @p2 .LBB2_30-.Ltmp26, $4  }
0x1a0: {  	[sflag:s9] =	ssyncadd.s32 @!p3 $0xFFFFFC00  }
0x1a1: {  	_ =	swait.ge @!p3 [sflag:s9], $0x400  }
0x1a2: {  	[sflag:s9] =	ssyncset.done @!p3 $0x0  }
0x1a3: {  	[sflag:s9] =	ssyncadd.s32 @!p3 $0xFFFFFC00  }
0x1a4: {  	_ =	swait.ge [sflag:s25], $0x400  }
0x1a5: {  	[sflag:s25] =	ssyncset.done $0x0  }
0x1a6: {  	[sflag:s25] =	ssyncadd.s32 $0xFFFFFC00  }
0x1a7: {  	_ =	swait.ge [sflag:s25], $0x400  }
0x1a8: {  	[sflag:s25] =	ssyncset.done $0x0  }
0x1a9: {  	[sflag:s25] =	ssyncadd.s32 $0xFFFFFC00  }
.LBB2_29:
0x1aa: {  	p2 =	slt.s32 s22, $0x3CF  }
0x1ab: {  	p1 =	por !p2, !p1  }
0x1ac: {  	s1 =	sadd.s32 $0x1, s22;
	p1 =	por !p1, !p1  }
0x1ad: {  	s20 =	sand.u32 $0x1, s1;
	s9 =	sshll.u32 @p1 s1, $0x7  }
0x1ae: {  	p6 =	seq.s32 s20, $0x1;
	s12 =	simm.s32 @p1 $0x0;
	s9 =	sand.u32 @p1 $0x1FFFFF00, s9  }
0x1af: {  	s13 =	simm.s32 @p1 $0x18000;
	p3 =	por @p1 $0x1, $0x1;
	s11 =	sadd.s32 @p1 s3, s9  }
0x1b0: {  	[tilespmem:s13], [sflag:$0x7] =	stream.linear.gather @p1 [hbm4b:s11+s12], $0x400, $0x38;
	[tilespmem:$0x19080] =	vst v63  }
0x1b1: {  	p3 =	por @!p1 p2, p2;
	s9 =	sadd.s32 @p1 s4, s9;
	s11 =	simm.s32 @p1 $0x18800  }
0x1b2: {  	[tilespmem:s11], [sflag:$0x7] =	stream.linear.gather @p1 [hbm4b:s9+s12], $0x400, $0x38;
	[tilespmem:$0x19080] =	vst v63  }
0x1b3: {  	p1 =	por !p6, !p3  }
0x1b4: {  	s9 =	sshll.u32 @!p1 s1, $0x7  }
0x1b5: {  	s9 =	sand.u32 @!p1 $0x1FFFFF80, s9  }
0x1b6: {  	s12 =	simm.s32 @!p1 $0x0;
	s13 =	simm.s32 @!p1 $0x18400;
	s11 =	sadd.s32 @!p1 s3, s9  }
0x1b7: {  	[tilespmem:s13], [sflag:$0x8] =	stream.linear.gather @!p1 [hbm4b:s11+s12], $0x400, $0x38;
	[tilespmem:$0x19080] =	vst v63  }
0x1b8: {  	s9 =	sadd.s32 @!p1 s4, s9;
	s11 =	simm.s32 @!p1 $0x18C00  }
0x1b9: {  	[tilespmem:s11], [sflag:$0x8] =	stream.linear.gather @!p1 [hbm4b:s9+s12], $0x400, $0x38;
	[tilespmem:$0x19080] =	vst v63  }
.Ltmp27:
0x1ba: {  	p1 =	sne.s32 s1, $0x3D0;
	(pc) =	sbr.rel .LBB2_32-.Ltmp27, $4  }
0x1bb: {  	s1 =	simm.s32 @!p1 $0x0;
	s9 =	simm.s32 @!p1 $0x18000  }
0x1bc: {  	[tilespmem:s9], [sflag:$0x7] =	stream.linear.gather @!p1 [hbm4b:s8+s1], $0x240, $0x38;
	[tilespmem:$0x19080] =	vst v63  }
0x1bd: {  	s9 =	simm.s32 @!p1 $0x18800  }
0x1be: {  	[tilespmem:s9], [sflag:$0x7] =	stream.linear.gather @!p1 [hbm4b:s10+s1], $0x240, $0x38;
	[tilespmem:$0x19080] =	vst v63  }
.LBB2_30:
0x1bf: {  	p2 =	sne.s32 s22, $0x3D0  }
.Ltmp28:
0x1c0: {  	_ = 	snop;
	(pc) =	sbr.rel @p2 .LBB2_29-.Ltmp28, $4  }
.Ltmp29:
0x1c1: {  	_ = 	snop;
	(pc) =	sbr.rel @!p2 .LBB2_31-.Ltmp29, $4  }
0x1c2: {  	_ = 	snop  }
0x1c3: {  	_ = 	snop  }
0x1c4: {  	_ = 	snop  }
0x1c5: {  	_ = 	snop  }
.LBB2_34:
.Ltmp30:
0x1c6: {  	(pc) =	sbr.rel .LBB2_35-.Ltmp30, $4  }
0x1c7: {  	_ = 	snop  }
0x1c8: {  	_ =	swait.ge [sflag:s17], $0x8000  }
0x1c9: {  	[sflag:s17] =	ssyncset.done $0x0  }
0x1ca: {  	[sflag:s17] =	ssyncadd.s32 $0xFFFF8000  }
.LBB2_40:
0x1cb: {  	_ =	swait.ge [sflag:s26], $0x240  }
0x1cc: {  	[sflag:s26] =	ssyncset.done $0x0  }
0x1cd: {  	[sflag:s26] =	ssyncadd.s32 $0xFFFFFDC0  }
0x1ce: {  	_ =	swait.ge [sflag:s26], $0x240  }
0x1cf: {  	[sflag:s26] =	ssyncset.done $0x0  }
0x1d0: {  	[sflag:s26] =	ssyncadd.s32 $0xFFFFFDC0  }
.LBB2_41:
0x1d1: {  	s1 =	sand.u32 $0xF, s21  }
0x1d2: {  	p1 =	sne.s32 s1, $0x0  }
0x1d3: {  	s16 =	sshrl.u32 s2, $0x1C;
	p0 =	por !p0, !p1  }
0x1d4: {  	s2 =	simm.s32 $0x1;
	s1 =	sadd.s32 s16, s21;
	p0 =	por !p0, !p0  }
0x1d5: {  	s1 =	sshrl.u32 s1, $0x4;
	s2 =	simm.s32 @!p0 $0x0  }
0x1d6: {  	s1 =	ssub.s32 s1, s2  }
0x1d7: {  	s1 =	sshll.u32 s1, $0x4  }
0x1d8: {  	s20 =	sand.u32 $0x7F0, s1  }
0x1d9: {  	v4 =	vld [tilespmem:s20+$0x18000];
	_ =	sdelay $0x3  }
0x1da: {  	v5 =	vor.u32 s1, v3  }
0x1db: {  	vm0 =	vlt.s32 v5, $0xF4240;
	vm1 =	vlt.s32 v4, v0  }
0x1dc: {  	vm2 =	vge.s32 v5, s21;
	vm0 =	vmand vm0, vm1  }
0x1dd: {  	vm0 =	vmand vm0, vm2  }
0x1de: {  	v5 =	vmpcnt.ones.xlane vm0;
	_ =	sdelay $0x1  }
0x1df: {  	(v2sf) =	vpush v5, $0x0;
	_ =	sdelay $0xd  }
0x1e0: {  	s1 =	ssub.s32 s1, s21  }
0x1e1: {  	s1 =	sadd.s32 $0x10, s1;
	v4 =	vsub.s32 v4, v1;
	s23 =	spop (v2sf)  }
0x1e2: {  	v4 =	vnsel vm0, $0x0, v4;
	v5 =	vld [tilespmem:s20+$0x18800];
	p0 =	sge.s32 s23, s1  }
.Ltmp31:
0x1e3: {  	_ = 	snop;
	(pc) =	sbr.rel @!p0 .LBB2_42-.Ltmp31, $3  }
0x1e4: {  	_ =	sdelay $0x1  }
0x1e5: {  	p1 =	sgt.s32 s0, s22  }
0x1e6: {  	s22 =	smov.u32 @p1 s0;
	[tilespmem:v4+s5+$0x0] =	vst.idx.add.f32.msk vm0, v5;
	s21 =	sadd.s32 s21, s23  }
.LBB2_35:
0x1e7: {  	s0 =	sand.u32 $0x3FF, s21  }
0x1e8: {  	s2 =	sshra.s32 s21, $0x1F;
	p0 =	slt.s32 s21, $0x1;
	p1 =	sne.s32 s0, $0x0  }
0x1e9: {  	s23 =	sshrl.u32 s2, $0x16;
	p1 =	por !p0, !p1  }
0x1ea: {  	s9 =	simm.s32 $0x1;
	s1 =	sadd.s32 s23, s21;
	p1 =	por !p1, !p1  }
0x1eb: {  	s1 =	sshra.s32 s1, $0xA;
	s9 =	simm.s32 @!p1 $0x0  }
0x1ec: {  	s0 =	smov.u32 s22;
	s22 =	ssub.s32 s1, s9  }
0x1ed: {  	p1 =	sle.s32 s22, s0  }
.Ltmp32:
0x1ee: {  	_ = 	snop;
	(pc) =	sbr.rel @p1 .LBB2_41-.Ltmp32, $1  }
0x1ef: {  	_ =	sdelay $0x3  }
0x1f0: {  	s1 =	sand.u32 $0x1, s22;
	p2 =	sgt.s32 s22, $0x3CF  }
0x1f1: {  	p1 =	sne.s32 @!p2 s1, $0x0  }
0x1f2: {  	p3 =	por p1, p2  }
0x1f3: {  	p1 =	seq.s32 s1, $0x1;
	s9 =	simm.s32 @!p3 $0x7  }
0x1f4: {  	p2 =	por p2, !p1;
	_ =	swait.ge @!p3 [sflag:s9], $0x400  }
.Ltmp33:
0x1f5: {  	[sflag:s9] =	ssyncset.done @!p3 $0x0;
	(pc) =	sbr.rel @p2 .LBB2_39-.Ltmp33, $4  }
0x1f6: {  	[sflag:s9] =	ssyncadd.s32 @!p3 $0xFFFFFC00  }
0x1f7: {  	_ =	swait.ge @!p3 [sflag:s9], $0x400  }
0x1f8: {  	[sflag:s9] =	ssyncset.done @!p3 $0x0  }
0x1f9: {  	[sflag:s9] =	ssyncadd.s32 @!p3 $0xFFFFFC00  }
0x1fa: {  	_ =	swait.ge [sflag:s25], $0x400  }
0x1fb: {  	[sflag:s25] =	ssyncset.done $0x0  }
0x1fc: {  	[sflag:s25] =	ssyncadd.s32 $0xFFFFFC00  }
0x1fd: {  	_ =	swait.ge [sflag:s25], $0x400  }
0x1fe: {  	[sflag:s25] =	ssyncset.done $0x0  }
0x1ff: {  	[sflag:s25] =	ssyncadd.s32 $0xFFFFFC00  }
.LBB2_38:
0x200: {  	p2 =	slt.s32 s22, $0x3CF  }
0x201: {  	p1 =	por !p2, !p1  }
0x202: {  	s1 =	sadd.s32 $0x1, s22;
	p1 =	por !p1, !p1  }
0x203: {  	s23 =	sand.u32 $0x1, s1;
	s9 =	sshll.u32 @p1 s1, $0x7  }
0x204: {  	p6 =	seq.s32 s23, $0x1;
	s12 =	simm.s32 @p1 $0x0;
	s9 =	sand.u32 @p1 $0x1FFFFF00, s9  }
0x205: {  	s13 =	simm.s32 @p1 $0x18000;
	p3 =	por @p1 $0x1, $0x1;
	s11 =	sadd.s32 @p1 s3, s9  }
0x206: {  	[tilespmem:s13], [sflag:$0x7] =	stream.linear.gather @p1 [hbm4b:s11+s12], $0x400, $0x38;
	[tilespmem:$0x19080] =	vst v63  }
0x207: {  	p3 =	por @!p1 p2, p2;
	s9 =	sadd.s32 @p1 s4, s9;
	s11 =	simm.s32 @p1 $0x18800  }
0x208: {  	[tilespmem:s11], [sflag:$0x7] =	stream.linear.gather @p1 [hbm4b:s9+s12], $0x400, $0x38;
	[tilespmem:$0x19080] =	vst v63  }
0x209: {  	p1 =	por !p6, !p3  }
0x20a: {  	s9 =	sshll.u32 @!p1 s1, $0x7  }
0x20b: {  	s9 =	sand.u32 @!p1 $0x1FFFFF80, s9  }
0x20c: {  	s12 =	simm.s32 @!p1 $0x0;
	s13 =	simm.s32 @!p1 $0x18400;
	s11 =	sadd.s32 @!p1 s3, s9  }
0x20d: {  	[tilespmem:s13], [sflag:$0x8] =	stream.linear.gather @!p1 [hbm4b:s11+s12], $0x400, $0x38;
	[tilespmem:$0x19080] =	vst v63  }
0x20e: {  	s9 =	sadd.s32 @!p1 s4, s9;
	s11 =	simm.s32 @!p1 $0x18C00  }
0x20f: {  	[tilespmem:s11], [sflag:$0x8] =	stream.linear.gather @!p1 [hbm4b:s9+s12], $0x400, $0x38;
	[tilespmem:$0x19080] =	vst v63  }
.Ltmp34:
0x210: {  	p1 =	sne.s32 s1, $0x3D0;
	(pc) =	sbr.rel .LBB2_41-.Ltmp34, $4  }
0x211: {  	s1 =	simm.s32 @!p1 $0x0;
	s9 =	simm.s32 @!p1 $0x18000  }
0x212: {  	[tilespmem:s9], [sflag:$0x7] =	stream.linear.gather @!p1 [hbm4b:s8+s1], $0x240, $0x38;
	[tilespmem:$0x19080] =	vst v63  }
0x213: {  	s9 =	simm.s32 @!p1 $0x18800  }
0x214: {  	[tilespmem:s9], [sflag:$0x7] =	stream.linear.gather @!p1 [hbm4b:s10+s1], $0x240, $0x38;
	[tilespmem:$0x19080] =	vst v63  }
.LBB2_39:
0x215: {  	p2 =	sne.s32 s22, $0x3D0  }
.Ltmp35:
0x216: {  	_ = 	snop;
	(pc) =	sbr.rel @p2 .LBB2_38-.Ltmp35, $4  }
.Ltmp36:
0x217: {  	_ = 	snop;
	(pc) =	sbr.rel @!p2 .LBB2_40-.Ltmp36, $4  }
0x218: {  	_ = 	snop  }
0x219: {  	_ = 	snop  }
0x21a: {  	_ = 	snop  }
0x21b: {  	_ = 	snop  }
.LBB2_42:
0x21c: {  	s0 =	rddreg [dreg:$0xa];
	s23 =	sand.u32 $0x1, s22  }
0x21d: {  	[hbm4b:s0+s5] =	stream.linear.scatter [tilespmem:s5], [sflag:$0x4], $0x8000, $0x38;
	[tilespmem:$0x19080] =	vst v63  }
0x21e: {  	p1 =	sgt.s32 s22, $0x3CE;
	p0 =	seq.s32 s23, $0x1;
	s0 =	sadd.s32 $0x1, s22  }
0x21f: {  	p0 =	por !p0, p1;
	s2 =	sand.u32 $0x1, s0  }
0x220: {  	s1 =	simm.s32 @!p0 $0x7;
	p2 =	seq.s32 s2, $0x1  }
0x221: {  	_ =	swait.ge @!p0 [sflag:s1], $0x400;
	p1 =	por p1, !p2  }
.Ltmp37:
0x222: {  	[sflag:s1] =	ssyncset.done @!p0 $0x0;
	(pc) =	sbr.rel @p1 .LBB2_44-.Ltmp37, $4  }
0x223: {  	[sflag:s1] =	ssyncadd.s32 @!p0 $0xFFFFFC00  }
0x224: {  	_ =	swait.ge @!p0 [sflag:s1], $0x400  }
0x225: {  	[sflag:s1] =	ssyncset.done @!p0 $0x0  }
0x226: {  	[sflag:s1] =	ssyncadd.s32 @!p0 $0xFFFFFC00  }
0x227: {  	_ =	swait.ge [sflag:s25], $0x400  }
.Ltmp38:
0x228: {  	[sflag:s25] =	ssyncset.done $0x0;
	(pc) =	sbr.rel .LBB2_45-.Ltmp38, $4  }
0x229: {  	[sflag:s25] =	ssyncadd.s32 $0xFFFFFC00  }
0x22a: {  	_ =	swait.ge [sflag:s25], $0x400  }
0x22b: {  	[sflag:s25] =	ssyncset.done $0x0  }
0x22c: {  	s1 =	rddreg [dreg:$0xc];
	[sflag:s25] =	ssyncadd.s32 $0xFFFFFC00  }
.LBB2_46:
0x22d: {  	_ =	sfence.sel $0x180000  }
0x22e: {  	[bflag:$0x0] =	sbarrier.arrive $0xFFFF  }
0x22f: {  	_ =	strace $0x90000047  }
0x230: {  	s0 =	stileid.u32;
	[bflag:$0x2] =	sbarrier.arrive $0xFFFF  }
0x231: {  	p0 =	sne.s32 s0, $0x0;
	s0 =	rddreg [dreg:$0x4]  }
0x232: {  	s0 =	sadd.s32 @!p0 $0x100000, s0  }
0x233: {  	[sflag:s0] =	ssyncadd.tile.s32 @!p0 $0x1;
	_ =	shalt  }
.Lfunc_end2:
_tile_overlayer_lowered:
.L_overlay_start_2:
0x234: {  	(tag) =	ssettag $0x2  }
0x235: {  	s0 =	rddreg [dreg:$0x0];
	s2 =	stileid.u32  }
0x236: {  	s1 =	rddreg [dreg:$0x1];
	p0 =	sne.s32 s2, $0x0  }
0x237: {  	s3 =	rddreg [dreg:$0x2];
	[bflag:$0x3] =	sbarrier.arrive $0xFFFF;
	s2 =	simm.s32 @!p0 $0x1C09  }
0x238: {  	[timem:s3], [sflag:s2] =	dma.local @!p0 [hbm:s0], s1  }
0x239: {  	s0 =	simm.s32 @!p0 $0x9  }
0x23a: {  	_ =	swait.ge @!p0 [sflag:s0], s1  }
0x23b: {  	s1 =	ssub.s32 @!p0 $0x0, s1;
	[sflag:s0] =	ssyncset.done @!p0 $0x0  }
0x23c: {  	[sflag:s0] =	ssyncadd.s32 @!p0 s1  }
0x23d: {  	[bflag:$0x3] =	sbarrier.arrive $0xFFFF  }
0x23e: {  	_ =	shalt  }

</sc_bundles>
